<compile_context>
chip_gen: v7x
topology: tpu7x:2x2x1
jax: 0.10.2.dev20260603
libtpu: 0.0.44.dev20260713+nightly
codegen_flags: <defaults>
</compile_context>

<pallas_src>
import functools
import numpy as np
import jax
import jax.numpy as jnp
from jax import lax
from jax.experimental import pallas as pl
from jax.experimental.pallas import tpu as pltpu, tpu_sc as plsc

BB, SS, DD, EE = 4, 8192, 768, 64
NN = BB * SS
CAP = int(NN * 1.1 / EE)
ZC = 0.001

BLK = 1024
NBLK = NN // BLK
CBLK = 2048
NCBLK = NN // CBLK

_KEY_BASE = 0x3C000000
_KEY_MAX = 0x03800000

NW = 16
TPW = NN // NW
NV = TPW // 16
BK = 64
HW = EE * BK
NPASS = 7

_PASS_TAB = np.zeros((8, 16), np.int32)
for _p, _r in enumerate([
    (26, 15, 20, 63, 0, 15, 0, 6, 63, 0, 0),
    (20, 15, 14, 63, 0, 15, 0, 6, 63, 0, 0),
    (14, 15, 8, 63, 0, 15, 0, 6, 63, 0, 0),
    (8, 15, 2, 63, 0, 15, 0, 6, 63, 0, 0),
    (2, 15, 0, 3, 4, 11, 15, 2, 3, 4, 15),
    (0, 11, 0, 0, 6, 5, 63, 0, 0, 6, 63),
    (0, 5, 0, 0, 5, 0, 31, 0, 0, 5, 31),
]):
    _PASS_TAB[_p, :len(_r)] = _r

_sc_mesh = plsc.VectorSubcoreMesh(core_axis_name="c", subcore_axis_name="s")

_I16 = lambda: lax.iota(jnp.int32, 16)


def _splat(x):
    return jnp.full((16,), x, jnp.int32)


def _sget(ref, flat_idx):
    return jnp.max(plsc.load_gather(ref, [_splat(flat_idx)]))



def _router_body(x_ref, w_ref, probs_ref, pk_ref, psum_ref, zsum_ref):
    i = pl.program_id(0)
    xb = x_ref[...]
    w = w_ref[...]
    logits = lax.dot_general(
        xb, w, (((1,), (1,)), ((), ())),
        preferred_element_type=jnp.float32)
    m = jnp.max(logits, axis=-1, keepdims=True)
    ex = jnp.exp(logits - m)
    s = jnp.sum(ex, axis=-1, keepdims=True)
    p = ex / s
    probs_ref[...] = p

    pmax = 1.0 / s
    lane = lax.broadcasted_iota(jnp.int32, (BLK, EE), 1)
    eid = jnp.min(jnp.where(p == pmax, lane, EE), axis=-1, keepdims=True)
    bits = lax.bitcast_convert_type(pmax, jnp.int32)
    key = jnp.clip(bits - _KEY_BASE, 0, _KEY_MAX)
    pk_ref[...] = (key << 6) | eid

    lse = m + jnp.log(s)
    zpart = jnp.sum(lse * lse)
    ppart = jnp.sum(p, axis=0, keepdims=True)

    @pl.when(i == 0)
    def _init():
        psum_ref[...] = jnp.zeros_like(psum_ref)
        zsum_ref[...] = jnp.zeros_like(zsum_ref)

    psum_ref[...] += jnp.broadcast_to(ppart, psum_ref.shape)
    zsum_ref[...] += jnp.full(zsum_ref.shape, zpart, jnp.float32)



@functools.partial(
    pl.kernel, mesh=_sc_mesh,
    compiler_params=pltpu.CompilerParams(needs_layout_passes=False),
    out_type=[jax.ShapeDtypeStruct((EE, 16), jnp.int32)],
    scratch_types=[
        pltpu.VMEM((TPW,), jnp.int32),
        pltpu.VMEM((HW,), jnp.int32),
        pltpu.VMEM((4 * BK,), jnp.int32),
        pltpu.VMEM((4 * BK,), jnp.int32),
        pltpu.VMEM((EE * 16,), jnp.int32),
        pltpu.VMEM((16,), jnp.int32),
        pltpu.VMEM((128,), jnp.int32),
        pltpu.VMEM_SHARED((NW * HW,), jnp.int32),
        pltpu.VMEM_SHARED((EE * 16,), jnp.int32),
    ],
)
def _sc_select(pk_hbm, tab_hbm, out_hbm, pk_v, hist_v,
               hsum_v, slab_v, state_v, row_v, tab_v, gslab, gstate):
    cid = lax.axis_index("c")
    sid = lax.axis_index("s")

    @pl.when(cid == 0)
    def _():
        w = sid
        base = w * TPW
        pltpu.sync_copy(pk_hbm.at[pl.ds(base, TPW)], pk_v)
        pltpu.sync_copy(tab_hbm, tab_v)
        ones = jnp.ones((16,), jnp.int32)
        zeros = jnp.zeros((16,), jnp.int32)

        def zinit(i, _):
            state_v[pl.ds(i * 16, 16)] = zeros
            return 0
        lax.fori_loop(0, EE, zinit, 0)

        def one_pass(p, _):
            a_sh = _sget(tab_v, p * 16 + 0)
            ra_sh = _sget(tab_v, p * 16 + 1)
            dk_sh = _sget(tab_v, p * 16 + 2)
            dk_mask = _sget(tab_v, p * 16 + 3)
            drb = _sget(tab_v, p * 16 + 4)
            dr_sh = _sget(tab_v, p * 16 + 5)
            dr_mask = _sget(tab_v, p * 16 + 6)
            kb = _sget(tab_v, p * 16 + 7)
            kpm = _sget(tab_v, p * 16 + 8)
            rb = _sget(tab_v, p * 16 + 9)
            rmask = _sget(tab_v, p * 16 + 10)

            def zbody(i, _):
                hist_v[pl.ds(i * 16, 16)] = zeros
                return 0
            lax.fori_loop(0, HW // 16, zbody, 0)

            def tbody(i, _):
                pv = pk_v[pl.ds(i * 16, 16)]
                k = lax.shift_right_logical(pv, 6)
                e = pv & 63
                rev = _splat(NN - 1 - base) - (_I16() + i * 16)
                pk = plsc.load_gather(state_v, [e * 16 + 0])
                pr = plsc.load_gather(state_v, [e * 16 + 1])
                act = ((k >> a_sh) == pk) & ((rev >> ra_sh) == pr)
                dig = (((k >> dk_sh) & dk_mask) << drb) | ((rev >> dr_sh) & dr_mask)
                plsc.addupdate_scatter(hist_v, [e * BK + dig], ones, mask=act)
                return 0
            lax.fori_loop(0, NV, tbody, 0)

            pltpu.sync_copy(hist_v, gslab.at[pl.ds(w * HW, HW)])
            plsc.subcore_barrier()

            myoff = (4 * w) * BK

            def cinit(i, _):
                hsum_v[pl.ds(i * 16, 16)] = zeros
                return 0
            lax.fori_loop(0, 4 * BK // 16, cinit, 0)

            def csrc(src, _):
                pltpu.sync_copy(
                    gslab.at[pl.ds(src * HW + myoff, 4 * BK)], slab_v)
                def cadd(i, _):
                    hsum_v[pl.ds(i * 16, 16)] += slab_v[pl.ds(i * 16, 16)]
                    return 0
                lax.fori_loop(0, 4 * BK // 16, cadd, 0)
                return 0
            lax.fori_loop(0, NW, csrc, 0)

            for j in range(4):
                e = 4 * w + j
                pk0 = _sget(state_v, e * 16 + 0)
                pr0 = _sget(state_v, e * 16 + 1)
                r0g = _sget(state_v, e * 16 + 2)
                ne0 = _sget(state_v, e * 16 + 3)
                r0 = jnp.where(p == 0, jnp.int32(CAP), r0g)

                def scan_v(v, carry):
                    best, above, tot = carry
                    vec = hsum_v[pl.ds(j * BK + (3 - v) * 16, 16)]
                    suf = lax.rev(plsc.cumsum(lax.rev(vec, (0,))), (0,)) + above
                    cand = jnp.max(
                        jnp.where(suf >= r0, _I16() + (3 - v) * 16, -1))
                    vtot = jnp.max(plsc.cumsum(vec))
                    return (jnp.maximum(best, cand), above + vtot, tot + vtot)
                best, _, tot = lax.fori_loop(
                    0, 4, scan_v, (jnp.int32(-1), jnp.int32(0), jnp.int32(0)))

                def gsum(v, acc):
                    vec = hsum_v[pl.ds(j * BK + v * 16, 16)]
                    gv = jnp.where((_I16() + v * 16) > best, vec, 0)
                    return acc + jnp.max(plsc.cumsum(gv))
                g = lax.fori_loop(0, 4, gsum, jnp.int32(0))

                ne = jnp.where(p == 0, tot, ne0)
                r1 = r0 - g
                t = best
                pk1 = (pk0 << kb) | ((t >> drb) & kpm)
                pr1 = (pr0 << rb) | (t & rmask)

                @pl.when(p == NPASS - 1)
                def _():
                    keep_all = ne <= CAP
                    tn = jnp.where(keep_all, jnp.int32(-1), pk1)
                    tr = jnp.where(keep_all, jnp.int32(0), pr1)
                    use = jnp.minimum(ne, CAP)
                    row_v[...] = (jnp.where(_I16() == 0, tn, 0)
                                  + jnp.where(_I16() == 1, tr, 0)
                                  + jnp.where(_I16() == 2, use, 0))
                    pltpu.sync_copy(row_v, out_hbm.at[e])

                @pl.when(p < NPASS - 1)
                def _():
                    row_v[...] = (jnp.where(_I16() == 0, pk1, 0)
                                  + jnp.where(_I16() == 1, pr1, 0)
                                  + jnp.where(_I16() == 2, r1, 0)
                                  + jnp.where(_I16() == 3, ne, 0))
                    pltpu.sync_copy(row_v, gstate.at[pl.ds(e * 16, 16)])

            plsc.subcore_barrier()

            @pl.when(p < NPASS - 1)
            def _():
                pltpu.sync_copy(gstate, state_v)
            plsc.subcore_barrier()
            return 0

        lax.fori_loop(0, NPASS, one_pass, 0)



def _dispatch_body(pk_ref, tho_ref, psum_ref, zsum_ref,
                   out_ref, aux_ref):
    i = pl.program_id(0)
    packed = pk_ref[...]
    eid = packed & 63
    key = lax.shift_right_logical(packed, 6)
    tho = tho_ref[...]
    tn = tho[0:1, 0:EE]
    tr = tho[0:1, EE:2 * EE]
    lane = lax.broadcasted_iota(jnp.int32, (CBLK, EE), 1)
    sub = lax.broadcasted_iota(jnp.int32, (CBLK, 1), 0)
    rev = (NN - 1) - (i * CBLK + sub)
    onehot = eid == lane
    keep = (key > tn) | ((key == tn) & (rev >= tr))
    out_ref[...] = (onehot & keep).astype(jnp.float32)

    @pl.when(i == 0)
    def _aux():
        use = tho[1:2, 0:EE].astype(jnp.float32)
        ps = psum_ref[0:1, :]
        lb = jnp.sum(ps * use)
        z = zsum_ref[0, 0]
        aux = (EE * lb / (NN * NN)) + ZC * (z / NN)
        aux_ref[...] = jnp.full(aux_ref.shape, aux, jnp.float32)



def kernel(x, W):
    x2 = x.reshape(NN, DD)

    probs, packed_col, psum, zsum = pl.pallas_call(
        _router_body,
        grid=(NBLK,),
        in_specs=[
            pl.BlockSpec((BLK, DD), lambda i: (i, 0)),
            pl.BlockSpec((EE, DD), lambda i: (0, 0)),
        ],
        out_specs=[
            pl.BlockSpec((BLK, EE), lambda i: (i, 0)),
            pl.BlockSpec((BLK, 1), lambda i: (i, 0)),
            pl.BlockSpec((8, EE), lambda i: (0, 0)),
            pl.BlockSpec((8, 64), lambda i: (0, 0)),
        ],
        out_shape=[
            jax.ShapeDtypeStruct((NN, EE), jnp.float32),
            jax.ShapeDtypeStruct((NN, 1), jnp.int32),
            jax.ShapeDtypeStruct((8, EE), jnp.float32),
            jax.ShapeDtypeStruct((8, 64), jnp.float32),
        ],
    )(x2, W)

    tab = jnp.asarray(_PASS_TAB.reshape(-1))
    (sel,) = _sc_select(packed_col.reshape(NN), tab)

    tn = sel[:, 0]
    tr = sel[:, 1]
    use = sel[:, 2]
    row0 = jnp.concatenate([tn, tr])[None, :]
    row1 = jnp.concatenate([use, jnp.zeros((EE,), jnp.int32)])[None, :]
    tho = jnp.concatenate(
        [row0, row1, jnp.zeros((6, 128), jnp.int32)], axis=0)

    disp, aux = pl.pallas_call(
        _dispatch_body,
        grid=(NCBLK,),
        in_specs=[
            pl.BlockSpec((CBLK, 1), lambda i: (i, 0)),
            pl.BlockSpec((8, 128), lambda i: (0, 0)),
            pl.BlockSpec((8, EE), lambda i: (0, 0)),
            pl.BlockSpec((8, 64), lambda i: (0, 0)),
        ],
        out_specs=[
            pl.BlockSpec((CBLK, EE), lambda i: (i, 0)),
            pl.BlockSpec((8, 64), lambda i: (0, 0)),
        ],
        out_shape=[
            jax.ShapeDtypeStruct((NN, EE), jnp.float32),
            jax.ShapeDtypeStruct((8, 64), jnp.float32),
        ],
    )(packed_col, tho, psum, zsum)

    dispatch = disp.reshape(BB, SS, EE)
    router_probs = probs.reshape(BB, SS, EE)
    aux_loss = aux[0, 0]
    return (dispatch, dispatch, router_probs, aux_loss)

# --- scband reference (transcript-rebuilt; emitter-appended) ---
"""Pipeline reference for scband-switch-router-35871566856544 (READ-ONLY COPY).

The authoritative reference and input builder live on the scoring server;
editing this copy changes nothing except your own understanding.
"""

import jax, jax.numpy as jnp
import numpy as np

B, S, D, E = 4, 8192, 768, 64
CAP_FACTOR = 1.1
Z_COEF = 0.001


def setup_inputs(seed: int = 0) -> dict:
    key = jax.random.key(seed)
    kx, kw = jax.random.split(key)
    x = jax.random.normal(kx, (B, S, D), dtype=jnp.float32)
    # router weight (torch inits zeros; use small random for meaningful routing)
    W = jax.random.normal(kw, (E, D), dtype=jnp.float32) * 0.02
    return {"x": x, "W": W}


def reference(x, W):
    Bb, Ss, Dd = x.shape
    Ee = W.shape[0]
    N = Bb * Ss
    capacity = int(N * CAP_FACTOR / Ee)

    router_logits = jnp.einsum('bsd,ed->bse', x, W)
    z_loss = Z_COEF * jnp.mean(jnp.square(jax.scipy.special.logsumexp(router_logits, axis=-1)))
    router_probs = jax.nn.softmax(router_logits, axis=-1)
    expert_index = jnp.argmax(router_probs, axis=-1)  # [B, S]

    # Deterministic capacity enforcement (eval-path semantics of the torch code):
    # within each expert, keep the `capacity` tokens with highest router prob.
    ei_flat = expert_index.reshape(-1)
    probs_flat = router_probs.reshape(N, Ee)
    onehot = ei_flat[:, None] == jnp.arange(Ee)[None, :]  # [N, E] bool
    scores = jnp.where(onehot, probs_flat, -1.0)
    # rank of each token within each expert column (0 = highest prob)
    ranks = jnp.argsort(jnp.argsort(-scores, axis=0), axis=0)
    keep = onehot & (ranks < capacity)

    dispatch_tensor = keep.astype(jnp.float32).reshape(Bb, Ss, Ee)
    combine_tensor = dispatch_tensor

    router_prob_per_expert = router_probs.sum(axis=(0, 1)) / N
    expert_usage = dispatch_tensor.sum(axis=(0, 1)) / N
    load_balancing_loss = (router_prob_per_expert * expert_usage).sum() * Ee
    aux_loss = load_balancing_loss + z_loss
    return (dispatch_tensor, combine_tensor, router_probs, aux_loss)

if __name__ == "__main__":
    import jax
    _d = setup_inputs()
    print(jax.jit(kernel)(*tuple(_d.values())))

</pallas_src>

<mosaic_0001>
#map = affine_map<(d0, d1) -> (0)>
#map1 = affine_map<(d0, d1) -> (0, 0)>
module attributes {stable_mosaic.version = 14 : i64} {
  func.func @_sc_select(%arg0: i32, %arg1: i32, %arg2: memref<32768xi32, #tpu.memory_space<hbm>>, %arg3: memref<128xi32, #tpu.memory_space<hbm>>, %arg4: memref<64x16xi32, #tpu.memory_space<hbm>>, %arg5: memref<2048xi32, #tpu.memory_space<vmem>>, %arg6: memref<4096xi32, #tpu.memory_space<vmem>>, %arg7: memref<256xi32, #tpu.memory_space<vmem>>, %arg8: memref<256xi32, #tpu.memory_space<vmem>>, %arg9: memref<1024xi32, #tpu.memory_space<vmem>>, %arg10: memref<16xi32, #tpu.memory_space<vmem>>, %arg11: memref<128xi32, #tpu.memory_space<vmem>>, %arg12: memref<65536xi32, #tpu.memory_space<vmem_shared>>, %arg13: memref<1024xi32, #tpu.memory_space<vmem_shared>>) attributes {dimension_semantics = [#tpu.dimension_semantics<core_parallel>, #tpu.dimension_semantics<subcore_parallel>], iteration_bounds = array<i64: 2, 16>, scalar_prefetch = 0 : i64, scratch_operands = 9 : i64, tpu.core_type = #tpu.core_type<sc_vector_subcore>, window_params = [{transform_indices = #map}, {transform_indices = #map}, {transform_indices = #map1}]} {
    %eq3A = arith.constant 0 : i32
    %eq3A_0 = arith.cmpi eq, %arg0, %eq3A : i32
    %convert_element_type3A = arith.extui %eq3A_0 : i1 to i32
    %cond3A = arith.constant 0 : i32
    %cond3A_1 = arith.cmpi ne, %convert_element_type3A, %cond3A : i32
    scf.if %cond3A_1 {
      %mul3A = arith.constant 2048 : i32
      %mul3A_2 = arith.muli %arg1, %mul3A : i32
      "tpu.region"() ({
        %run_scoped3A = tpu.sem_alloc : memref<!tpu.dma_semaphore, #tpu.memory_space<semaphore_mem>>
        %dma_start3A = tpu.memref_slice %arg2[%mul3A_2] : memref<32768xi32, #tpu.memory_space<hbm>> -> memref<2048xi32, #tpu.memory_space<hbm>>
        %dma_start3A_19 = tpu.memref_slice %arg2[%mul3A_2] : memref<32768xi32, #tpu.memory_space<hbm>> -> memref<2048xi32, #tpu.memory_space<hbm>>
        tpu.enqueue_dma source(%dma_start3A_19 : memref<2048xi32, #tpu.memory_space<hbm>>) target(%arg5 : memref<2048xi32, #tpu.memory_space<vmem>>) target_semaphore(%run_scoped3A : memref<!tpu.dma_semaphore, #tpu.memory_space<semaphore_mem>>)
        %dma_wait3A = tpu.memref_slice %arg2[%mul3A_2] : memref<32768xi32, #tpu.memory_space<hbm>> -> memref<2048xi32, #tpu.memory_space<hbm>>
        %dma_wait3A_20 = tpu.memref_slice %arg2[%mul3A_2] : memref<32768xi32, #tpu.memory_space<hbm>> -> memref<2048xi32, #tpu.memory_space<hbm>>
        tpu.wait_dma2 semaphore(%run_scoped3A : memref<!tpu.dma_semaphore, #tpu.memory_space<semaphore_mem>>) src(%dma_wait3A_20 : memref<2048xi32, #tpu.memory_space<hbm>>) dst(%arg5 : memref<2048xi32, #tpu.memory_space<vmem>>)
        tpu.yield
      }) : () -> ()
      "tpu.region"() ({
        %run_scoped3A = tpu.sem_alloc : memref<!tpu.dma_semaphore, #tpu.memory_space<semaphore_mem>>
        tpu.enqueue_dma source(%arg3 : memref<128xi32, #tpu.memory_space<hbm>>) target(%arg11 : memref<128xi32, #tpu.memory_space<vmem>>) target_semaphore(%run_scoped3A : memref<!tpu.dma_semaphore, #tpu.memory_space<semaphore_mem>>)
        tpu.wait_dma2 semaphore(%run_scoped3A : memref<!tpu.dma_semaphore, #tpu.memory_space<semaphore_mem>>) src(%arg3 : memref<128xi32, #tpu.memory_space<hbm>>) dst(%arg11 : memref<128xi32, #tpu.memory_space<vmem>>)
        tpu.yield
      }) : () -> ()
      %broadcast_in_dim3A = arith.constant 1 : i32
      %broadcast_in_dim3A_3 = vector.broadcast %broadcast_in_dim3A : i32 to vector<16xi32>
      %broadcast_in_dim3A_4 = arith.constant 0 : i32
      %broadcast_in_dim3A_5 = vector.broadcast %broadcast_in_dim3A_4 : i32 to vector<16xi32>
      %scan3A = arith.constant 0 : i32
      %scan3A_6 = arith.constant 0 : i32
      %scan3A_7 = arith.constant 64 : i32
      %scan3A_8 = arith.addi %scan3A_6, %scan3A_7 : i32
      %scan3A_9 = arith.constant 1 : i32
      %scan3A_10 = scf.for %scan3A_19 = %scan3A_6 to %scan3A_8 step %scan3A_9 iter_args(%scan3A_20 = %scan3A) -> (i32)  : i32 {
        %mul3A_21 = arith.constant 16 : i32
        %mul3A_22 = arith.muli %scan3A_19, %mul3A_21 : i32
        %swap3A = arith.index_cast %mul3A_22 : i32 to index
        %swap3A_23 = tpu.vector_load %arg9[%swap3A] {strides = array<i32>} : memref<1024xi32, #tpu.memory_space<vmem>>, vector<16xi32>,
        tpu.vector_store %arg9[%swap3A], %broadcast_in_dim3A_5 {strides = array<i32>} : memref<1024xi32, #tpu.memory_space<vmem>>, vector<16xi32>,
        %scan3A_24 = arith.constant 0 : i32
        scf.yield %scan3A_24 : i32
      }
      %scan3A_11 = arith.constant 64 : i32
      %scan3A_12 = arith.constant 0 : i32
      %scan3A_13 = arith.constant 0 : i32
      %scan3A_14 = arith.constant 7 : i32
      %scan3A_15 = arith.addi %scan3A_13, %scan3A_14 : i32
      %scan3A_16 = arith.constant 1 : i32
      %scan3A_17 = scf.for %scan3A_19 = %scan3A_13 to %scan3A_15 step %scan3A_16 iter_args(%scan3A_20 = %scan3A_12) -> (i32)  : i32 {
        %mul3A_21 = arith.constant 16 : i32
        %mul3A_22 = arith.muli %scan3A_19, %mul3A_21 : i32
        %add3A = arith.constant 0 : i32
        %add3A_23 = arith.addi %mul3A_22, %add3A : i32
        %broadcast_in_dim3A_24 = vector.broadcast %add3A_23 : i32 to vector<16xi32>
        %gather3A = tpu.vector_load_idx %arg11[%broadcast_in_dim3A_24] : memref<128xi32, #tpu.memory_space<vmem>>[vector<16xi32>], vector<16xi32>,
        %reduce_max3A = arith.constant true
        %reduce_max3A_25 = vector.broadcast %reduce_max3A : i1 to vector<16xi1>
        %reduce_max3A_26 = arith.constant -2147483648 : i32
        %reduce_max3A_27 = vector.broadcast %reduce_max3A_26 : i32 to vector<16xi32>
        %reduce_max3A_28 = arith.xori %gather3A, %reduce_max3A_27 : vector<16xi32>
        %reduce_max3A_29 = tpu.scan <max>, %reduce_max3A_28 masked %reduce_max3A_25 : vector<16xi32>, vector<16xi1> -> vector<16xi32>
        %reduce_max3A_30 = arith.xori %reduce_max3A_29, %reduce_max3A_27 : vector<16xi32>
        %reduce_max3A_31 = vector.extract %reduce_max3A_30[15] : i32 from vector<16xi32>
        %mul3A_32 = arith.constant 16 : i32
        %mul3A_33 = arith.muli %scan3A_19, %mul3A_32 : i32
        %add3A_34 = arith.constant 1 : i32
        %add3A_35 = arith.addi %mul3A_33, %add3A_34 : i32
        %broadcast_in_dim3A_36 = vector.broadcast %add3A_35 : i32 to vector<16xi32>
        %gather3A_37 = tpu.vector_load_idx %arg11[%broadcast_in_dim3A_36] : memref<128xi32, #tpu.memory_space<vmem>>[vector<16xi32>], vector<16xi32>,
        %reduce_max3A_38 = arith.constant true
        %reduce_max3A_39 = vector.broadcast %reduce_max3A_38 : i1 to vector<16xi1>
        %reduce_max3A_40 = arith.constant -2147483648 : i32
        %reduce_max3A_41 = vector.broadcast %reduce_max3A_40 : i32 to vector<16xi32>
        %reduce_max3A_42 = arith.xori %gather3A_37, %reduce_max3A_41 : vector<16xi32>
        %reduce_max3A_43 = tpu.scan <max>, %reduce_max3A_42 masked %reduce_max3A_39 : vector<16xi32>, vector<16xi1> -> vector<16xi32>
        %reduce_max3A_44 = arith.xori %reduce_max3A_43, %reduce_max3A_41 : vector<16xi32>
        %reduce_max3A_45 = vector.extract %reduce_max3A_44[15] : i32 from vector<16xi32>
        %mul3A_46 = arith.constant 16 : i32
        %mul3A_47 = arith.muli %scan3A_19, %mul3A_46 : i32
        %add3A_48 = arith.constant 2 : i32
        %add3A_49 = arith.addi %mul3A_47, %add3A_48 : i32
        %broadcast_in_dim3A_50 = vector.broadcast %add3A_49 : i32 to vector<16xi32>
        %gather3A_51 = tpu.vector_load_idx %arg11[%broadcast_in_dim3A_50] : memref<128xi32, #tpu.memory_space<vmem>>[vector<16xi32>], vector<16xi32>,
        %reduce_max3A_52 = arith.constant true
        %reduce_max3A_53 = vector.broadcast %reduce_max3A_52 : i1 to vector<16xi1>
        %reduce_max3A_54 = arith.constant -2147483648 : i32
        %reduce_max3A_55 = vector.broadcast %reduce_max3A_54 : i32 to vector<16xi32>
        %reduce_max3A_56 = arith.xori %gather3A_51, %reduce_max3A_55 : vector<16xi32>
        %reduce_max3A_57 = tpu.scan <max>, %reduce_max3A_56 masked %reduce_max3A_53 : vector<16xi32>, vector<16xi1> -> vector<16xi32>
        %reduce_max3A_58 = arith.xori %reduce_max3A_57, %reduce_max3A_55 : vector<16xi32>
        %reduce_max3A_59 = vector.extract %reduce_max3A_58[15] : i32 from vector<16xi32>
        %mul3A_60 = arith.constant 16 : i32
        %mul3A_61 = arith.muli %scan3A_19, %mul3A_60 : i32
        %add3A_62 = arith.constant 3 : i32
        %add3A_63 = arith.addi %mul3A_61, %add3A_62 : i32
        %broadcast_in_dim3A_64 = vector.broadcast %add3A_63 : i32 to vector<16xi32>
        %gather3A_65 = tpu.vector_load_idx %arg11[%broadcast_in_dim3A_64] : memref<128xi32, #tpu.memory_space<vmem>>[vector<16xi32>], vector<16xi32>,
        %reduce_max3A_66 = arith.constant true
        %reduce_max3A_67 = vector.broadcast %reduce_max3A_66 : i1 to vector<16xi1>
        %reduce_max3A_68 = arith.constant -2147483648 : i32
        %reduce_max3A_69 = vector.broadcast %reduce_max3A_68 : i32 to vector<16xi32>
        %reduce_max3A_70 = arith.xori %gather3A_65, %reduce_max3A_69 : vector<16xi32>
        %reduce_max3A_71 = tpu.scan <max>, %reduce_max3A_70 masked %reduce_max3A_67 : vector<16xi32>, vector<16xi1> -> vector<16xi32>
        %reduce_max3A_72 = arith.xori %reduce_max3A_71, %reduce_max3A_69 : vector<16xi32>
        %reduce_max3A_73 = vector.extract %reduce_max3A_72[15] : i32 from vector<16xi32>
        %mul3A_74 = arith.constant 16 : i32
        %mul3A_75 = arith.muli %scan3A_19, %mul3A_74 : i32
        %add3A_76 = arith.constant 4 : i32
        %add3A_77 = arith.addi %mul3A_75, %add3A_76 : i32
        %broadcast_in_dim3A_78 = vector.broadcast %add3A_77 : i32 to vector<16xi32>
        %gather3A_79 = tpu.vector_load_idx %arg11[%broadcast_in_dim3A_78] : memref<128xi32, #tpu.memory_space<vmem>>[vector<16xi32>], vector<16xi32>,
        %reduce_max3A_80 = arith.constant true
        %reduce_max3A_81 = vector.broadcast %reduce_max3A_80 : i1 to vector<16xi1>
        %reduce_max3A_82 = arith.constant -2147483648 : i32
        %reduce_max3A_83 = vector.broadcast %reduce_max3A_82 : i32 to vector<16xi32>
        %reduce_max3A_84 = arith.xori %gather3A_79, %reduce_max3A_83 : vector<16xi32>
        %reduce_max3A_85 = tpu.scan <max>, %reduce_max3A_84 masked %reduce_max3A_81 : vector<16xi32>, vector<16xi1> -> vector<16xi32>
        %reduce_max3A_86 = arith.xori %reduce_max3A_85, %reduce_max3A_83 : vector<16xi32>
        %reduce_max3A_87 = vector.extract %reduce_max3A_86[15] : i32 from vector<16xi32>
        %mul3A_88 = arith.constant 16 : i32
        %mul3A_89 = arith.muli %scan3A_19, %mul3A_88 : i32
        %add3A_90 = arith.constant 5 : i32
        %add3A_91 = arith.addi %mul3A_89, %add3A_90 : i32
        %broadcast_in_dim3A_92 = vector.broadcast %add3A_91 : i32 to vector<16xi32>
        %gather3A_93 = tpu.vector_load_idx %arg11[%broadcast_in_dim3A_92] : memref<128xi32, #tpu.memory_space<vmem>>[vector<16xi32>], vector<16xi32>,
        %reduce_max3A_94 = arith.constant true
        %reduce_max3A_95 = vector.broadcast %reduce_max3A_94 : i1 to vector<16xi1>
        %reduce_max3A_96 = arith.constant -2147483648 : i32
        %reduce_max3A_97 = vector.broadcast %reduce_max3A_96 : i32 to vector<16xi32>
        %reduce_max3A_98 = arith.xori %gather3A_93, %reduce_max3A_97 : vector<16xi32>
        %reduce_max3A_99 = tpu.scan <max>, %reduce_max3A_98 masked %reduce_max3A_95 : vector<16xi32>, vector<16xi1> -> vector<16xi32>
        %reduce_max3A_100 = arith.xori %reduce_max3A_99, %reduce_max3A_97 : vector<16xi32>
        %reduce_max3A_101 = vector.extract %reduce_max3A_100[15] : i32 from vector<16xi32>
        %mul3A_102 = arith.constant 16 : i32
        %mul3A_103 = arith.muli %scan3A_19, %mul3A_102 : i32
        %add3A_104 = arith.constant 6 : i32
        %add3A_105 = arith.addi %mul3A_103, %add3A_104 : i32
        %broadcast_in_dim3A_106 = vector.broadcast %add3A_105 : i32 to vector<16xi32>
        %gather3A_107 = tpu.vector_load_idx %arg11[%broadcast_in_dim3A_106] : memref<128xi32, #tpu.memory_space<vmem>>[vector<16xi32>], vector<16xi32>,
        %reduce_max3A_108 = arith.constant true
        %reduce_max3A_109 = vector.broadcast %reduce_max3A_108 : i1 to vector<16xi1>
        %reduce_max3A_110 = arith.constant -2147483648 : i32
        %reduce_max3A_111 = vector.broadcast %reduce_max3A_110 : i32 to vector<16xi32>
        %reduce_max3A_112 = arith.xori %gather3A_107, %reduce_max3A_111 : vector<16xi32>
        %reduce_max3A_113 = tpu.scan <max>, %reduce_max3A_112 masked %reduce_max3A_109 : vector<16xi32>, vector<16xi1> -> vector<16xi32>
        %reduce_max3A_114 = arith.xori %reduce_max3A_113, %reduce_max3A_111 : vector<16xi32>
        %reduce_max3A_115 = vector.extract %reduce_max3A_114[15] : i32 from vector<16xi32>
        %mul3A_116 = arith.constant 16 : i32
        %mul3A_117 = arith.muli %scan3A_19, %mul3A_116 : i32
        %add3A_118 = arith.constant 7 : i32
        %add3A_119 = arith.addi %mul3A_117, %add3A_118 : i32
        %broadcast_in_dim3A_120 = vector.broadcast %add3A_119 : i32 to vector<16xi32>
        %gather3A_121 = tpu.vector_load_idx %arg11[%broadcast_in_dim3A_120] : memref<128xi32, #tpu.memory_space<vmem>>[vector<16xi32>], vector<16xi32>,
        %reduce_max3A_122 = arith.constant true
        %reduce_max3A_123 = vector.broadcast %reduce_max3A_122 : i1 to vector<16xi1>
        %reduce_max3A_124 = arith.constant -2147483648 : i32
        %reduce_max3A_125 = vector.broadcast %reduce_max3A_124 : i32 to vector<16xi32>
        %reduce_max3A_126 = arith.xori %gather3A_121, %reduce_max3A_125 : vector<16xi32>
        %reduce_max3A_127 = tpu.scan <max>, %reduce_max3A_126 masked %reduce_max3A_123 : vector<16xi32>, vector<16xi1> -> vector<16xi32>
        %reduce_max3A_128 = arith.xori %reduce_max3A_127, %reduce_max3A_125 : vector<16xi32>
        %reduce_max3A_129 = vector.extract %reduce_max3A_128[15] : i32 from vector<16xi32>
        %mul3A_130 = arith.constant 16 : i32
        %mul3A_131 = arith.muli %scan3A_19, %mul3A_130 : i32
        %add3A_132 = arith.constant 8 : i32
        %add3A_133 = arith.addi %mul3A_131, %add3A_132 : i32
        %broadcast_in_dim3A_134 = vector.broadcast %add3A_133 : i32 to vector<16xi32>
        %gather3A_135 = tpu.vector_load_idx %arg11[%broadcast_in_dim3A_134] : memref<128xi32, #tpu.memory_space<vmem>>[vector<16xi32>], vector<16xi32>,
        %reduce_max3A_136 = arith.constant true
        %reduce_max3A_137 = vector.broadcast %reduce_max3A_136 : i1 to vector<16xi1>
        %reduce_max3A_138 = arith.constant -2147483648 : i32
        %reduce_max3A_139 = vector.broadcast %reduce_max3A_138 : i32 to vector<16xi32>
        %reduce_max3A_140 = arith.xori %gather3A_135, %reduce_max3A_139 : vector<16xi32>
        %reduce_max3A_141 = tpu.scan <max>, %reduce_max3A_140 masked %reduce_max3A_137 : vector<16xi32>, vector<16xi1> -> vector<16xi32>
        %reduce_max3A_142 = arith.xori %reduce_max3A_141, %reduce_max3A_139 : vector<16xi32>
        %reduce_max3A_143 = vector.extract %reduce_max3A_142[15] : i32 from vector<16xi32>
        %mul3A_144 = arith.constant 16 : i32
        %mul3A_145 = arith.muli %scan3A_19, %mul3A_144 : i32
        %add3A_146 = arith.constant 9 : i32
        %add3A_147 = arith.addi %mul3A_145, %add3A_146 : i32
        %broadcast_in_dim3A_148 = vector.broadcast %add3A_147 : i32 to vector<16xi32>
        %gather3A_149 = tpu.vector_load_idx %arg11[%broadcast_in_dim3A_148] : memref<128xi32, #tpu.memory_space<vmem>>[vector<16xi32>], vector<16xi32>,
        %reduce_max3A_150 = arith.constant true
        %reduce_max3A_151 = vector.broadcast %reduce_max3A_150 : i1 to vector<16xi1>
        %reduce_max3A_152 = arith.constant -2147483648 : i32
        %reduce_max3A_153 = vector.broadcast %reduce_max3A_152 : i32 to vector<16xi32>
        %reduce_max3A_154 = arith.xori %gather3A_149, %reduce_max3A_153 : vector<16xi32>
        %reduce_max3A_155 = tpu.scan <max>, %reduce_max3A_154 masked %reduce_max3A_151 : vector<16xi32>, vector<16xi1> -> vector<16xi32>
        %reduce_max3A_156 = arith.xori %reduce_max3A_155, %reduce_max3A_153 : vector<16xi32>
        %reduce_max3A_157 = vector.extract %reduce_max3A_156[15] : i32 from vector<16xi32>
        %mul3A_158 = arith.constant 16 : i32
        %mul3A_159 = arith.muli %scan3A_19, %mul3A_158 : i32
        %add3A_160 = arith.constant 10 : i32
        %add3A_161 = arith.addi %mul3A_159, %add3A_160 : i32
        %broadcast_in_dim3A_162 = vector.broadcast %add3A_161 : i32 to vector<16xi32>
        %gather3A_163 = tpu.vector_load_idx %arg11[%broadcast_in_dim3A_162] : memref<128xi32, #tpu.memory_space<vmem>>[vector<16xi32>], vector<16xi32>,
        %reduce_max3A_164 = arith.constant true
        %reduce_max3A_165 = vector.broadcast %reduce_max3A_164 : i1 to vector<16xi1>
        %reduce_max3A_166 = arith.constant -2147483648 : i32
        %reduce_max3A_167 = vector.broadcast %reduce_max3A_166 : i32 to vector<16xi32>
        %reduce_max3A_168 = arith.xori %gather3A_163, %reduce_max3A_167 : vector<16xi32>
        %reduce_max3A_169 = tpu.scan <max>, %reduce_max3A_168 masked %reduce_max3A_165 : vector<16xi32>, vector<16xi1> -> vector<16xi32>
        %reduce_max3A_170 = arith.xori %reduce_max3A_169, %reduce_max3A_167 : vector<16xi32>
        %reduce_max3A_171 = vector.extract %reduce_max3A_170[15] : i32 from vector<16xi32>
        %scan3A_172 = arith.constant 0 : i32
        %scan3A_173 = arith.constant 0 : i32
        %scan3A_174 = arith.constant 256 : i32
        %scan3A_175 = arith.addi %scan3A_173, %scan3A_174 : i32
        %scan3A_176 = arith.constant 1 : i32
        %scan3A_177 = scf.for %scan3A_610 = %scan3A_173 to %scan3A_175 step %scan3A_176 iter_args(%scan3A_611 = %scan3A_172) -> (i32)  : i32 {
          %mul3A_612 = arith.constant 16 : i32
          %mul3A_613 = arith.muli %scan3A_610, %mul3A_612 : i32
          %swap3A = arith.index_cast %mul3A_613 : i32 to index
          %swap3A_614 = tpu.vector_load %arg6[%swap3A] {strides = array<i32>} : memref<4096xi32, #tpu.memory_space<vmem>>, vector<16xi32>,
          tpu.vector_store %arg6[%swap3A], %broadcast_in_dim3A_5 {strides = array<i32>} : memref<4096xi32, #tpu.memory_space<vmem>>, vector<16xi32>,
          %scan3A_615 = arith.constant 0 : i32
          scf.yield %scan3A_615 : i32
        }
        %scan3A_178 = arith.constant 256 : i32
        %scan3A_179 = arith.constant 0 : i32
        %scan3A_180 = arith.constant 0 : i32
        %scan3A_181 = arith.constant 128 : i32
        %scan3A_182 = arith.addi %scan3A_180, %scan3A_181 : i32
        %scan3A_183 = arith.constant 1 : i32
        %scan3A_184 = scf.for %scan3A_610 = %scan3A_180 to %scan3A_182 step %scan3A_183 iter_args(%scan3A_611 = %scan3A_179) -> (i32)  : i32 {
          %mul3A_612 = arith.constant 16 : i32
          %mul3A_613 = arith.muli %scan3A_610, %mul3A_612 : i32
          %get3A = arith.index_cast %mul3A_613 : i32 to index
          %get3A_614 = tpu.vector_load %arg5[%get3A] {strides = array<i32>} : memref<2048xi32, #tpu.memory_space<vmem>>, vector<16xi32>,
          %shift_right_logical3A = arith.constant 6 : i32
          %shift_right_logical3A_615 = vector.broadcast %shift_right_logical3A : i32 to vector<16xi32>
          %shift_right_logical3A_616 = arith.shrui %get3A_614, %shift_right_logical3A_615 : vector<16xi32>
          %and3A_617 = arith.constant 63 : i32
          %and3A_618 = vector.broadcast %and3A_617 : i32 to vector<16xi32>
          %and3A_619 = arith.andi %get3A_614, %and3A_618 : vector<16xi32>
          %sub3A_620 = arith.constant 32767 : i32
          %sub3A_621 = arith.subi %sub3A_620, %mul3A_2 : i32
          %broadcast_in_dim3A_622 = vector.broadcast %sub3A_621 : i32 to vector<16xi32>
          %iota3A = tpu.iota {dimensions = array<i32: 0>} : vector<16xi32>
          %mul3A_623 = arith.constant 16 : i32
          %mul3A_624 = arith.muli %scan3A_610, %mul3A_623 : i32
          %add3A_625 = vector.broadcast %mul3A_624 : i32 to vector<16xi32>
          %add3A_626 = arith.addi %iota3A, %add3A_625 : vector<16xi32>
          %sub3A_627 = arith.subi %broadcast_in_dim3A_622, %add3A_626 : vector<16xi32>
          %mul3A_628 = arith.constant 16 : i32
          %mul3A_629 = vector.broadcast %mul3A_628 : i32 to vector<16xi32>
          %mul3A_630 = arith.muli %and3A_619, %mul3A_629 : vector<16xi32>
          %add3A_631 = arith.constant 0 : i32
          %add3A_632 = vector.broadcast %add3A_631 : i32 to vector<16xi32>
          %add3A_633 = arith.addi %mul3A_630, %add3A_632 : vector<16xi32>
          %gather3A_634 = tpu.vector_load_idx %arg9[%add3A_633] : memref<1024xi32, #tpu.memory_space<vmem>>[vector<16xi32>], vector<16xi32>,
          %mul3A_635 = arith.constant 16 : i32
          %mul3A_636 = vector.broadcast %mul3A_635 : i32 to vector<16xi32>
          %mul3A_637 = arith.muli %and3A_619, %mul3A_636 : vector<16xi32>
          %add3A_638 = arith.constant 1 : i32
          %add3A_639 = vector.broadcast %add3A_638 : i32 to vector<16xi32>
          %add3A_640 = arith.addi %mul3A_637, %add3A_639 : vector<16xi32>
          %gather3A_641 = tpu.vector_load_idx %arg9[%add3A_640] : memref<1024xi32, #tpu.memory_space<vmem>>[vector<16xi32>], vector<16xi32>,
          %shift_right_arithmetic3A_642 = vector.broadcast %reduce_max3A_31 : i32 to vector<16xi32>
          %shift_right_arithmetic3A_643 = arith.shrsi %shift_right_logical3A_616, %shift_right_arithmetic3A_642 : vector<16xi32>
          %eq3A_644 = arith.cmpi eq, %shift_right_arithmetic3A_643, %gather3A_634 : vector<16xi32>
          %shift_right_arithmetic3A_645 = vector.broadcast %reduce_max3A_45 : i32 to vector<16xi32>
          %shift_right_arithmetic3A_646 = arith.shrsi %sub3A_627, %shift_right_arithmetic3A_645 : vector<16xi32>
          %eq3A_647 = arith.cmpi eq, %shift_right_arithmetic3A_646, %gather3A_641 : vector<16xi32>
          %and3A_648 = arith.andi %eq3A_644, %eq3A_647 : vector<16xi1>
          %shift_right_arithmetic3A_649 = vector.broadcast %reduce_max3A_59 : i32 to vector<16xi32>
          %shift_right_arithmetic3A_650 = arith.shrsi %shift_right_logical3A_616, %shift_right_arithmetic3A_649 : vector<16xi32>
          %and3A_651 = vector.broadcast %reduce_max3A_73 : i32 to vector<16xi32>
          %and3A_652 = arith.andi %shift_right_arithmetic3A_650, %and3A_651 : vector<16xi32>
          %shift_left3A_653 = vector.broadcast %reduce_max3A_87 : i32 to vector<16xi32>
          %shift_left3A_654 = arith.shli %and3A_652, %shift_left3A_653 : vector<16xi32>
          %shift_right_arithmetic3A_655 = vector.broadcast %reduce_max3A_101 : i32 to vector<16xi32>
          %shift_right_arithmetic3A_656 = arith.shrsi %sub3A_627, %shift_right_arithmetic3A_655 : vector<16xi32>
          %and3A_657 = vector.broadcast %reduce_max3A_115 : i32 to vector<16xi32>
          %and3A_658 = arith.andi %shift_right_arithmetic3A_656, %and3A_657 : vector<16xi32>
          %or3A_659 = arith.ori %shift_left3A_654, %and3A_658 : vector<16xi32>
          %mul3A_660 = arith.constant 64 : i32
          %mul3A_661 = vector.broadcast %mul3A_660 : i32 to vector<16xi32>
          %mul3A_662 = arith.muli %and3A_619, %mul3A_661 : vector<16xi32>
          %add3A_663 = arith.addi %mul3A_662, %or3A_659 : vector<16xi32>
          tpu.vector_store_idx %arg6[%add3A_663], %broadcast_in_dim3A_3 masked %and3A_648 {add = true} : memref<4096xi32, #tpu.memory_space<vmem>>[vector<16xi32>], vector<16xi32>, vector<16xi1>
          %scan3A_664 = arith.constant 0 : i32
          scf.yield %scan3A_664 : i32
        }
        %scan3A_185 = arith.constant 128 : i32
        %mul3A_186 = arith.constant 4096 : i32
        %mul3A_187 = arith.muli %arg1, %mul3A_186 : i32
        "tpu.region"() ({
          %run_scoped3A = tpu.sem_alloc : memref<!tpu.dma_semaphore, #tpu.memory_space<semaphore_mem>>
          %dma_start3A = tpu.memref_slice %arg12[%mul3A_187] : memref<65536xi32, #tpu.memory_space<vmem_shared>> -> memref<4096xi32, #tpu.memory_space<vmem_shared>>
          %dma_start3A_610 = tpu.memref_slice %arg12[%mul3A_187] : memref<65536xi32, #tpu.memory_space<vmem_shared>> -> memref<4096xi32, #tpu.memory_space<vmem_shared>>
          tpu.enqueue_dma source(%arg6 : memref<4096xi32, #tpu.memory_space<vmem>>) target(%dma_start3A_610 : memref<4096xi32, #tpu.memory_space<vmem_shared>>) target_semaphore(%run_scoped3A : memref<!tpu.dma_semaphore, #tpu.memory_space<semaphore_mem>>)
          %dma_wait3A = tpu.memref_slice %arg12[%mul3A_187] : memref<65536xi32, #tpu.memory_space<vmem_shared>> -> memref<4096xi32, #tpu.memory_space<vmem_shared>>
          %dma_wait3A_611 = tpu.memref_slice %arg12[%mul3A_187] : memref<65536xi32, #tpu.memory_space<vmem_shared>> -> memref<4096xi32, #tpu.memory_space<vmem_shared>>
          tpu.wait_dma2 semaphore(%run_scoped3A : memref<!tpu.dma_semaphore, #tpu.memory_space<semaphore_mem>>) src(%arg6 : memref<4096xi32, #tpu.memory_space<vmem>>) dst(%dma_wait3A_611 : memref<4096xi32, #tpu.memory_space<vmem_shared>>)
          tpu.yield
        }) : () -> ()
        %barrier3A = arith.constant 0 : index
        tpu.barrier barrier_id(%barrier3A)
        %mul3A_188 = arith.constant 4 : i32
        %mul3A_189 = arith.muli %mul3A_188, %arg1 : i32
        %mul3A_190 = arith.constant 64 : i32
        %mul3A_191 = arith.muli %mul3A_189, %mul3A_190 : i32
        %scan3A_192 = arith.constant 0 : i32
        %scan3A_193 = arith.constant 0 : i32
        %scan3A_194 = arith.constant 16 : i32
        %scan3A_195 = arith.addi %scan3A_193, %scan3A_194 : i32
        %scan3A_196 = arith.constant 1 : i32
        %scan3A_197 = scf.for %scan3A_610 = %scan3A_193 to %scan3A_195 step %scan3A_196 iter_args(%scan3A_611 = %scan3A_192) -> (i32)  : i32 {
          %mul3A_612 = arith.constant 16 : i32
          %mul3A_613 = arith.muli %scan3A_610, %mul3A_612 : i32
          %swap3A = arith.index_cast %mul3A_613 : i32 to index
          %swap3A_614 = tpu.vector_load %arg7[%swap3A] {strides = array<i32>} : memref<256xi32, #tpu.memory_space<vmem>>, vector<16xi32>,
          tpu.vector_store %arg7[%swap3A], %broadcast_in_dim3A_5 {strides = array<i32>} : memref<256xi32, #tpu.memory_space<vmem>>, vector<16xi32>,
          %scan3A_615 = arith.constant 0 : i32
          scf.yield %scan3A_615 : i32
        }
        %scan3A_198 = arith.constant 16 : i32
        %scan3A_199 = arith.constant 0 : i32
        %scan3A_200 = arith.constant 0 : i32
        %scan3A_201 = arith.constant 16 : i32
        %scan3A_202 = arith.addi %scan3A_200, %scan3A_201 : i32
        %scan3A_203 = arith.constant 1 : i32
        %scan3A_204 = scf.for %scan3A_610 = %scan3A_200 to %scan3A_202 step %scan3A_203 iter_args(%scan3A_611 = %scan3A_199) -> (i32)  : i32 {
          %mul3A_612 = arith.constant 4096 : i32
          %mul3A_613 = arith.muli %scan3A_610, %mul3A_612 : i32
          %add3A_614 = arith.addi %mul3A_613, %mul3A_191 : i32
          "tpu.region"() ({
            %run_scoped3A = tpu.sem_alloc : memref<!tpu.dma_semaphore, #tpu.memory_space<semaphore_mem>>
            %dma_start3A = tpu.memref_slice %arg12[%add3A_614] : memref<65536xi32, #tpu.memory_space<vmem_shared>> -> memref<256xi32, #tpu.memory_space<vmem_shared>>
            %dma_start3A_623 = tpu.memref_slice %arg12[%add3A_614] : memref<65536xi32, #tpu.memory_space<vmem_shared>> -> memref<256xi32, #tpu.memory_space<vmem_shared>>
            tpu.enqueue_dma source(%dma_start3A_623 : memref<256xi32, #tpu.memory_space<vmem_shared>>) target(%arg8 : memref<256xi32, #tpu.memory_space<vmem>>) target_semaphore(%run_scoped3A : memref<!tpu.dma_semaphore, #tpu.memory_space<semaphore_mem>>)
            %dma_wait3A = tpu.memref_slice %arg12[%add3A_614] : memref<65536xi32, #tpu.memory_space<vmem_shared>> -> memref<256xi32, #tpu.memory_space<vmem_shared>>
            %dma_wait3A_624 = tpu.memref_slice %arg12[%add3A_614] : memref<65536xi32, #tpu.memory_space<vmem_shared>> -> memref<256xi32, #tpu.memory_space<vmem_shared>>
            tpu.wait_dma2 semaphore(%run_scoped3A : memref<!tpu.dma_semaphore, #tpu.memory_space<semaphore_mem>>) src(%dma_wait3A_624 : memref<256xi32, #tpu.memory_space<vmem_shared>>) dst(%arg8 : memref<256xi32, #tpu.memory_space<vmem>>)
            tpu.yield
          }) : () -> ()
          %scan3A_615 = arith.constant 0 : i32
          %scan3A_616 = arith.constant 0 : i32
          %scan3A_617 = arith.constant 16 : i32
          %scan3A_618 = arith.addi %scan3A_616, %scan3A_617 : i32
          %scan3A_619 = arith.constant 1 : i32
          %scan3A_620 = scf.for %scan3A_623 = %scan3A_616 to %scan3A_618 step %scan3A_619 iter_args(%scan3A_624 = %scan3A_615) -> (i32)  : i32 {
            %mul3A_625 = arith.constant 16 : i32
            %mul3A_626 = arith.muli %scan3A_623, %mul3A_625 : i32
            %get3A = arith.index_cast %mul3A_626 : i32 to index
            %get3A_627 = tpu.vector_load %arg7[%get3A] {strides = array<i32>} : memref<256xi32, #tpu.memory_space<vmem>>, vector<16xi32>,
            %mul3A_628 = arith.constant 16 : i32
            %mul3A_629 = arith.muli %scan3A_623, %mul3A_628 : i32
            %get3A_630 = arith.index_cast %mul3A_629 : i32 to index
            %get3A_631 = tpu.vector_load %arg8[%get3A_630] {strides = array<i32>} : memref<256xi32, #tpu.memory_space<vmem>>, vector<16xi32>,
            %add3A_632 = arith.addi %get3A_627, %get3A_631 : vector<16xi32>
            %swap3A = arith.index_cast %mul3A_626 : i32 to index
            %swap3A_633 = tpu.vector_load %arg7[%swap3A] {strides = array<i32>} : memref<256xi32, #tpu.memory_space<vmem>>, vector<16xi32>,
            tpu.vector_store %arg7[%swap3A], %add3A_632 {strides = array<i32>} : memref<256xi32, #tpu.memory_space<vmem>>, vector<16xi32>,
            %scan3A_634 = arith.constant 0 : i32
            scf.yield %scan3A_634 : i32
          }
          %scan3A_621 = arith.constant 16 : i32
          %scan3A_622 = arith.constant 0 : i32
          scf.yield %scan3A_622 : i32
        }
        %scan3A_205 = arith.constant 16 : i32
        %mul3A_206 = arith.constant 4 : i32
        %mul3A_207 = arith.muli %mul3A_206, %arg1 : i32
        %add3A_208 = arith.constant 0 : i32
        %add3A_209 = arith.addi %mul3A_207, %add3A_208 : i32
        %mul3A_210 = arith.constant 16 : i32
        %mul3A_211 = arith.muli %add3A_209, %mul3A_210 : i32
        %add3A_212 = arith.constant 0 : i32
        %add3A_213 = arith.addi %mul3A_211, %add3A_212 : i32
        %broadcast_in_dim3A_214 = vector.broadcast %add3A_213 : i32 to vector<16xi32>
        %gather3A_215 = tpu.vector_load_idx %arg9[%broadcast_in_dim3A_214] : memref<1024xi32, #tpu.memory_space<vmem>>[vector<16xi32>], vector<16xi32>,
        %reduce_max3A_216 = arith.constant true
        %reduce_max3A_217 = vector.broadcast %reduce_max3A_216 : i1 to vector<16xi1>
        %reduce_max3A_218 = arith.constant -2147483648 : i32
        %reduce_max3A_219 = vector.broadcast %reduce_max3A_218 : i32 to vector<16xi32>
        %reduce_max3A_220 = arith.xori %gather3A_215, %reduce_max3A_219 : vector<16xi32>
        %reduce_max3A_221 = tpu.scan <max>, %reduce_max3A_220 masked %reduce_max3A_217 : vector<16xi32>, vector<16xi1> -> vector<16xi32>
        %reduce_max3A_222 = arith.xori %reduce_max3A_221, %reduce_max3A_219 : vector<16xi32>
        %reduce_max3A_223 = vector.extract %reduce_max3A_222[15] : i32 from vector<16xi32>
        %mul3A_224 = arith.constant 16 : i32
        %mul3A_225 = arith.muli %add3A_209, %mul3A_224 : i32
        %add3A_226 = arith.constant 1 : i32
        %add3A_227 = arith.addi %mul3A_225, %add3A_226 : i32
        %broadcast_in_dim3A_228 = vector.broadcast %add3A_227 : i32 to vector<16xi32>
        %gather3A_229 = tpu.vector_load_idx %arg9[%broadcast_in_dim3A_228] : memref<1024xi32, #tpu.memory_space<vmem>>[vector<16xi32>], vector<16xi32>,
        %reduce_max3A_230 = arith.constant true
        %reduce_max3A_231 = vector.broadcast %reduce_max3A_230 : i1 to vector<16xi1>
        %reduce_max3A_232 = arith.constant -2147483648 : i32
        %reduce_max3A_233 = vector.broadcast %reduce_max3A_232 : i32 to vector<16xi32>
        %reduce_max3A_234 = arith.xori %gather3A_229, %reduce_max3A_233 : vector<16xi32>
        %reduce_max3A_235 = tpu.scan <max>, %reduce_max3A_234 masked %reduce_max3A_231 : vector<16xi32>, vector<16xi1> -> vector<16xi32>
        %reduce_max3A_236 = arith.xori %reduce_max3A_235, %reduce_max3A_233 : vector<16xi32>
        %reduce_max3A_237 = vector.extract %reduce_max3A_236[15] : i32 from vector<16xi32>
        %mul3A_238 = arith.constant 16 : i32
        %mul3A_239 = arith.muli %add3A_209, %mul3A_238 : i32
        %add3A_240 = arith.constant 2 : i32
        %add3A_241 = arith.addi %mul3A_239, %add3A_240 : i32
        %broadcast_in_dim3A_242 = vector.broadcast %add3A_241 : i32 to vector<16xi32>
        %gather3A_243 = tpu.vector_load_idx %arg9[%broadcast_in_dim3A_242] : memref<1024xi32, #tpu.memory_space<vmem>>[vector<16xi32>], vector<16xi32>,
        %reduce_max3A_244 = arith.constant true
        %reduce_max3A_245 = vector.broadcast %reduce_max3A_244 : i1 to vector<16xi1>
        %reduce_max3A_246 = arith.constant -2147483648 : i32
        %reduce_max3A_247 = vector.broadcast %reduce_max3A_246 : i32 to vector<16xi32>
        %reduce_max3A_248 = arith.xori %gather3A_243, %reduce_max3A_247 : vector<16xi32>
        %reduce_max3A_249 = tpu.scan <max>, %reduce_max3A_248 masked %reduce_max3A_245 : vector<16xi32>, vector<16xi1> -> vector<16xi32>
        %reduce_max3A_250 = arith.xori %reduce_max3A_249, %reduce_max3A_247 : vector<16xi32>
        %reduce_max3A_251 = vector.extract %reduce_max3A_250[15] : i32 from vector<16xi32>
        %mul3A_252 = arith.constant 16 : i32
        %mul3A_253 = arith.muli %add3A_209, %mul3A_252 : i32
        %add3A_254 = arith.constant 3 : i32
        %add3A_255 = arith.addi %mul3A_253, %add3A_254 : i32
        %broadcast_in_dim3A_256 = vector.broadcast %add3A_255 : i32 to vector<16xi32>
        %gather3A_257 = tpu.vector_load_idx %arg9[%broadcast_in_dim3A_256] : memref<1024xi32, #tpu.memory_space<vmem>>[vector<16xi32>], vector<16xi32>,
        %reduce_max3A_258 = arith.constant true
        %reduce_max3A_259 = vector.broadcast %reduce_max3A_258 : i1 to vector<16xi1>
        %reduce_max3A_260 = arith.constant -2147483648 : i32
        %reduce_max3A_261 = vector.broadcast %reduce_max3A_260 : i32 to vector<16xi32>
        %reduce_max3A_262 = arith.xori %gather3A_257, %reduce_max3A_261 : vector<16xi32>
        %reduce_max3A_263 = tpu.scan <max>, %reduce_max3A_262 masked %reduce_max3A_259 : vector<16xi32>, vector<16xi1> -> vector<16xi32>
        %reduce_max3A_264 = arith.xori %reduce_max3A_263, %reduce_max3A_261 : vector<16xi32>
        %reduce_max3A_265 = vector.extract %reduce_max3A_264[15] : i32 from vector<16xi32>
        %eq3A_266 = arith.constant 0 : i32
        %eq3A_267 = arith.cmpi eq, %scan3A_19, %eq3A_266 : i32
        %jit3A = arith.constant 563 : i32
        %select_n3A = arith.select %eq3A_267, %jit3A, %reduce_max3A_251 : i32
        %scan3A_268 = arith.constant -1 : i32
        %scan3A_269 = arith.constant 0 : i32
        %scan3A_270 = arith.constant 0 : i32
        %scan3A_271 = arith.constant 0 : i32
        %scan3A_272 = arith.constant 4 : i32
        %scan3A_273 = arith.addi %scan3A_271, %scan3A_272 : i32
        %scan3A_274 = arith.constant 1 : i32
        %scan3A_275:3 = scf.for %scan3A_610 = %scan3A_271 to %scan3A_273 step %scan3A_274 iter_args(%scan3A_611 = %scan3A_268, %scan3A_612 = %scan3A_269, %scan3A_613 = %scan3A_270) -> (i32, i32, i32)  : i32 {
          %sub3A_614 = arith.constant 3 : i32
          %sub3A_615 = arith.subi %sub3A_614, %scan3A_610 : i32
          %mul3A_616 = arith.constant 16 : i32
          %mul3A_617 = arith.muli %sub3A_615, %mul3A_616 : i32
          %add3A_618 = arith.constant 0 : i32
          %add3A_619 = arith.addi %add3A_618, %mul3A_617 : i32
          %get3A = arith.index_cast %add3A_619 : i32 to index
          %get3A_620 = tpu.vector_load %arg7[%get3A] {strides = array<i32>} : memref<256xi32, #tpu.memory_space<vmem>>, vector<16xi32>,
          %rev3A = arith.constant 15 : i32
          %rev3A_621 = vector.broadcast %rev3A : i32 to vector<16xi32>
          %rev3A_622 = tpu.iota {dimensions = array<i32: 0>} : vector<16xi32>
          %rev3A_623 = arith.subi %rev3A_621, %rev3A_622 : vector<16xi32>
          %rev3A_624 = tpu.dynamic_gather %get3A_620[%rev3A_623] in [0] : vector<16xi32>, vector<16xi32> -> vector<16xi32>
          %broadcast_in_dim3A_625 = arith.constant true
          %broadcast_in_dim3A_626 = vector.broadcast %broadcast_in_dim3A_625 : i1 to vector<16xi1>
          %masked_cumsum3A = tpu.scan <sum>, %rev3A_624 masked %broadcast_in_dim3A_626 : vector<16xi32>, vector<16xi1> -> vector<16xi32>
          %rev3A_627 = arith.constant 15 : i32
          %rev3A_628 = vector.broadcast %rev3A_627 : i32 to vector<16xi32>
          %rev3A_629 = tpu.iota {dimensions = array<i32: 0>} : vector<16xi32>
          %rev3A_630 = arith.subi %rev3A_628, %rev3A_629 : vector<16xi32>
          %rev3A_631 = tpu.dynamic_gather %masked_cumsum3A[%rev3A_630] in [0] : vector<16xi32>, vector<16xi32> -> vector<16xi32>
          %add3A_632 = vector.broadcast %scan3A_612 : i32 to vector<16xi32>
          %add3A_633 = arith.addi %rev3A_631, %add3A_632 : vector<16xi32>
          %ge3A = vector.broadcast %select_n3A : i32 to vector<16xi32>
          %ge3A_634 = arith.cmpi sge, %add3A_633, %ge3A : vector<16xi32>
          %iota3A = tpu.iota {dimensions = array<i32: 0>} : vector<16xi32>
          %sub3A_635 = arith.constant 3 : i32
          %sub3A_636 = arith.subi %sub3A_635, %scan3A_610 : i32
          %mul3A_637 = arith.constant 16 : i32
          %mul3A_638 = arith.muli %sub3A_636, %mul3A_637 : i32
          %add3A_639 = vector.broadcast %mul3A_638 : i32 to vector<16xi32>
          %add3A_640 = arith.addi %iota3A, %add3A_639 : vector<16xi32>
          %jit3A_641 = arith.constant -1 : i32
          %broadcast_in_dim3A_642 = vector.broadcast %jit3A_641 : i32 to vector<16xi32>
          %select_n3A_643 = arith.select %ge3A_634, %add3A_640, %broadcast_in_dim3A_642 : vector<16xi1>, vector<16xi32>
          %reduce_max3A_644 = arith.constant true
          %reduce_max3A_645 = vector.broadcast %reduce_max3A_644 : i1 to vector<16xi1>
          %reduce_max3A_646 = arith.constant -2147483648 : i32
          %reduce_max3A_647 = vector.broadcast %reduce_max3A_646 : i32 to vector<16xi32>
          %reduce_max3A_648 = arith.xori %select_n3A_643, %reduce_max3A_647 : vector<16xi32>
          %reduce_max3A_649 = tpu.scan <max>, %reduce_max3A_648 masked %reduce_max3A_645 : vector<16xi32>, vector<16xi1> -> vector<16xi32>
          %reduce_max3A_650 = arith.xori %reduce_max3A_649, %reduce_max3A_647 : vector<16xi32>
          %reduce_max3A_651 = vector.extract %reduce_max3A_650[15] : i32 from vector<16xi32>
          %broadcast_in_dim3A_652 = arith.constant true
          %broadcast_in_dim3A_653 = vector.broadcast %broadcast_in_dim3A_652 : i1 to vector<16xi1>
          %masked_cumsum3A_654 = tpu.scan <sum>, %get3A_620 masked %broadcast_in_dim3A_653 : vector<16xi32>, vector<16xi1> -> vector<16xi32>
          %reduce_max3A_655 = arith.constant true
          %reduce_max3A_656 = vector.broadcast %reduce_max3A_655 : i1 to vector<16xi1>
          %reduce_max3A_657 = arith.constant -2147483648 : i32
          %reduce_max3A_658 = vector.broadcast %reduce_max3A_657 : i32 to vector<16xi32>
          %reduce_max3A_659 = arith.xori %masked_cumsum3A_654, %reduce_max3A_658 : vector<16xi32>
          %reduce_max3A_660 = tpu.scan <max>, %reduce_max3A_659 masked %reduce_max3A_656 : vector<16xi32>, vector<16xi1> -> vector<16xi32>
          %reduce_max3A_661 = arith.xori %reduce_max3A_660, %reduce_max3A_658 : vector<16xi32>
          %reduce_max3A_662 = vector.extract %reduce_max3A_661[15] : i32 from vector<16xi32>
          %max3A = arith.maxsi %scan3A_611, %reduce_max3A_651 : i32
          %add3A_663 = arith.addi %scan3A_612, %reduce_max3A_662 : i32
          %add3A_664 = arith.addi %scan3A_613, %reduce_max3A_662 : i32
          scf.yield %max3A, %add3A_663, %add3A_664 : i32, i32, i32
        }
        %scan3A_276 = arith.constant 4 : i32
        %scan3A_277 = arith.constant 0 : i32
        %scan3A_278 = arith.constant 0 : i32
        %scan3A_279 = arith.constant 4 : i32
        %scan3A_280 = arith.addi %scan3A_278, %scan3A_279 : i32
        %scan3A_281 = arith.constant 1 : i32
        %scan3A_282 = scf.for %scan3A_610 = %scan3A_278 to %scan3A_280 step %scan3A_281 iter_args(%scan3A_611 = %scan3A_277) -> (i32)  : i32 {
          %mul3A_612 = arith.constant 16 : i32
          %mul3A_613 = arith.muli %scan3A_610, %mul3A_612 : i32
          %add3A_614 = arith.constant 0 : i32
          %add3A_615 = arith.addi %add3A_614, %mul3A_613 : i32
          %get3A = arith.index_cast %add3A_615 : i32 to index
          %get3A_616 = tpu.vector_load %arg7[%get3A] {strides = array<i32>} : memref<256xi32, #tpu.memory_space<vmem>>, vector<16xi32>,
          %iota3A = tpu.iota {dimensions = array<i32: 0>} : vector<16xi32>
          %mul3A_617 = arith.constant 16 : i32
          %mul3A_618 = arith.muli %scan3A_610, %mul3A_617 : i32
          %add3A_619 = vector.broadcast %mul3A_618 : i32 to vector<16xi32>
          %add3A_620 = arith.addi %iota3A, %add3A_619 : vector<16xi32>
          %gt3A = vector.broadcast %scan3A_275#0 : i32 to vector<16xi32>
          %gt3A_621 = arith.cmpi sgt, %add3A_620, %gt3A : vector<16xi32>
          %jit3A_622 = arith.constant 0 : i32
          %broadcast_in_dim3A_623 = vector.broadcast %jit3A_622 : i32 to vector<16xi32>
          %select_n3A_624 = arith.select %gt3A_621, %get3A_616, %broadcast_in_dim3A_623 : vector<16xi1>, vector<16xi32>
          %broadcast_in_dim3A_625 = arith.constant true
          %broadcast_in_dim3A_626 = vector.broadcast %broadcast_in_dim3A_625 : i1 to vector<16xi1>
          %masked_cumsum3A = tpu.scan <sum>, %select_n3A_624 masked %broadcast_in_dim3A_626 : vector<16xi32>, vector<16xi1> -> vector<16xi32>
          %reduce_max3A_627 = arith.constant true
          %reduce_max3A_628 = vector.broadcast %reduce_max3A_627 : i1 to vector<16xi1>
          %reduce_max3A_629 = arith.constant -2147483648 : i32
          %reduce_max3A_630 = vector.broadcast %reduce_max3A_629 : i32 to vector<16xi32>
          %reduce_max3A_631 = arith.xori %masked_cumsum3A, %reduce_max3A_630 : vector<16xi32>
          %reduce_max3A_632 = tpu.scan <max>, %reduce_max3A_631 masked %reduce_max3A_628 : vector<16xi32>, vector<16xi1> -> vector<16xi32>
          %reduce_max3A_633 = arith.xori %reduce_max3A_632, %reduce_max3A_630 : vector<16xi32>
          %reduce_max3A_634 = vector.extract %reduce_max3A_633[15] : i32 from vector<16xi32>
          %add3A_635 = arith.addi %scan3A_611, %reduce_max3A_634 : i32
          scf.yield %add3A_635 : i32
        }
        %scan3A_283 = arith.constant 4 : i32
        %eq3A_284 = arith.constant 0 : i32
        %eq3A_285 = arith.cmpi eq, %scan3A_19, %eq3A_284 : i32
        %select_n3A_286 = arith.select %eq3A_285, %scan3A_275#2, %reduce_max3A_265 : i32
        %sub3A = arith.subi %select_n3A, %scan3A_282 : i32
        %shift_left3A = arith.shli %reduce_max3A_223, %reduce_max3A_129 : i32
        %shift_right_arithmetic3A = arith.shrsi %scan3A_275#0, %reduce_max3A_87 : i32
        %and3A = arith.andi %shift_right_arithmetic3A, %reduce_max3A_143 : i32
        %or3A = arith.ori %shift_left3A, %and3A : i32
        %shift_left3A_287 = arith.shli %reduce_max3A_237, %reduce_max3A_157 : i32
        %and3A_288 = arith.andi %scan3A_275#0, %reduce_max3A_171 : i32
        %or3A_289 = arith.ori %shift_left3A_287, %and3A_288 : i32
        %eq3A_290 = arith.constant 6 : i32
        %eq3A_291 = arith.cmpi eq, %scan3A_19, %eq3A_290 : i32
        %convert_element_type3A_292 = arith.extui %eq3A_291 : i1 to i32
        %cond3A_293 = arith.constant 0 : i32
        %cond3A_294 = arith.cmpi ne, %convert_element_type3A_292, %cond3A_293 : i32
        scf.if %cond3A_294 {
          %le3A = arith.constant 563 : i32
          %le3A_610 = arith.cmpi sle, %select_n3A_286, %le3A : i32
          %jit3A_611 = arith.constant -1 : i32
          %select_n3A_612 = arith.select %le3A_610, %jit3A_611, %or3A : i32
          %jit3A_613 = arith.constant 0 : i32
          %select_n3A_614 = arith.select %le3A_610, %jit3A_613, %or3A_289 : i32
          %min3A = arith.constant 563 : i32
          %min3A_615 = arith.minsi %select_n3A_286, %min3A : i32
          %iota3A = tpu.iota {dimensions = array<i32: 0>} : vector<16xi32>
          %eq3A_616 = arith.constant 0 : i32
          %eq3A_617 = vector.broadcast %eq3A_616 : i32 to vector<16xi32>
          %eq3A_618 = arith.cmpi eq, %iota3A, %eq3A_617 : vector<16xi32>
          %jit3A_619 = arith.constant 0 : i32
          %broadcast_in_dim3A_620 = vector.broadcast %select_n3A_612 : i32 to vector<16xi32>
          %broadcast_in_dim3A_621 = vector.broadcast %jit3A_619 : i32 to vector<16xi32>
          %select_n3A_622 = arith.select %eq3A_618, %broadcast_in_dim3A_620, %broadcast_in_dim3A_621 : vector<16xi1>, vector<16xi32>
          %iota3A_623 = tpu.iota {dimensions = array<i32: 0>} : vector<16xi32>
          %eq3A_624 = arith.constant 1 : i32
          %eq3A_625 = vector.broadcast %eq3A_624 : i32 to vector<16xi32>
          %eq3A_626 = arith.cmpi eq, %iota3A_623, %eq3A_625 : vector<16xi32>
          %jit3A_627 = arith.constant 0 : i32
          %broadcast_in_dim3A_628 = vector.broadcast %select_n3A_614 : i32 to vector<16xi32>
          %broadcast_in_dim3A_629 = vector.broadcast %jit3A_627 : i32 to vector<16xi32>
          %select_n3A_630 = arith.select %eq3A_626, %broadcast_in_dim3A_628, %broadcast_in_dim3A_629 : vector<16xi1>, vector<16xi32>
          %add3A_631 = arith.addi %select_n3A_622, %select_n3A_630 : vector<16xi32>
          %iota3A_632 = tpu.iota {dimensions = array<i32: 0>} : vector<16xi32>
          %eq3A_633 = arith.constant 2 : i32
          %eq3A_634 = vector.broadcast %eq3A_633 : i32 to vector<16xi32>
          %eq3A_635 = arith.cmpi eq, %iota3A_632, %eq3A_634 : vector<16xi32>
          %jit3A_636 = arith.constant 0 : i32
          %broadcast_in_dim3A_637 = vector.broadcast %min3A_615 : i32 to vector<16xi32>
          %broadcast_in_dim3A_638 = vector.broadcast %jit3A_636 : i32 to vector<16xi32>
          %select_n3A_639 = arith.select %eq3A_635, %broadcast_in_dim3A_637, %broadcast_in_dim3A_638 : vector<16xi1>, vector<16xi32>
          %add3A_640 = arith.addi %add3A_631, %select_n3A_639 : vector<16xi32>
          %swap3A = arith.constant 0 : index
          %swap3A_641 = tpu.vector_load %arg10[%swap3A] {strides = array<i32>} : memref<16xi32, #tpu.memory_space<vmem>>, vector<16xi32>,
          tpu.vector_store %arg10[%swap3A], %add3A_640 {strides = array<i32>} : memref<16xi32, #tpu.memory_space<vmem>>, vector<16xi32>,
          "tpu.region"() ({
            %run_scoped3A = tpu.sem_alloc : memref<!tpu.dma_semaphore, #tpu.memory_space<semaphore_mem>>
            %dma_start3A = arith.constant 0 : i32
            %dma_start3A_642 = tpu.memref_slice %arg4[%add3A_209, %dma_start3A] : memref<64x16xi32, #tpu.memory_space<hbm>> -> memref<1x16xi32, #tpu.memory_space<hbm>>
            %dma_start3A_643 = tpu.memref_squeeze %dma_start3A_642 : memref<1x16xi32, #tpu.memory_space<hbm>> -> memref<16xi32, #tpu.memory_space<hbm>>
            %dma_start3A_644 = arith.constant 0 : i32
            %dma_start3A_645 = tpu.memref_slice %arg4[%add3A_209, %dma_start3A_644] : memref<64x16xi32, #tpu.memory_space<hbm>> -> memref<1x16xi32, #tpu.memory_space<hbm>>
            %dma_start3A_646 = tpu.memref_squeeze %dma_start3A_645 : memref<1x16xi32, #tpu.memory_space<hbm>> -> memref<16xi32, #tpu.memory_space<hbm>>
            tpu.enqueue_dma source(%arg10 : memref<16xi32, #tpu.memory_space<vmem>>) target(%dma_start3A_646 : memref<16xi32, #tpu.memory_space<hbm>>) target_semaphore(%run_scoped3A : memref<!tpu.dma_semaphore, #tpu.memory_space<semaphore_mem>>)
            %dma_wait3A = arith.constant 0 : i32
            %dma_wait3A_647 = tpu.memref_slice %arg4[%add3A_209, %dma_wait3A] : memref<64x16xi32, #tpu.memory_space<hbm>> -> memref<1x16xi32, #tpu.memory_space<hbm>>
            %dma_wait3A_648 = tpu.memref_squeeze %dma_wait3A_647 : memref<1x16xi32, #tpu.memory_space<hbm>> -> memref<16xi32, #tpu.memory_space<hbm>>
            %dma_wait3A_649 = arith.constant 0 : i32
            %dma_wait3A_650 = tpu.memref_slice %arg4[%add3A_209, %dma_wait3A_649] : memref<64x16xi32, #tpu.memory_space<hbm>> -> memref<1x16xi32, #tpu.memory_space<hbm>>
            %dma_wait3A_651 = tpu.memref_squeeze %dma_wait3A_650 : memref<1x16xi32, #tpu.memory_space<hbm>> -> memref<16xi32, #tpu.memory_space<hbm>>
            tpu.wait_dma2 semaphore(%run_scoped3A : memref<!tpu.dma_semaphore, #tpu.memory_space<semaphore_mem>>) src(%arg10 : memref<16xi32, #tpu.memory_space<vmem>>) dst(%dma_wait3A_651 : memref<16xi32, #tpu.memory_space<hbm>>)
            tpu.yield
          }) : () -> ()
        } else {
        }
        %lt3A = arith.constant 6 : i32
        %lt3A_295 = arith.cmpi slt, %scan3A_19, %lt3A : i32
        %convert_element_type3A_296 = arith.extui %lt3A_295 : i1 to i32
        %cond3A_297 = arith.constant 0 : i32
        %cond3A_298 = arith.cmpi ne, %convert_element_type3A_296, %cond3A_297 : i32
        scf.if %cond3A_298 {
          %iota3A = tpu.iota {dimensions = array<i32: 0>} : vector<16xi32>
          %eq3A_610 = arith.constant 0 : i32
          %eq3A_611 = vector.broadcast %eq3A_610 : i32 to vector<16xi32>
          %eq3A_612 = arith.cmpi eq, %iota3A, %eq3A_611 : vector<16xi32>
          %jit3A_613 = arith.constant 0 : i32
          %broadcast_in_dim3A_614 = vector.broadcast %or3A : i32 to vector<16xi32>
          %broadcast_in_dim3A_615 = vector.broadcast %jit3A_613 : i32 to vector<16xi32>
          %select_n3A_616 = arith.select %eq3A_612, %broadcast_in_dim3A_614, %broadcast_in_dim3A_615 : vector<16xi1>, vector<16xi32>
          %iota3A_617 = tpu.iota {dimensions = array<i32: 0>} : vector<16xi32>
          %eq3A_618 = arith.constant 1 : i32
          %eq3A_619 = vector.broadcast %eq3A_618 : i32 to vector<16xi32>
          %eq3A_620 = arith.cmpi eq, %iota3A_617, %eq3A_619 : vector<16xi32>
          %jit3A_621 = arith.constant 0 : i32
          %broadcast_in_dim3A_622 = vector.broadcast %or3A_289 : i32 to vector<16xi32>
          %broadcast_in_dim3A_623 = vector.broadcast %jit3A_621 : i32 to vector<16xi32>
          %select_n3A_624 = arith.select %eq3A_620, %broadcast_in_dim3A_622, %broadcast_in_dim3A_623 : vector<16xi1>, vector<16xi32>
          %add3A_625 = arith.addi %select_n3A_616, %select_n3A_624 : vector<16xi32>
          %iota3A_626 = tpu.iota {dimensions = array<i32: 0>} : vector<16xi32>
          %eq3A_627 = arith.constant 2 : i32
          %eq3A_628 = vector.broadcast %eq3A_627 : i32 to vector<16xi32>
          %eq3A_629 = arith.cmpi eq, %iota3A_626, %eq3A_628 : vector<16xi32>
          %jit3A_630 = arith.constant 0 : i32
          %broadcast_in_dim3A_631 = vector.broadcast %sub3A : i32 to vector<16xi32>
          %broadcast_in_dim3A_632 = vector.broadcast %jit3A_630 : i32 to vector<16xi32>
          %select_n3A_633 = arith.select %eq3A_629, %broadcast_in_dim3A_631, %broadcast_in_dim3A_632 : vector<16xi1>, vector<16xi32>
          %add3A_634 = arith.addi %add3A_625, %select_n3A_633 : vector<16xi32>
          %iota3A_635 = tpu.iota {dimensions = array<i32: 0>} : vector<16xi32>
          %eq3A_636 = arith.constant 3 : i32
          %eq3A_637 = vector.broadcast %eq3A_636 : i32 to vector<16xi32>
          %eq3A_638 = arith.cmpi eq, %iota3A_635, %eq3A_637 : vector<16xi32>
          %jit3A_639 = arith.constant 0 : i32
          %broadcast_in_dim3A_640 = vector.broadcast %select_n3A_286 : i32 to vector<16xi32>
          %broadcast_in_dim3A_641 = vector.broadcast %jit3A_639 : i32 to vector<16xi32>
          %select_n3A_642 = arith.select %eq3A_638, %broadcast_in_dim3A_640, %broadcast_in_dim3A_641 : vector<16xi1>, vector<16xi32>
          %add3A_643 = arith.addi %add3A_634, %select_n3A_642 : vector<16xi32>
          %swap3A = arith.constant 0 : index
          %swap3A_644 = tpu.vector_load %arg10[%swap3A] {strides = array<i32>} : memref<16xi32, #tpu.memory_space<vmem>>, vector<16xi32>,
          tpu.vector_store %arg10[%swap3A], %add3A_643 {strides = array<i32>} : memref<16xi32, #tpu.memory_space<vmem>>, vector<16xi32>,
          %mul3A_645 = arith.constant 16 : i32
          %mul3A_646 = arith.muli %add3A_209, %mul3A_645 : i32
          "tpu.region"() ({
            %run_scoped3A = tpu.sem_alloc : memref<!tpu.dma_semaphore, #tpu.memory_space<semaphore_mem>>
            %dma_start3A = tpu.memref_slice %arg13[%mul3A_646] : memref<1024xi32, #tpu.memory_space<vmem_shared>> -> memref<16xi32, #tpu.memory_space<vmem_shared>>
            %dma_start3A_647 = tpu.memref_slice %arg13[%mul3A_646] : memref<1024xi32, #tpu.memory_space<vmem_shared>> -> memref<16xi32, #tpu.memory_space<vmem_shared>>
            tpu.enqueue_dma source(%arg10 : memref<16xi32, #tpu.memory_space<vmem>>) target(%dma_start3A_647 : memref<16xi32, #tpu.memory_space<vmem_shared>>) target_semaphore(%run_scoped3A : memref<!tpu.dma_semaphore, #tpu.memory_space<semaphore_mem>>)
            %dma_wait3A = tpu.memref_slice %arg13[%mul3A_646] : memref<1024xi32, #tpu.memory_space<vmem_shared>> -> memref<16xi32, #tpu.memory_space<vmem_shared>>
            %dma_wait3A_648 = tpu.memref_slice %arg13[%mul3A_646] : memref<1024xi32, #tpu.memory_space<vmem_shared>> -> memref<16xi32, #tpu.memory_space<vmem_shared>>
            tpu.wait_dma2 semaphore(%run_scoped3A : memref<!tpu.dma_semaphore, #tpu.memory_space<semaphore_mem>>) src(%arg10 : memref<16xi32, #tpu.memory_space<vmem>>) dst(%dma_wait3A_648 : memref<16xi32, #tpu.memory_space<vmem_shared>>)
            tpu.yield
          }) : () -> ()
        } else {
        }
        %mul3A_299 = arith.constant 4 : i32
        %mul3A_300 = arith.muli %mul3A_299, %arg1 : i32
        %add3A_301 = arith.constant 1 : i32
        %add3A_302 = arith.addi %mul3A_300, %add3A_301 : i32
        %mul3A_303 = arith.constant 16 : i32
        %mul3A_304 = arith.muli %add3A_302, %mul3A_303 : i32
        %add3A_305 = arith.constant 0 : i32
        %add3A_306 = arith.addi %mul3A_304, %add3A_305 : i32
        %broadcast_in_dim3A_307 = vector.broadcast %add3A_306 : i32 to vector<16xi32>
        %gather3A_308 = tpu.vector_load_idx %arg9[%broadcast_in_dim3A_307] : memref<1024xi32, #tpu.memory_space<vmem>>[vector<16xi32>], vector<16xi32>,
        %reduce_max3A_309 = arith.constant true
        %reduce_max3A_310 = vector.broadcast %reduce_max3A_309 : i1 to vector<16xi1>
        %reduce_max3A_311 = arith.constant -2147483648 : i32
        %reduce_max3A_312 = vector.broadcast %reduce_max3A_311 : i32 to vector<16xi32>
        %reduce_max3A_313 = arith.xori %gather3A_308, %reduce_max3A_312 : vector<16xi32>
        %reduce_max3A_314 = tpu.scan <max>, %reduce_max3A_313 masked %reduce_max3A_310 : vector<16xi32>, vector<16xi1> -> vector<16xi32>
        %reduce_max3A_315 = arith.xori %reduce_max3A_314, %reduce_max3A_312 : vector<16xi32>
        %reduce_max3A_316 = vector.extract %reduce_max3A_315[15] : i32 from vector<16xi32>
        %mul3A_317 = arith.constant 16 : i32
        %mul3A_318 = arith.muli %add3A_302, %mul3A_317 : i32
        %add3A_319 = arith.constant 1 : i32
        %add3A_320 = arith.addi %mul3A_318, %add3A_319 : i32
        %broadcast_in_dim3A_321 = vector.broadcast %add3A_320 : i32 to vector<16xi32>
        %gather3A_322 = tpu.vector_load_idx %arg9[%broadcast_in_dim3A_321] : memref<1024xi32, #tpu.memory_space<vmem>>[vector<16xi32>], vector<16xi32>,
        %reduce_max3A_323 = arith.constant true
        %reduce_max3A_324 = vector.broadcast %reduce_max3A_323 : i1 to vector<16xi1>
        %reduce_max3A_325 = arith.constant -2147483648 : i32
        %reduce_max3A_326 = vector.broadcast %reduce_max3A_325 : i32 to vector<16xi32>
        %reduce_max3A_327 = arith.xori %gather3A_322, %reduce_max3A_326 : vector<16xi32>
        %reduce_max3A_328 = tpu.scan <max>, %reduce_max3A_327 masked %reduce_max3A_324 : vector<16xi32>, vector<16xi1> -> vector<16xi32>
        %reduce_max3A_329 = arith.xori %reduce_max3A_328, %reduce_max3A_326 : vector<16xi32>
        %reduce_max3A_330 = vector.extract %reduce_max3A_329[15] : i32 from vector<16xi32>
        %mul3A_331 = arith.constant 16 : i32
        %mul3A_332 = arith.muli %add3A_302, %mul3A_331 : i32
        %add3A_333 = arith.constant 2 : i32
        %add3A_334 = arith.addi %mul3A_332, %add3A_333 : i32
        %broadcast_in_dim3A_335 = vector.broadcast %add3A_334 : i32 to vector<16xi32>
        %gather3A_336 = tpu.vector_load_idx %arg9[%broadcast_in_dim3A_335] : memref<1024xi32, #tpu.memory_space<vmem>>[vector<16xi32>], vector<16xi32>,
        %reduce_max3A_337 = arith.constant true
        %reduce_max3A_338 = vector.broadcast %reduce_max3A_337 : i1 to vector<16xi1>
        %reduce_max3A_339 = arith.constant -2147483648 : i32
        %reduce_max3A_340 = vector.broadcast %reduce_max3A_339 : i32 to vector<16xi32>
        %reduce_max3A_341 = arith.xori %gather3A_336, %reduce_max3A_340 : vector<16xi32>
        %reduce_max3A_342 = tpu.scan <max>, %reduce_max3A_341 masked %reduce_max3A_338 : vector<16xi32>, vector<16xi1> -> vector<16xi32>
        %reduce_max3A_343 = arith.xori %reduce_max3A_342, %reduce_max3A_340 : vector<16xi32>
        %reduce_max3A_344 = vector.extract %reduce_max3A_343[15] : i32 from vector<16xi32>
        %mul3A_345 = arith.constant 16 : i32
        %mul3A_346 = arith.muli %add3A_302, %mul3A_345 : i32
        %add3A_347 = arith.constant 3 : i32
        %add3A_348 = arith.addi %mul3A_346, %add3A_347 : i32
        %broadcast_in_dim3A_349 = vector.broadcast %add3A_348 : i32 to vector<16xi32>
        %gather3A_350 = tpu.vector_load_idx %arg9[%broadcast_in_dim3A_349] : memref<1024xi32, #tpu.memory_space<vmem>>[vector<16xi32>], vector<16xi32>,
        %reduce_max3A_351 = arith.constant true
        %reduce_max3A_352 = vector.broadcast %reduce_max3A_351 : i1 to vector<16xi1>
        %reduce_max3A_353 = arith.constant -2147483648 : i32
        %reduce_max3A_354 = vector.broadcast %reduce_max3A_353 : i32 to vector<16xi32>
        %reduce_max3A_355 = arith.xori %gather3A_350, %reduce_max3A_354 : vector<16xi32>
        %reduce_max3A_356 = tpu.scan <max>, %reduce_max3A_355 masked %reduce_max3A_352 : vector<16xi32>, vector<16xi1> -> vector<16xi32>
        %reduce_max3A_357 = arith.xori %reduce_max3A_356, %reduce_max3A_354 : vector<16xi32>
        %reduce_max3A_358 = vector.extract %reduce_max3A_357[15] : i32 from vector<16xi32>
        %eq3A_359 = arith.constant 0 : i32
        %eq3A_360 = arith.cmpi eq, %scan3A_19, %eq3A_359 : i32
        %jit3A_361 = arith.constant 563 : i32
        %select_n3A_362 = arith.select %eq3A_360, %jit3A_361, %reduce_max3A_344 : i32
        %scan3A_363 = arith.constant -1 : i32
        %scan3A_364 = arith.constant 0 : i32
        %scan3A_365 = arith.constant 0 : i32
        %scan3A_366 = arith.constant 0 : i32
        %scan3A_367 = arith.constant 4 : i32
        %scan3A_368 = arith.addi %scan3A_366, %scan3A_367 : i32
        %scan3A_369 = arith.constant 1 : i32
        %scan3A_370:3 = scf.for %scan3A_610 = %scan3A_366 to %scan3A_368 step %scan3A_369 iter_args(%scan3A_611 = %scan3A_363, %scan3A_612 = %scan3A_364, %scan3A_613 = %scan3A_365) -> (i32, i32, i32)  : i32 {
          %sub3A_614 = arith.constant 3 : i32
          %sub3A_615 = arith.subi %sub3A_614, %scan3A_610 : i32
          %mul3A_616 = arith.constant 16 : i32
          %mul3A_617 = arith.muli %sub3A_615, %mul3A_616 : i32
          %add3A_618 = arith.constant 64 : i32
          %add3A_619 = arith.addi %add3A_618, %mul3A_617 : i32
          %get3A = arith.index_cast %add3A_619 : i32 to index
          %get3A_620 = tpu.vector_load %arg7[%get3A] {strides = array<i32>} : memref<256xi32, #tpu.memory_space<vmem>>, vector<16xi32>,
          %rev3A = arith.constant 15 : i32
          %rev3A_621 = vector.broadcast %rev3A : i32 to vector<16xi32>
          %rev3A_622 = tpu.iota {dimensions = array<i32: 0>} : vector<16xi32>
          %rev3A_623 = arith.subi %rev3A_621, %rev3A_622 : vector<16xi32>
          %rev3A_624 = tpu.dynamic_gather %get3A_620[%rev3A_623] in [0] : vector<16xi32>, vector<16xi32> -> vector<16xi32>
          %broadcast_in_dim3A_625 = arith.constant true
          %broadcast_in_dim3A_626 = vector.broadcast %broadcast_in_dim3A_625 : i1 to vector<16xi1>
          %masked_cumsum3A = tpu.scan <sum>, %rev3A_624 masked %broadcast_in_dim3A_626 : vector<16xi32>, vector<16xi1> -> vector<16xi32>
          %rev3A_627 = arith.constant 15 : i32
          %rev3A_628 = vector.broadcast %rev3A_627 : i32 to vector<16xi32>
          %rev3A_629 = tpu.iota {dimensions = array<i32: 0>} : vector<16xi32>
          %rev3A_630 = arith.subi %rev3A_628, %rev3A_629 : vector<16xi32>
          %rev3A_631 = tpu.dynamic_gather %masked_cumsum3A[%rev3A_630] in [0] : vector<16xi32>, vector<16xi32> -> vector<16xi32>
          %add3A_632 = vector.broadcast %scan3A_612 : i32 to vector<16xi32>
          %add3A_633 = arith.addi %rev3A_631, %add3A_632 : vector<16xi32>
          %ge3A = vector.broadcast %select_n3A_362 : i32 to vector<16xi32>
          %ge3A_634 = arith.cmpi sge, %add3A_633, %ge3A : vector<16xi32>
          %iota3A = tpu.iota {dimensions = array<i32: 0>} : vector<16xi32>
          %sub3A_635 = arith.constant 3 : i32
          %sub3A_636 = arith.subi %sub3A_635, %scan3A_610 : i32
          %mul3A_637 = arith.constant 16 : i32
          %mul3A_638 = arith.muli %sub3A_636, %mul3A_637 : i32
          %add3A_639 = vector.broadcast %mul3A_638 : i32 to vector<16xi32>
          %add3A_640 = arith.addi %iota3A, %add3A_639 : vector<16xi32>
          %jit3A_641 = arith.constant -1 : i32
          %broadcast_in_dim3A_642 = vector.broadcast %jit3A_641 : i32 to vector<16xi32>
          %select_n3A_643 = arith.select %ge3A_634, %add3A_640, %broadcast_in_dim3A_642 : vector<16xi1>, vector<16xi32>
          %reduce_max3A_644 = arith.constant true
          %reduce_max3A_645 = vector.broadcast %reduce_max3A_644 : i1 to vector<16xi1>
          %reduce_max3A_646 = arith.constant -2147483648 : i32
          %reduce_max3A_647 = vector.broadcast %reduce_max3A_646 : i32 to vector<16xi32>
          %reduce_max3A_648 = arith.xori %select_n3A_643, %reduce_max3A_647 : vector<16xi32>
          %reduce_max3A_649 = tpu.scan <max>, %reduce_max3A_648 masked %reduce_max3A_645 : vector<16xi32>, vector<16xi1> -> vector<16xi32>
          %reduce_max3A_650 = arith.xori %reduce_max3A_649, %reduce_max3A_647 : vector<16xi32>
          %reduce_max3A_651 = vector.extract %reduce_max3A_650[15] : i32 from vector<16xi32>
          %broadcast_in_dim3A_652 = arith.constant true
          %broadcast_in_dim3A_653 = vector.broadcast %broadcast_in_dim3A_652 : i1 to vector<16xi1>
          %masked_cumsum3A_654 = tpu.scan <sum>, %get3A_620 masked %broadcast_in_dim3A_653 : vector<16xi32>, vector<16xi1> -> vector<16xi32>
          %reduce_max3A_655 = arith.constant true
          %reduce_max3A_656 = vector.broadcast %reduce_max3A_655 : i1 to vector<16xi1>
          %reduce_max3A_657 = arith.constant -2147483648 : i32
          %reduce_max3A_658 = vector.broadcast %reduce_max3A_657 : i32 to vector<16xi32>
          %reduce_max3A_659 = arith.xori %masked_cumsum3A_654, %reduce_max3A_658 : vector<16xi32>
          %reduce_max3A_660 = tpu.scan <max>, %reduce_max3A_659 masked %reduce_max3A_656 : vector<16xi32>, vector<16xi1> -> vector<16xi32>
          %reduce_max3A_661 = arith.xori %reduce_max3A_660, %reduce_max3A_658 : vector<16xi32>
          %reduce_max3A_662 = vector.extract %reduce_max3A_661[15] : i32 from vector<16xi32>
          %max3A = arith.maxsi %scan3A_611, %reduce_max3A_651 : i32
          %add3A_663 = arith.addi %scan3A_612, %reduce_max3A_662 : i32
          %add3A_664 = arith.addi %scan3A_613, %reduce_max3A_662 : i32
          scf.yield %max3A, %add3A_663, %add3A_664 : i32, i32, i32
        }
        %scan3A_371 = arith.constant 4 : i32
        %scan3A_372 = arith.constant 0 : i32
        %scan3A_373 = arith.constant 0 : i32
        %scan3A_374 = arith.constant 4 : i32
        %scan3A_375 = arith.addi %scan3A_373, %scan3A_374 : i32
        %scan3A_376 = arith.constant 1 : i32
        %scan3A_377 = scf.for %scan3A_610 = %scan3A_373 to %scan3A_375 step %scan3A_376 iter_args(%scan3A_611 = %scan3A_372) -> (i32)  : i32 {
          %mul3A_612 = arith.constant 16 : i32
          %mul3A_613 = arith.muli %scan3A_610, %mul3A_612 : i32
          %add3A_614 = arith.constant 64 : i32
          %add3A_615 = arith.addi %add3A_614, %mul3A_613 : i32
          %get3A = arith.index_cast %add3A_615 : i32 to index
          %get3A_616 = tpu.vector_load %arg7[%get3A] {strides = array<i32>} : memref<256xi32, #tpu.memory_space<vmem>>, vector<16xi32>,
          %iota3A = tpu.iota {dimensions = array<i32: 0>} : vector<16xi32>
          %mul3A_617 = arith.constant 16 : i32
          %mul3A_618 = arith.muli %scan3A_610, %mul3A_617 : i32
          %add3A_619 = vector.broadcast %mul3A_618 : i32 to vector<16xi32>
          %add3A_620 = arith.addi %iota3A, %add3A_619 : vector<16xi32>
          %gt3A = vector.broadcast %scan3A_370#0 : i32 to vector<16xi32>
          %gt3A_621 = arith.cmpi sgt, %add3A_620, %gt3A : vector<16xi32>
          %jit3A_622 = arith.constant 0 : i32
          %broadcast_in_dim3A_623 = vector.broadcast %jit3A_622 : i32 to vector<16xi32>
          %select_n3A_624 = arith.select %gt3A_621, %get3A_616, %broadcast_in_dim3A_623 : vector<16xi1>, vector<16xi32>
          %broadcast_in_dim3A_625 = arith.constant true
          %broadcast_in_dim3A_626 = vector.broadcast %broadcast_in_dim3A_625 : i1 to vector<16xi1>
          %masked_cumsum3A = tpu.scan <sum>, %select_n3A_624 masked %broadcast_in_dim3A_626 : vector<16xi32>, vector<16xi1> -> vector<16xi32>
          %reduce_max3A_627 = arith.constant true
          %reduce_max3A_628 = vector.broadcast %reduce_max3A_627 : i1 to vector<16xi1>
          %reduce_max3A_629 = arith.constant -2147483648 : i32
          %reduce_max3A_630 = vector.broadcast %reduce_max3A_629 : i32 to vector<16xi32>
          %reduce_max3A_631 = arith.xori %masked_cumsum3A, %reduce_max3A_630 : vector<16xi32>
          %reduce_max3A_632 = tpu.scan <max>, %reduce_max3A_631 masked %reduce_max3A_628 : vector<16xi32>, vector<16xi1> -> vector<16xi32>
          %reduce_max3A_633 = arith.xori %reduce_max3A_632, %reduce_max3A_630 : vector<16xi32>
          %reduce_max3A_634 = vector.extract %reduce_max3A_633[15] : i32 from vector<16xi32>
          %add3A_635 = arith.addi %scan3A_611, %reduce_max3A_634 : i32
          scf.yield %add3A_635 : i32
        }
        %scan3A_378 = arith.constant 4 : i32
        %eq3A_379 = arith.constant 0 : i32
        %eq3A_380 = arith.cmpi eq, %scan3A_19, %eq3A_379 : i32
        %select_n3A_381 = arith.select %eq3A_380, %scan3A_370#2, %reduce_max3A_358 : i32
        %sub3A_382 = arith.subi %select_n3A_362, %scan3A_377 : i32
        %shift_left3A_383 = arith.shli %reduce_max3A_316, %reduce_max3A_129 : i32
        %shift_right_arithmetic3A_384 = arith.shrsi %scan3A_370#0, %reduce_max3A_87 : i32
        %and3A_385 = arith.andi %shift_right_arithmetic3A_384, %reduce_max3A_143 : i32
        %or3A_386 = arith.ori %shift_left3A_383, %and3A_385 : i32
        %shift_left3A_387 = arith.shli %reduce_max3A_330, %reduce_max3A_157 : i32
        %and3A_388 = arith.andi %scan3A_370#0, %reduce_max3A_171 : i32
        %or3A_389 = arith.ori %shift_left3A_387, %and3A_388 : i32
        %eq3A_390 = arith.constant 6 : i32
        %eq3A_391 = arith.cmpi eq, %scan3A_19, %eq3A_390 : i32
        %convert_element_type3A_392 = arith.extui %eq3A_391 : i1 to i32
        %cond3A_393 = arith.constant 0 : i32
        %cond3A_394 = arith.cmpi ne, %convert_element_type3A_392, %cond3A_393 : i32
        scf.if %cond3A_394 {
          %le3A = arith.constant 563 : i32
          %le3A_610 = arith.cmpi sle, %select_n3A_381, %le3A : i32
          %jit3A_611 = arith.constant -1 : i32
          %select_n3A_612 = arith.select %le3A_610, %jit3A_611, %or3A_386 : i32
          %jit3A_613 = arith.constant 0 : i32
          %select_n3A_614 = arith.select %le3A_610, %jit3A_613, %or3A_389 : i32
          %min3A = arith.constant 563 : i32
          %min3A_615 = arith.minsi %select_n3A_381, %min3A : i32
          %iota3A = tpu.iota {dimensions = array<i32: 0>} : vector<16xi32>
          %eq3A_616 = arith.constant 0 : i32
          %eq3A_617 = vector.broadcast %eq3A_616 : i32 to vector<16xi32>
          %eq3A_618 = arith.cmpi eq, %iota3A, %eq3A_617 : vector<16xi32>
          %jit3A_619 = arith.constant 0 : i32
          %broadcast_in_dim3A_620 = vector.broadcast %select_n3A_612 : i32 to vector<16xi32>
          %broadcast_in_dim3A_621 = vector.broadcast %jit3A_619 : i32 to vector<16xi32>
          %select_n3A_622 = arith.select %eq3A_618, %broadcast_in_dim3A_620, %broadcast_in_dim3A_621 : vector<16xi1>, vector<16xi32>
          %iota3A_623 = tpu.iota {dimensions = array<i32: 0>} : vector<16xi32>
          %eq3A_624 = arith.constant 1 : i32
          %eq3A_625 = vector.broadcast %eq3A_624 : i32 to vector<16xi32>
          %eq3A_626 = arith.cmpi eq, %iota3A_623, %eq3A_625 : vector<16xi32>
          %jit3A_627 = arith.constant 0 : i32
          %broadcast_in_dim3A_628 = vector.broadcast %select_n3A_614 : i32 to vector<16xi32>
          %broadcast_in_dim3A_629 = vector.broadcast %jit3A_627 : i32 to vector<16xi32>
          %select_n3A_630 = arith.select %eq3A_626, %broadcast_in_dim3A_628, %broadcast_in_dim3A_629 : vector<16xi1>, vector<16xi32>
          %add3A_631 = arith.addi %select_n3A_622, %select_n3A_630 : vector<16xi32>
          %iota3A_632 = tpu.iota {dimensions = array<i32: 0>} : vector<16xi32>
          %eq3A_633 = arith.constant 2 : i32
          %eq3A_634 = vector.broadcast %eq3A_633 : i32 to vector<16xi32>
          %eq3A_635 = arith.cmpi eq, %iota3A_632, %eq3A_634 : vector<16xi32>
          %jit3A_636 = arith.constant 0 : i32
          %broadcast_in_dim3A_637 = vector.broadcast %min3A_615 : i32 to vector<16xi32>
          %broadcast_in_dim3A_638 = vector.broadcast %jit3A_636 : i32 to vector<16xi32>
          %select_n3A_639 = arith.select %eq3A_635, %broadcast_in_dim3A_637, %broadcast_in_dim3A_638 : vector<16xi1>, vector<16xi32>
          %add3A_640 = arith.addi %add3A_631, %select_n3A_639 : vector<16xi32>
          %swap3A = arith.constant 0 : index
          %swap3A_641 = tpu.vector_load %arg10[%swap3A] {strides = array<i32>} : memref<16xi32, #tpu.memory_space<vmem>>, vector<16xi32>,
          tpu.vector_store %arg10[%swap3A], %add3A_640 {strides = array<i32>} : memref<16xi32, #tpu.memory_space<vmem>>, vector<16xi32>,
          "tpu.region"() ({
            %run_scoped3A = tpu.sem_alloc : memref<!tpu.dma_semaphore, #tpu.memory_space<semaphore_mem>>
            %dma_start3A = arith.constant 0 : i32
            %dma_start3A_642 = tpu.memref_slice %arg4[%add3A_302, %dma_start3A] : memref<64x16xi32, #tpu.memory_space<hbm>> -> memref<1x16xi32, #tpu.memory_space<hbm>>
            %dma_start3A_643 = tpu.memref_squeeze %dma_start3A_642 : memref<1x16xi32, #tpu.memory_space<hbm>> -> memref<16xi32, #tpu.memory_space<hbm>>
            %dma_start3A_644 = arith.constant 0 : i32
            %dma_start3A_645 = tpu.memref_slice %arg4[%add3A_302, %dma_start3A_644] : memref<64x16xi32, #tpu.memory_space<hbm>> -> memref<1x16xi32, #tpu.memory_space<hbm>>
            %dma_start3A_646 = tpu.memref_squeeze %dma_start3A_645 : memref<1x16xi32, #tpu.memory_space<hbm>> -> memref<16xi32, #tpu.memory_space<hbm>>
            tpu.enqueue_dma source(%arg10 : memref<16xi32, #tpu.memory_space<vmem>>) target(%dma_start3A_646 : memref<16xi32, #tpu.memory_space<hbm>>) target_semaphore(%run_scoped3A : memref<!tpu.dma_semaphore, #tpu.memory_space<semaphore_mem>>)
            %dma_wait3A = arith.constant 0 : i32
            %dma_wait3A_647 = tpu.memref_slice %arg4[%add3A_302, %dma_wait3A] : memref<64x16xi32, #tpu.memory_space<hbm>> -> memref<1x16xi32, #tpu.memory_space<hbm>>
            %dma_wait3A_648 = tpu.memref_squeeze %dma_wait3A_647 : memref<1x16xi32, #tpu.memory_space<hbm>> -> memref<16xi32, #tpu.memory_space<hbm>>
            %dma_wait3A_649 = arith.constant 0 : i32
            %dma_wait3A_650 = tpu.memref_slice %arg4[%add3A_302, %dma_wait3A_649] : memref<64x16xi32, #tpu.memory_space<hbm>> -> memref<1x16xi32, #tpu.memory_space<hbm>>
            %dma_wait3A_651 = tpu.memref_squeeze %dma_wait3A_650 : memref<1x16xi32, #tpu.memory_space<hbm>> -> memref<16xi32, #tpu.memory_space<hbm>>
            tpu.wait_dma2 semaphore(%run_scoped3A : memref<!tpu.dma_semaphore, #tpu.memory_space<semaphore_mem>>) src(%arg10 : memref<16xi32, #tpu.memory_space<vmem>>) dst(%dma_wait3A_651 : memref<16xi32, #tpu.memory_space<hbm>>)
            tpu.yield
          }) : () -> ()
        } else {
        }
        %lt3A_395 = arith.constant 6 : i32
        %lt3A_396 = arith.cmpi slt, %scan3A_19, %lt3A_395 : i32
        %convert_element_type3A_397 = arith.extui %lt3A_396 : i1 to i32
        %cond3A_398 = arith.constant 0 : i32
        %cond3A_399 = arith.cmpi ne, %convert_element_type3A_397, %cond3A_398 : i32
        scf.if %cond3A_399 {
          %iota3A = tpu.iota {dimensions = array<i32: 0>} : vector<16xi32>
          %eq3A_610 = arith.constant 0 : i32
          %eq3A_611 = vector.broadcast %eq3A_610 : i32 to vector<16xi32>
          %eq3A_612 = arith.cmpi eq, %iota3A, %eq3A_611 : vector<16xi32>
          %jit3A_613 = arith.constant 0 : i32
          %broadcast_in_dim3A_614 = vector.broadcast %or3A_386 : i32 to vector<16xi32>
          %broadcast_in_dim3A_615 = vector.broadcast %jit3A_613 : i32 to vector<16xi32>
          %select_n3A_616 = arith.select %eq3A_612, %broadcast_in_dim3A_614, %broadcast_in_dim3A_615 : vector<16xi1>, vector<16xi32>
          %iota3A_617 = tpu.iota {dimensions = array<i32: 0>} : vector<16xi32>
          %eq3A_618 = arith.constant 1 : i32
          %eq3A_619 = vector.broadcast %eq3A_618 : i32 to vector<16xi32>
          %eq3A_620 = arith.cmpi eq, %iota3A_617, %eq3A_619 : vector<16xi32>
          %jit3A_621 = arith.constant 0 : i32
          %broadcast_in_dim3A_622 = vector.broadcast %or3A_389 : i32 to vector<16xi32>
          %broadcast_in_dim3A_623 = vector.broadcast %jit3A_621 : i32 to vector<16xi32>
          %select_n3A_624 = arith.select %eq3A_620, %broadcast_in_dim3A_622, %broadcast_in_dim3A_623 : vector<16xi1>, vector<16xi32>
          %add3A_625 = arith.addi %select_n3A_616, %select_n3A_624 : vector<16xi32>
          %iota3A_626 = tpu.iota {dimensions = array<i32: 0>} : vector<16xi32>
          %eq3A_627 = arith.constant 2 : i32
          %eq3A_628 = vector.broadcast %eq3A_627 : i32 to vector<16xi32>
          %eq3A_629 = arith.cmpi eq, %iota3A_626, %eq3A_628 : vector<16xi32>
          %jit3A_630 = arith.constant 0 : i32
          %broadcast_in_dim3A_631 = vector.broadcast %sub3A_382 : i32 to vector<16xi32>
          %broadcast_in_dim3A_632 = vector.broadcast %jit3A_630 : i32 to vector<16xi32>
          %select_n3A_633 = arith.select %eq3A_629, %broadcast_in_dim3A_631, %broadcast_in_dim3A_632 : vector<16xi1>, vector<16xi32>
          %add3A_634 = arith.addi %add3A_625, %select_n3A_633 : vector<16xi32>
          %iota3A_635 = tpu.iota {dimensions = array<i32: 0>} : vector<16xi32>
          %eq3A_636 = arith.constant 3 : i32
          %eq3A_637 = vector.broadcast %eq3A_636 : i32 to vector<16xi32>
          %eq3A_638 = arith.cmpi eq, %iota3A_635, %eq3A_637 : vector<16xi32>
          %jit3A_639 = arith.constant 0 : i32
          %broadcast_in_dim3A_640 = vector.broadcast %select_n3A_381 : i32 to vector<16xi32>
          %broadcast_in_dim3A_641 = vector.broadcast %jit3A_639 : i32 to vector<16xi32>
          %select_n3A_642 = arith.select %eq3A_638, %broadcast_in_dim3A_640, %broadcast_in_dim3A_641 : vector<16xi1>, vector<16xi32>
          %add3A_643 = arith.addi %add3A_634, %select_n3A_642 : vector<16xi32>
          %swap3A = arith.constant 0 : index
          %swap3A_644 = tpu.vector_load %arg10[%swap3A] {strides = array<i32>} : memref<16xi32, #tpu.memory_space<vmem>>, vector<16xi32>,
          tpu.vector_store %arg10[%swap3A], %add3A_643 {strides = array<i32>} : memref<16xi32, #tpu.memory_space<vmem>>, vector<16xi32>,
          %mul3A_645 = arith.constant 16 : i32
          %mul3A_646 = arith.muli %add3A_302, %mul3A_645 : i32
          "tpu.region"() ({
            %run_scoped3A = tpu.sem_alloc : memref<!tpu.dma_semaphore, #tpu.memory_space<semaphore_mem>>
            %dma_start3A = tpu.memref_slice %arg13[%mul3A_646] : memref<1024xi32, #tpu.memory_space<vmem_shared>> -> memref<16xi32, #tpu.memory_space<vmem_shared>>
            %dma_start3A_647 = tpu.memref_slice %arg13[%mul3A_646] : memref<1024xi32, #tpu.memory_space<vmem_shared>> -> memref<16xi32, #tpu.memory_space<vmem_shared>>
            tpu.enqueue_dma source(%arg10 : memref<16xi32, #tpu.memory_space<vmem>>) target(%dma_start3A_647 : memref<16xi32, #tpu.memory_space<vmem_shared>>) target_semaphore(%run_scoped3A : memref<!tpu.dma_semaphore, #tpu.memory_space<semaphore_mem>>)
            %dma_wait3A = tpu.memref_slice %arg13[%mul3A_646] : memref<1024xi32, #tpu.memory_space<vmem_shared>> -> memref<16xi32, #tpu.memory_space<vmem_shared>>
            %dma_wait3A_648 = tpu.memref_slice %arg13[%mul3A_646] : memref<1024xi32, #tpu.memory_space<vmem_shared>> -> memref<16xi32, #tpu.memory_space<vmem_shared>>
            tpu.wait_dma2 semaphore(%run_scoped3A : memref<!tpu.dma_semaphore, #tpu.memory_space<semaphore_mem>>) src(%arg10 : memref<16xi32, #tpu.memory_space<vmem>>) dst(%dma_wait3A_648 : memref<16xi32, #tpu.memory_space<vmem_shared>>)
            tpu.yield
          }) : () -> ()
        } else {
        }
        %mul3A_400 = arith.constant 4 : i32
        %mul3A_401 = arith.muli %mul3A_400, %arg1 : i32
        %add3A_402 = arith.constant 2 : i32
        %add3A_403 = arith.addi %mul3A_401, %add3A_402 : i32
        %mul3A_404 = arith.constant 16 : i32
        %mul3A_405 = arith.muli %add3A_403, %mul3A_404 : i32
        %add3A_406 = arith.constant 0 : i32
        %add3A_407 = arith.addi %mul3A_405, %add3A_406 : i32
        %broadcast_in_dim3A_408 = vector.broadcast %add3A_407 : i32 to vector<16xi32>
        %gather3A_409 = tpu.vector_load_idx %arg9[%broadcast_in_dim3A_408] : memref<1024xi32, #tpu.memory_space<vmem>>[vector<16xi32>], vector<16xi32>,
        %reduce_max3A_410 = arith.constant true
        %reduce_max3A_411 = vector.broadcast %reduce_max3A_410 : i1 to vector<16xi1>
        %reduce_max3A_412 = arith.constant -2147483648 : i32
        %reduce_max3A_413 = vector.broadcast %reduce_max3A_412 : i32 to vector<16xi32>
        %reduce_max3A_414 = arith.xori %gather3A_409, %reduce_max3A_413 : vector<16xi32>
        %reduce_max3A_415 = tpu.scan <max>, %reduce_max3A_414 masked %reduce_max3A_411 : vector<16xi32>, vector<16xi1> -> vector<16xi32>
        %reduce_max3A_416 = arith.xori %reduce_max3A_415, %reduce_max3A_413 : vector<16xi32>
        %reduce_max3A_417 = vector.extract %reduce_max3A_416[15] : i32 from vector<16xi32>
        %mul3A_418 = arith.constant 16 : i32
        %mul3A_419 = arith.muli %add3A_403, %mul3A_418 : i32
        %add3A_420 = arith.constant 1 : i32
        %add3A_421 = arith.addi %mul3A_419, %add3A_420 : i32
        %broadcast_in_dim3A_422 = vector.broadcast %add3A_421 : i32 to vector<16xi32>
        %gather3A_423 = tpu.vector_load_idx %arg9[%broadcast_in_dim3A_422] : memref<1024xi32, #tpu.memory_space<vmem>>[vector<16xi32>], vector<16xi32>,
        %reduce_max3A_424 = arith.constant true
        %reduce_max3A_425 = vector.broadcast %reduce_max3A_424 : i1 to vector<16xi1>
        %reduce_max3A_426 = arith.constant -2147483648 : i32
        %reduce_max3A_427 = vector.broadcast %reduce_max3A_426 : i32 to vector<16xi32>
        %reduce_max3A_428 = arith.xori %gather3A_423, %reduce_max3A_427 : vector<16xi32>
        %reduce_max3A_429 = tpu.scan <max>, %reduce_max3A_428 masked %reduce_max3A_425 : vector<16xi32>, vector<16xi1> -> vector<16xi32>
        %reduce_max3A_430 = arith.xori %reduce_max3A_429, %reduce_max3A_427 : vector<16xi32>
        %reduce_max3A_431 = vector.extract %reduce_max3A_430[15] : i32 from vector<16xi32>
        %mul3A_432 = arith.constant 16 : i32
        %mul3A_433 = arith.muli %add3A_403, %mul3A_432 : i32
        %add3A_434 = arith.constant 2 : i32
        %add3A_435 = arith.addi %mul3A_433, %add3A_434 : i32
        %broadcast_in_dim3A_436 = vector.broadcast %add3A_435 : i32 to vector<16xi32>
        %gather3A_437 = tpu.vector_load_idx %arg9[%broadcast_in_dim3A_436] : memref<1024xi32, #tpu.memory_space<vmem>>[vector<16xi32>], vector<16xi32>,
        %reduce_max3A_438 = arith.constant true
        %reduce_max3A_439 = vector.broadcast %reduce_max3A_438 : i1 to vector<16xi1>
        %reduce_max3A_440 = arith.constant -2147483648 : i32
        %reduce_max3A_441 = vector.broadcast %reduce_max3A_440 : i32 to vector<16xi32>
        %reduce_max3A_442 = arith.xori %gather3A_437, %reduce_max3A_441 : vector<16xi32>
        %reduce_max3A_443 = tpu.scan <max>, %reduce_max3A_442 masked %reduce_max3A_439 : vector<16xi32>, vector<16xi1> -> vector<16xi32>
        %reduce_max3A_444 = arith.xori %reduce_max3A_443, %reduce_max3A_441 : vector<16xi32>
        %reduce_max3A_445 = vector.extract %reduce_max3A_444[15] : i32 from vector<16xi32>
        %mul3A_446 = arith.constant 16 : i32
        %mul3A_447 = arith.muli %add3A_403, %mul3A_446 : i32
        %add3A_448 = arith.constant 3 : i32
        %add3A_449 = arith.addi %mul3A_447, %add3A_448 : i32
        %broadcast_in_dim3A_450 = vector.broadcast %add3A_449 : i32 to vector<16xi32>
        %gather3A_451 = tpu.vector_load_idx %arg9[%broadcast_in_dim3A_450] : memref<1024xi32, #tpu.memory_space<vmem>>[vector<16xi32>], vector<16xi32>,
        %reduce_max3A_452 = arith.constant true
        %reduce_max3A_453 = vector.broadcast %reduce_max3A_452 : i1 to vector<16xi1>
        %reduce_max3A_454 = arith.constant -2147483648 : i32
        %reduce_max3A_455 = vector.broadcast %reduce_max3A_454 : i32 to vector<16xi32>
        %reduce_max3A_456 = arith.xori %gather3A_451, %reduce_max3A_455 : vector<16xi32>
        %reduce_max3A_457 = tpu.scan <max>, %reduce_max3A_456 masked %reduce_max3A_453 : vector<16xi32>, vector<16xi1> -> vector<16xi32>
        %reduce_max3A_458 = arith.xori %reduce_max3A_457, %reduce_max3A_455 : vector<16xi32>
        %reduce_max3A_459 = vector.extract %reduce_max3A_458[15] : i32 from vector<16xi32>
        %eq3A_460 = arith.constant 0 : i32
        %eq3A_461 = arith.cmpi eq, %scan3A_19, %eq3A_460 : i32
        %jit3A_462 = arith.constant 563 : i32
        %select_n3A_463 = arith.select %eq3A_461, %jit3A_462, %reduce_max3A_445 : i32
        %scan3A_464 = arith.constant -1 : i32
        %scan3A_465 = arith.constant 0 : i32
        %scan3A_466 = arith.constant 0 : i32
        %scan3A_467 = arith.constant 0 : i32
        %scan3A_468 = arith.constant 4 : i32
        %scan3A_469 = arith.addi %scan3A_467, %scan3A_468 : i32
        %scan3A_470 = arith.constant 1 : i32
        %scan3A_471:3 = scf.for %scan3A_610 = %scan3A_467 to %scan3A_469 step %scan3A_470 iter_args(%scan3A_611 = %scan3A_464, %scan3A_612 = %scan3A_465, %scan3A_613 = %scan3A_466) -> (i32, i32, i32)  : i32 {
          %sub3A_614 = arith.constant 3 : i32
          %sub3A_615 = arith.subi %sub3A_614, %scan3A_610 : i32
          %mul3A_616 = arith.constant 16 : i32
          %mul3A_617 = arith.muli %sub3A_615, %mul3A_616 : i32
          %add3A_618 = arith.constant 128 : i32
          %add3A_619 = arith.addi %add3A_618, %mul3A_617 : i32
          %get3A = arith.index_cast %add3A_619 : i32 to index
          %get3A_620 = tpu.vector_load %arg7[%get3A] {strides = array<i32>} : memref<256xi32, #tpu.memory_space<vmem>>, vector<16xi32>,
          %rev3A = arith.constant 15 : i32
          %rev3A_621 = vector.broadcast %rev3A : i32 to vector<16xi32>
          %rev3A_622 = tpu.iota {dimensions = array<i32: 0>} : vector<16xi32>
          %rev3A_623 = arith.subi %rev3A_621, %rev3A_622 : vector<16xi32>
          %rev3A_624 = tpu.dynamic_gather %get3A_620[%rev3A_623] in [0] : vector<16xi32>, vector<16xi32> -> vector<16xi32>
          %broadcast_in_dim3A_625 = arith.constant true
          %broadcast_in_dim3A_626 = vector.broadcast %broadcast_in_dim3A_625 : i1 to vector<16xi1>
          %masked_cumsum3A = tpu.scan <sum>, %rev3A_624 masked %broadcast_in_dim3A_626 : vector<16xi32>, vector<16xi1> -> vector<16xi32>
          %rev3A_627 = arith.constant 15 : i32
          %rev3A_628 = vector.broadcast %rev3A_627 : i32 to vector<16xi32>
          %rev3A_629 = tpu.iota {dimensions = array<i32: 0>} : vector<16xi32>
          %rev3A_630 = arith.subi %rev3A_628, %rev3A_629 : vector<16xi32>
          %rev3A_631 = tpu.dynamic_gather %masked_cumsum3A[%rev3A_630] in [0] : vector<16xi32>, vector<16xi32> -> vector<16xi32>
          %add3A_632 = vector.broadcast %scan3A_612 : i32 to vector<16xi32>
          %add3A_633 = arith.addi %rev3A_631, %add3A_632 : vector<16xi32>
          %ge3A = vector.broadcast %select_n3A_463 : i32 to vector<16xi32>
          %ge3A_634 = arith.cmpi sge, %add3A_633, %ge3A : vector<16xi32>
          %iota3A = tpu.iota {dimensions = array<i32: 0>} : vector<16xi32>
          %sub3A_635 = arith.constant 3 : i32
          %sub3A_636 = arith.subi %sub3A_635, %scan3A_610 : i32
          %mul3A_637 = arith.constant 16 : i32
          %mul3A_638 = arith.muli %sub3A_636, %mul3A_637 : i32
          %add3A_639 = vector.broadcast %mul3A_638 : i32 to vector<16xi32>
          %add3A_640 = arith.addi %iota3A, %add3A_639 : vector<16xi32>
          %jit3A_641 = arith.constant -1 : i32
          %broadcast_in_dim3A_642 = vector.broadcast %jit3A_641 : i32 to vector<16xi32>
          %select_n3A_643 = arith.select %ge3A_634, %add3A_640, %broadcast_in_dim3A_642 : vector<16xi1>, vector<16xi32>
          %reduce_max3A_644 = arith.constant true
          %reduce_max3A_645 = vector.broadcast %reduce_max3A_644 : i1 to vector<16xi1>
          %reduce_max3A_646 = arith.constant -2147483648 : i32
          %reduce_max3A_647 = vector.broadcast %reduce_max3A_646 : i32 to vector<16xi32>
          %reduce_max3A_648 = arith.xori %select_n3A_643, %reduce_max3A_647 : vector<16xi32>
          %reduce_max3A_649 = tpu.scan <max>, %reduce_max3A_648 masked %reduce_max3A_645 : vector<16xi32>, vector<16xi1> -> vector<16xi32>
          %reduce_max3A_650 = arith.xori %reduce_max3A_649, %reduce_max3A_647 : vector<16xi32>
          %reduce_max3A_651 = vector.extract %reduce_max3A_650[15] : i32 from vector<16xi32>
          %broadcast_in_dim3A_652 = arith.constant true
          %broadcast_in_dim3A_653 = vector.broadcast %broadcast_in_dim3A_652 : i1 to vector<16xi1>
          %masked_cumsum3A_654 = tpu.scan <sum>, %get3A_620 masked %broadcast_in_dim3A_653 : vector<16xi32>, vector<16xi1> -> vector<16xi32>
          %reduce_max3A_655 = arith.constant true
          %reduce_max3A_656 = vector.broadcast %reduce_max3A_655 : i1 to vector<16xi1>
          %reduce_max3A_657 = arith.constant -2147483648 : i32
          %reduce_max3A_658 = vector.broadcast %reduce_max3A_657 : i32 to vector<16xi32>
          %reduce_max3A_659 = arith.xori %masked_cumsum3A_654, %reduce_max3A_658 : vector<16xi32>
          %reduce_max3A_660 = tpu.scan <max>, %reduce_max3A_659 masked %reduce_max3A_656 : vector<16xi32>, vector<16xi1> -> vector<16xi32>
          %reduce_max3A_661 = arith.xori %reduce_max3A_660, %reduce_max3A_658 : vector<16xi32>
          %reduce_max3A_662 = vector.extract %reduce_max3A_661[15] : i32 from vector<16xi32>
          %max3A = arith.maxsi %scan3A_611, %reduce_max3A_651 : i32
          %add3A_663 = arith.addi %scan3A_612, %reduce_max3A_662 : i32
          %add3A_664 = arith.addi %scan3A_613, %reduce_max3A_662 : i32
          scf.yield %max3A, %add3A_663, %add3A_664 : i32, i32, i32
        }
        %scan3A_472 = arith.constant 4 : i32
        %scan3A_473 = arith.constant 0 : i32
        %scan3A_474 = arith.constant 0 : i32
        %scan3A_475 = arith.constant 4 : i32
        %scan3A_476 = arith.addi %scan3A_474, %scan3A_475 : i32
        %scan3A_477 = arith.constant 1 : i32
        %scan3A_478 = scf.for %scan3A_610 = %scan3A_474 to %scan3A_476 step %scan3A_477 iter_args(%scan3A_611 = %scan3A_473) -> (i32)  : i32 {
          %mul3A_612 = arith.constant 16 : i32
          %mul3A_613 = arith.muli %scan3A_610, %mul3A_612 : i32
          %add3A_614 = arith.constant 128 : i32
          %add3A_615 = arith.addi %add3A_614, %mul3A_613 : i32
          %get3A = arith.index_cast %add3A_615 : i32 to index
          %get3A_616 = tpu.vector_load %arg7[%get3A] {strides = array<i32>} : memref<256xi32, #tpu.memory_space<vmem>>, vector<16xi32>,
          %iota3A = tpu.iota {dimensions = array<i32: 0>} : vector<16xi32>
          %mul3A_617 = arith.constant 16 : i32
          %mul3A_618 = arith.muli %scan3A_610, %mul3A_617 : i32
          %add3A_619 = vector.broadcast %mul3A_618 : i32 to vector<16xi32>
          %add3A_620 = arith.addi %iota3A, %add3A_619 : vector<16xi32>
          %gt3A = vector.broadcast %scan3A_471#0 : i32 to vector<16xi32>
          %gt3A_621 = arith.cmpi sgt, %add3A_620, %gt3A : vector<16xi32>
          %jit3A_622 = arith.constant 0 : i32
          %broadcast_in_dim3A_623 = vector.broadcast %jit3A_622 : i32 to vector<16xi32>
          %select_n3A_624 = arith.select %gt3A_621, %get3A_616, %broadcast_in_dim3A_623 : vector<16xi1>, vector<16xi32>
          %broadcast_in_dim3A_625 = arith.constant true
          %broadcast_in_dim3A_626 = vector.broadcast %broadcast_in_dim3A_625 : i1 to vector<16xi1>
          %masked_cumsum3A = tpu.scan <sum>, %select_n3A_624 masked %broadcast_in_dim3A_626 : vector<16xi32>, vector<16xi1> -> vector<16xi32>
          %reduce_max3A_627 = arith.constant true
          %reduce_max3A_628 = vector.broadcast %reduce_max3A_627 : i1 to vector<16xi1>
          %reduce_max3A_629 = arith.constant -2147483648 : i32
          %reduce_max3A_630 = vector.broadcast %reduce_max3A_629 : i32 to vector<16xi32>
          %reduce_max3A_631 = arith.xori %masked_cumsum3A, %reduce_max3A_630 : vector<16xi32>
          %reduce_max3A_632 = tpu.scan <max>, %reduce_max3A_631 masked %reduce_max3A_628 : vector<16xi32>, vector<16xi1> -> vector<16xi32>
          %reduce_max3A_633 = arith.xori %reduce_max3A_632, %reduce_max3A_630 : vector<16xi32>
          %reduce_max3A_634 = vector.extract %reduce_max3A_633[15] : i32 from vector<16xi32>
          %add3A_635 = arith.addi %scan3A_611, %reduce_max3A_634 : i32
          scf.yield %add3A_635 : i32
        }
        %scan3A_479 = arith.constant 4 : i32
        %eq3A_480 = arith.constant 0 : i32
        %eq3A_481 = arith.cmpi eq, %scan3A_19, %eq3A_480 : i32
        %select_n3A_482 = arith.select %eq3A_481, %scan3A_471#2, %reduce_max3A_459 : i32
        %sub3A_483 = arith.subi %select_n3A_463, %scan3A_478 : i32
        %shift_left3A_484 = arith.shli %reduce_max3A_417, %reduce_max3A_129 : i32
        %shift_right_arithmetic3A_485 = arith.shrsi %scan3A_471#0, %reduce_max3A_87 : i32
        %and3A_486 = arith.andi %shift_right_arithmetic3A_485, %reduce_max3A_143 : i32
        %or3A_487 = arith.ori %shift_left3A_484, %and3A_486 : i32
        %shift_left3A_488 = arith.shli %reduce_max3A_431, %reduce_max3A_157 : i32
        %and3A_489 = arith.andi %scan3A_471#0, %reduce_max3A_171 : i32
        %or3A_490 = arith.ori %shift_left3A_488, %and3A_489 : i32
        %eq3A_491 = arith.constant 6 : i32
        %eq3A_492 = arith.cmpi eq, %scan3A_19, %eq3A_491 : i32
        %convert_element_type3A_493 = arith.extui %eq3A_492 : i1 to i32
        %cond3A_494 = arith.constant 0 : i32
        %cond3A_495 = arith.cmpi ne, %convert_element_type3A_493, %cond3A_494 : i32
        scf.if %cond3A_495 {
          %le3A = arith.constant 563 : i32
          %le3A_610 = arith.cmpi sle, %select_n3A_482, %le3A : i32
          %jit3A_611 = arith.constant -1 : i32
          %select_n3A_612 = arith.select %le3A_610, %jit3A_611, %or3A_487 : i32
          %jit3A_613 = arith.constant 0 : i32
          %select_n3A_614 = arith.select %le3A_610, %jit3A_613, %or3A_490 : i32
          %min3A = arith.constant 563 : i32
          %min3A_615 = arith.minsi %select_n3A_482, %min3A : i32
          %iota3A = tpu.iota {dimensions = array<i32: 0>} : vector<16xi32>
          %eq3A_616 = arith.constant 0 : i32
          %eq3A_617 = vector.broadcast %eq3A_616 : i32 to vector<16xi32>
          %eq3A_618 = arith.cmpi eq, %iota3A, %eq3A_617 : vector<16xi32>
          %jit3A_619 = arith.constant 0 : i32
          %broadcast_in_dim3A_620 = vector.broadcast %select_n3A_612 : i32 to vector<16xi32>
          %broadcast_in_dim3A_621 = vector.broadcast %jit3A_619 : i32 to vector<16xi32>
          %select_n3A_622 = arith.select %eq3A_618, %broadcast_in_dim3A_620, %broadcast_in_dim3A_621 : vector<16xi1>, vector<16xi32>
          %iota3A_623 = tpu.iota {dimensions = array<i32: 0>} : vector<16xi32>
          %eq3A_624 = arith.constant 1 : i32
          %eq3A_625 = vector.broadcast %eq3A_624 : i32 to vector<16xi32>
          %eq3A_626 = arith.cmpi eq, %iota3A_623, %eq3A_625 : vector<16xi32>
          %jit3A_627 = arith.constant 0 : i32
          %broadcast_in_dim3A_628 = vector.broadcast %select_n3A_614 : i32 to vector<16xi32>
          %broadcast_in_dim3A_629 = vector.broadcast %jit3A_627 : i32 to vector<16xi32>
          %select_n3A_630 = arith.select %eq3A_626, %broadcast_in_dim3A_628, %broadcast_in_dim3A_629 : vector<16xi1>, vector<16xi32>
          %add3A_631 = arith.addi %select_n3A_622, %select_n3A_630 : vector<16xi32>
          %iota3A_632 = tpu.iota {dimensions = array<i32: 0>} : vector<16xi32>
          %eq3A_633 = arith.constant 2 : i32
          %eq3A_634 = vector.broadcast %eq3A_633 : i32 to vector<16xi32>
          %eq3A_635 = arith.cmpi eq, %iota3A_632, %eq3A_634 : vector<16xi32>
          %jit3A_636 = arith.constant 0 : i32
          %broadcast_in_dim3A_637 = vector.broadcast %min3A_615 : i32 to vector<16xi32>
          %broadcast_in_dim3A_638 = vector.broadcast %jit3A_636 : i32 to vector<16xi32>
          %select_n3A_639 = arith.select %eq3A_635, %broadcast_in_dim3A_637, %broadcast_in_dim3A_638 : vector<16xi1>, vector<16xi32>
          %add3A_640 = arith.addi %add3A_631, %select_n3A_639 : vector<16xi32>
          %swap3A = arith.constant 0 : index
          %swap3A_641 = tpu.vector_load %arg10[%swap3A] {strides = array<i32>} : memref<16xi32, #tpu.memory_space<vmem>>, vector<16xi32>,
          tpu.vector_store %arg10[%swap3A], %add3A_640 {strides = array<i32>} : memref<16xi32, #tpu.memory_space<vmem>>, vector<16xi32>,
          "tpu.region"() ({
            %run_scoped3A = tpu.sem_alloc : memref<!tpu.dma_semaphore, #tpu.memory_space<semaphore_mem>>
            %dma_start3A = arith.constant 0 : i32
            %dma_start3A_642 = tpu.memref_slice %arg4[%add3A_403, %dma_start3A] : memref<64x16xi32, #tpu.memory_space<hbm>> -> memref<1x16xi32, #tpu.memory_space<hbm>>
            %dma_start3A_643 = tpu.memref_squeeze %dma_start3A_642 : memref<1x16xi32, #tpu.memory_space<hbm>> -> memref<16xi32, #tpu.memory_space<hbm>>
            %dma_start3A_644 = arith.constant 0 : i32
            %dma_start3A_645 = tpu.memref_slice %arg4[%add3A_403, %dma_start3A_644] : memref<64x16xi32, #tpu.memory_space<hbm>> -> memref<1x16xi32, #tpu.memory_space<hbm>>
            %dma_start3A_646 = tpu.memref_squeeze %dma_start3A_645 : memref<1x16xi32, #tpu.memory_space<hbm>> -> memref<16xi32, #tpu.memory_space<hbm>>
            tpu.enqueue_dma source(%arg10 : memref<16xi32, #tpu.memory_space<vmem>>) target(%dma_start3A_646 : memref<16xi32, #tpu.memory_space<hbm>>) target_semaphore(%run_scoped3A : memref<!tpu.dma_semaphore, #tpu.memory_space<semaphore_mem>>)
            %dma_wait3A = arith.constant 0 : i32
            %dma_wait3A_647 = tpu.memref_slice %arg4[%add3A_403, %dma_wait3A] : memref<64x16xi32, #tpu.memory_space<hbm>> -> memref<1x16xi32, #tpu.memory_space<hbm>>
            %dma_wait3A_648 = tpu.memref_squeeze %dma_wait3A_647 : memref<1x16xi32, #tpu.memory_space<hbm>> -> memref<16xi32, #tpu.memory_space<hbm>>
            %dma_wait3A_649 = arith.constant 0 : i32
            %dma_wait3A_650 = tpu.memref_slice %arg4[%add3A_403, %dma_wait3A_649] : memref<64x16xi32, #tpu.memory_space<hbm>> -> memref<1x16xi32, #tpu.memory_space<hbm>>
            %dma_wait3A_651 = tpu.memref_squeeze %dma_wait3A_650 : memref<1x16xi32, #tpu.memory_space<hbm>> -> memref<16xi32, #tpu.memory_space<hbm>>
            tpu.wait_dma2 semaphore(%run_scoped3A : memref<!tpu.dma_semaphore, #tpu.memory_space<semaphore_mem>>) src(%arg10 : memref<16xi32, #tpu.memory_space<vmem>>) dst(%dma_wait3A_651 : memref<16xi32, #tpu.memory_space<hbm>>)
            tpu.yield
          }) : () -> ()
        } else {
        }
        %lt3A_496 = arith.constant 6 : i32
        %lt3A_497 = arith.cmpi slt, %scan3A_19, %lt3A_496 : i32
        %convert_element_type3A_498 = arith.extui %lt3A_497 : i1 to i32
        %cond3A_499 = arith.constant 0 : i32
        %cond3A_500 = arith.cmpi ne, %convert_element_type3A_498, %cond3A_499 : i32
        scf.if %cond3A_500 {
          %iota3A = tpu.iota {dimensions = array<i32: 0>} : vector<16xi32>
          %eq3A_610 = arith.constant 0 : i32
          %eq3A_611 = vector.broadcast %eq3A_610 : i32 to vector<16xi32>
          %eq3A_612 = arith.cmpi eq, %iota3A, %eq3A_611 : vector<16xi32>
          %jit3A_613 = arith.constant 0 : i32
          %broadcast_in_dim3A_614 = vector.broadcast %or3A_487 : i32 to vector<16xi32>
          %broadcast_in_dim3A_615 = vector.broadcast %jit3A_613 : i32 to vector<16xi32>
          %select_n3A_616 = arith.select %eq3A_612, %broadcast_in_dim3A_614, %broadcast_in_dim3A_615 : vector<16xi1>, vector<16xi32>
          %iota3A_617 = tpu.iota {dimensions = array<i32: 0>} : vector<16xi32>
          %eq3A_618 = arith.constant 1 : i32
          %eq3A_619 = vector.broadcast %eq3A_618 : i32 to vector<16xi32>
          %eq3A_620 = arith.cmpi eq, %iota3A_617, %eq3A_619 : vector<16xi32>
          %jit3A_621 = arith.constant 0 : i32
          %broadcast_in_dim3A_622 = vector.broadcast %or3A_490 : i32 to vector<16xi32>
          %broadcast_in_dim3A_623 = vector.broadcast %jit3A_621 : i32 to vector<16xi32>
          %select_n3A_624 = arith.select %eq3A_620, %broadcast_in_dim3A_622, %broadcast_in_dim3A_623 : vector<16xi1>, vector<16xi32>
          %add3A_625 = arith.addi %select_n3A_616, %select_n3A_624 : vector<16xi32>
          %iota3A_626 = tpu.iota {dimensions = array<i32: 0>} : vector<16xi32>
          %eq3A_627 = arith.constant 2 : i32
          %eq3A_628 = vector.broadcast %eq3A_627 : i32 to vector<16xi32>
          %eq3A_629 = arith.cmpi eq, %iota3A_626, %eq3A_628 : vector<16xi32>
          %jit3A_630 = arith.constant 0 : i32
          %broadcast_in_dim3A_631 = vector.broadcast %sub3A_483 : i32 to vector<16xi32>
          %broadcast_in_dim3A_632 = vector.broadcast %jit3A_630 : i32 to vector<16xi32>
          %select_n3A_633 = arith.select %eq3A_629, %broadcast_in_dim3A_631, %broadcast_in_dim3A_632 : vector<16xi1>, vector<16xi32>
          %add3A_634 = arith.addi %add3A_625, %select_n3A_633 : vector<16xi32>
          %iota3A_635 = tpu.iota {dimensions = array<i32: 0>} : vector<16xi32>
          %eq3A_636 = arith.constant 3 : i32
          %eq3A_637 = vector.broadcast %eq3A_636 : i32 to vector<16xi32>
          %eq3A_638 = arith.cmpi eq, %iota3A_635, %eq3A_637 : vector<16xi32>
          %jit3A_639 = arith.constant 0 : i32
          %broadcast_in_dim3A_640 = vector.broadcast %select_n3A_482 : i32 to vector<16xi32>
          %broadcast_in_dim3A_641 = vector.broadcast %jit3A_639 : i32 to vector<16xi32>
          %select_n3A_642 = arith.select %eq3A_638, %broadcast_in_dim3A_640, %broadcast_in_dim3A_641 : vector<16xi1>, vector<16xi32>
          %add3A_643 = arith.addi %add3A_634, %select_n3A_642 : vector<16xi32>
          %swap3A = arith.constant 0 : index
          %swap3A_644 = tpu.vector_load %arg10[%swap3A] {strides = array<i32>} : memref<16xi32, #tpu.memory_space<vmem>>, vector<16xi32>,
          tpu.vector_store %arg10[%swap3A], %add3A_643 {strides = array<i32>} : memref<16xi32, #tpu.memory_space<vmem>>, vector<16xi32>,
          %mul3A_645 = arith.constant 16 : i32
          %mul3A_646 = arith.muli %add3A_403, %mul3A_645 : i32
          "tpu.region"() ({
            %run_scoped3A = tpu.sem_alloc : memref<!tpu.dma_semaphore, #tpu.memory_space<semaphore_mem>>
            %dma_start3A = tpu.memref_slice %arg13[%mul3A_646] : memref<1024xi32, #tpu.memory_space<vmem_shared>> -> memref<16xi32, #tpu.memory_space<vmem_shared>>
            %dma_start3A_647 = tpu.memref_slice %arg13[%mul3A_646] : memref<1024xi32, #tpu.memory_space<vmem_shared>> -> memref<16xi32, #tpu.memory_space<vmem_shared>>
            tpu.enqueue_dma source(%arg10 : memref<16xi32, #tpu.memory_space<vmem>>) target(%dma_start3A_647 : memref<16xi32, #tpu.memory_space<vmem_shared>>) target_semaphore(%run_scoped3A : memref<!tpu.dma_semaphore, #tpu.memory_space<semaphore_mem>>)
            %dma_wait3A = tpu.memref_slice %arg13[%mul3A_646] : memref<1024xi32, #tpu.memory_space<vmem_shared>> -> memref<16xi32, #tpu.memory_space<vmem_shared>>
            %dma_wait3A_648 = tpu.memref_slice %arg13[%mul3A_646] : memref<1024xi32, #tpu.memory_space<vmem_shared>> -> memref<16xi32, #tpu.memory_space<vmem_shared>>
            tpu.wait_dma2 semaphore(%run_scoped3A : memref<!tpu.dma_semaphore, #tpu.memory_space<semaphore_mem>>) src(%arg10 : memref<16xi32, #tpu.memory_space<vmem>>) dst(%dma_wait3A_648 : memref<16xi32, #tpu.memory_space<vmem_shared>>)
            tpu.yield
          }) : () -> ()
        } else {
        }
        %mul3A_501 = arith.constant 4 : i32
        %mul3A_502 = arith.muli %mul3A_501, %arg1 : i32
        %add3A_503 = arith.constant 3 : i32
        %add3A_504 = arith.addi %mul3A_502, %add3A_503 : i32
        %mul3A_505 = arith.constant 16 : i32
        %mul3A_506 = arith.muli %add3A_504, %mul3A_505 : i32
        %add3A_507 = arith.constant 0 : i32
        %add3A_508 = arith.addi %mul3A_506, %add3A_507 : i32
        %broadcast_in_dim3A_509 = vector.broadcast %add3A_508 : i32 to vector<16xi32>
        %gather3A_510 = tpu.vector_load_idx %arg9[%broadcast_in_dim3A_509] : memref<1024xi32, #tpu.memory_space<vmem>>[vector<16xi32>], vector<16xi32>,
        %reduce_max3A_511 = arith.constant true
        %reduce_max3A_512 = vector.broadcast %reduce_max3A_511 : i1 to vector<16xi1>
        %reduce_max3A_513 = arith.constant -2147483648 : i32
        %reduce_max3A_514 = vector.broadcast %reduce_max3A_513 : i32 to vector<16xi32>
        %reduce_max3A_515 = arith.xori %gather3A_510, %reduce_max3A_514 : vector<16xi32>
        %reduce_max3A_516 = tpu.scan <max>, %reduce_max3A_515 masked %reduce_max3A_512 : vector<16xi32>, vector<16xi1> -> vector<16xi32>
        %reduce_max3A_517 = arith.xori %reduce_max3A_516, %reduce_max3A_514 : vector<16xi32>
        %reduce_max3A_518 = vector.extract %reduce_max3A_517[15] : i32 from vector<16xi32>
        %mul3A_519 = arith.constant 16 : i32
        %mul3A_520 = arith.muli %add3A_504, %mul3A_519 : i32
        %add3A_521 = arith.constant 1 : i32
        %add3A_522 = arith.addi %mul3A_520, %add3A_521 : i32
        %broadcast_in_dim3A_523 = vector.broadcast %add3A_522 : i32 to vector<16xi32>
        %gather3A_524 = tpu.vector_load_idx %arg9[%broadcast_in_dim3A_523] : memref<1024xi32, #tpu.memory_space<vmem>>[vector<16xi32>], vector<16xi32>,
        %reduce_max3A_525 = arith.constant true
        %reduce_max3A_526 = vector.broadcast %reduce_max3A_525 : i1 to vector<16xi1>
        %reduce_max3A_527 = arith.constant -2147483648 : i32
        %reduce_max3A_528 = vector.broadcast %reduce_max3A_527 : i32 to vector<16xi32>
        %reduce_max3A_529 = arith.xori %gather3A_524, %reduce_max3A_528 : vector<16xi32>
        %reduce_max3A_530 = tpu.scan <max>, %reduce_max3A_529 masked %reduce_max3A_526 : vector<16xi32>, vector<16xi1> -> vector<16xi32>
        %reduce_max3A_531 = arith.xori %reduce_max3A_530, %reduce_max3A_528 : vector<16xi32>
        %reduce_max3A_532 = vector.extract %reduce_max3A_531[15] : i32 from vector<16xi32>
        %mul3A_533 = arith.constant 16 : i32
        %mul3A_534 = arith.muli %add3A_504, %mul3A_533 : i32
        %add3A_535 = arith.constant 2 : i32
        %add3A_536 = arith.addi %mul3A_534, %add3A_535 : i32
        %broadcast_in_dim3A_537 = vector.broadcast %add3A_536 : i32 to vector<16xi32>
        %gather3A_538 = tpu.vector_load_idx %arg9[%broadcast_in_dim3A_537] : memref<1024xi32, #tpu.memory_space<vmem>>[vector<16xi32>], vector<16xi32>,
        %reduce_max3A_539 = arith.constant true
        %reduce_max3A_540 = vector.broadcast %reduce_max3A_539 : i1 to vector<16xi1>
        %reduce_max3A_541 = arith.constant -2147483648 : i32
        %reduce_max3A_542 = vector.broadcast %reduce_max3A_541 : i32 to vector<16xi32>
        %reduce_max3A_543 = arith.xori %gather3A_538, %reduce_max3A_542 : vector<16xi32>
        %reduce_max3A_544 = tpu.scan <max>, %reduce_max3A_543 masked %reduce_max3A_540 : vector<16xi32>, vector<16xi1> -> vector<16xi32>
        %reduce_max3A_545 = arith.xori %reduce_max3A_544, %reduce_max3A_542 : vector<16xi32>
        %reduce_max3A_546 = vector.extract %reduce_max3A_545[15] : i32 from vector<16xi32>
        %mul3A_547 = arith.constant 16 : i32
        %mul3A_548 = arith.muli %add3A_504, %mul3A_547 : i32
        %add3A_549 = arith.constant 3 : i32
        %add3A_550 = arith.addi %mul3A_548, %add3A_549 : i32
        %broadcast_in_dim3A_551 = vector.broadcast %add3A_550 : i32 to vector<16xi32>
        %gather3A_552 = tpu.vector_load_idx %arg9[%broadcast_in_dim3A_551] : memref<1024xi32, #tpu.memory_space<vmem>>[vector<16xi32>], vector<16xi32>,
        %reduce_max3A_553 = arith.constant true
        %reduce_max3A_554 = vector.broadcast %reduce_max3A_553 : i1 to vector<16xi1>
        %reduce_max3A_555 = arith.constant -2147483648 : i32
        %reduce_max3A_556 = vector.broadcast %reduce_max3A_555 : i32 to vector<16xi32>
        %reduce_max3A_557 = arith.xori %gather3A_552, %reduce_max3A_556 : vector<16xi32>
        %reduce_max3A_558 = tpu.scan <max>, %reduce_max3A_557 masked %reduce_max3A_554 : vector<16xi32>, vector<16xi1> -> vector<16xi32>
        %reduce_max3A_559 = arith.xori %reduce_max3A_558, %reduce_max3A_556 : vector<16xi32>
        %reduce_max3A_560 = vector.extract %reduce_max3A_559[15] : i32 from vector<16xi32>
        %eq3A_561 = arith.constant 0 : i32
        %eq3A_562 = arith.cmpi eq, %scan3A_19, %eq3A_561 : i32
        %jit3A_563 = arith.constant 563 : i32
        %select_n3A_564 = arith.select %eq3A_562, %jit3A_563, %reduce_max3A_546 : i32
        %scan3A_565 = arith.constant -1 : i32
        %scan3A_566 = arith.constant 0 : i32
        %scan3A_567 = arith.constant 0 : i32
        %scan3A_568 = arith.constant 0 : i32
        %scan3A_569 = arith.constant 4 : i32
        %scan3A_570 = arith.addi %scan3A_568, %scan3A_569 : i32
        %scan3A_571 = arith.constant 1 : i32
        %scan3A_572:3 = scf.for %scan3A_610 = %scan3A_568 to %scan3A_570 step %scan3A_571 iter_args(%scan3A_611 = %scan3A_565, %scan3A_612 = %scan3A_566, %scan3A_613 = %scan3A_567) -> (i32, i32, i32)  : i32 {
          %sub3A_614 = arith.constant 3 : i32
          %sub3A_615 = arith.subi %sub3A_614, %scan3A_610 : i32
          %mul3A_616 = arith.constant 16 : i32
          %mul3A_617 = arith.muli %sub3A_615, %mul3A_616 : i32
          %add3A_618 = arith.constant 192 : i32
          %add3A_619 = arith.addi %add3A_618, %mul3A_617 : i32
          %get3A = arith.index_cast %add3A_619 : i32 to index
          %get3A_620 = tpu.vector_load %arg7[%get3A] {strides = array<i32>} : memref<256xi32, #tpu.memory_space<vmem>>, vector<16xi32>,
          %rev3A = arith.constant 15 : i32
          %rev3A_621 = vector.broadcast %rev3A : i32 to vector<16xi32>
          %rev3A_622 = tpu.iota {dimensions = array<i32: 0>} : vector<16xi32>
          %rev3A_623 = arith.subi %rev3A_621, %rev3A_622 : vector<16xi32>
          %rev3A_624 = tpu.dynamic_gather %get3A_620[%rev3A_623] in [0] : vector<16xi32>, vector<16xi32> -> vector<16xi32>
          %broadcast_in_dim3A_625 = arith.constant true
          %broadcast_in_dim3A_626 = vector.broadcast %broadcast_in_dim3A_625 : i1 to vector<16xi1>
          %masked_cumsum3A = tpu.scan <sum>, %rev3A_624 masked %broadcast_in_dim3A_626 : vector<16xi32>, vector<16xi1> -> vector<16xi32>
          %rev3A_627 = arith.constant 15 : i32
          %rev3A_628 = vector.broadcast %rev3A_627 : i32 to vector<16xi32>
          %rev3A_629 = tpu.iota {dimensions = array<i32: 0>} : vector<16xi32>
          %rev3A_630 = arith.subi %rev3A_628, %rev3A_629 : vector<16xi32>
          %rev3A_631 = tpu.dynamic_gather %masked_cumsum3A[%rev3A_630] in [0] : vector<16xi32>, vector<16xi32> -> vector<16xi32>
          %add3A_632 = vector.broadcast %scan3A_612 : i32 to vector<16xi32>
          %add3A_633 = arith.addi %rev3A_631, %add3A_632 : vector<16xi32>
          %ge3A = vector.broadcast %select_n3A_564 : i32 to vector<16xi32>
          %ge3A_634 = arith.cmpi sge, %add3A_633, %ge3A : vector<16xi32>
          %iota3A = tpu.iota {dimensions = array<i32: 0>} : vector<16xi32>
          %sub3A_635 = arith.constant 3 : i32
          %sub3A_636 = arith.subi %sub3A_635, %scan3A_610 : i32
          %mul3A_637 = arith.constant 16 : i32
          %mul3A_638 = arith.muli %sub3A_636, %mul3A_637 : i32
          %add3A_639 = vector.broadcast %mul3A_638 : i32 to vector<16xi32>
          %add3A_640 = arith.addi %iota3A, %add3A_639 : vector<16xi32>
          %jit3A_641 = arith.constant -1 : i32
          %broadcast_in_dim3A_642 = vector.broadcast %jit3A_641 : i32 to vector<16xi32>
          %select_n3A_643 = arith.select %ge3A_634, %add3A_640, %broadcast_in_dim3A_642 : vector<16xi1>, vector<16xi32>
          %reduce_max3A_644 = arith.constant true
          %reduce_max3A_645 = vector.broadcast %reduce_max3A_644 : i1 to vector<16xi1>
          %reduce_max3A_646 = arith.constant -2147483648 : i32
          %reduce_max3A_647 = vector.broadcast %reduce_max3A_646 : i32 to vector<16xi32>
          %reduce_max3A_648 = arith.xori %select_n3A_643, %reduce_max3A_647 : vector<16xi32>
          %reduce_max3A_649 = tpu.scan <max>, %reduce_max3A_648 masked %reduce_max3A_645 : vector<16xi32>, vector<16xi1> -> vector<16xi32>
          %reduce_max3A_650 = arith.xori %reduce_max3A_649, %reduce_max3A_647 : vector<16xi32>
          %reduce_max3A_651 = vector.extract %reduce_max3A_650[15] : i32 from vector<16xi32>
          %broadcast_in_dim3A_652 = arith.constant true
          %broadcast_in_dim3A_653 = vector.broadcast %broadcast_in_dim3A_652 : i1 to vector<16xi1>
          %masked_cumsum3A_654 = tpu.scan <sum>, %get3A_620 masked %broadcast_in_dim3A_653 : vector<16xi32>, vector<16xi1> -> vector<16xi32>
          %reduce_max3A_655 = arith.constant true
          %reduce_max3A_656 = vector.broadcast %reduce_max3A_655 : i1 to vector<16xi1>
          %reduce_max3A_657 = arith.constant -2147483648 : i32
          %reduce_max3A_658 = vector.broadcast %reduce_max3A_657 : i32 to vector<16xi32>
          %reduce_max3A_659 = arith.xori %masked_cumsum3A_654, %reduce_max3A_658 : vector<16xi32>
          %reduce_max3A_660 = tpu.scan <max>, %reduce_max3A_659 masked %reduce_max3A_656 : vector<16xi32>, vector<16xi1> -> vector<16xi32>
          %reduce_max3A_661 = arith.xori %reduce_max3A_660, %reduce_max3A_658 : vector<16xi32>
          %reduce_max3A_662 = vector.extract %reduce_max3A_661[15] : i32 from vector<16xi32>
          %max3A = arith.maxsi %scan3A_611, %reduce_max3A_651 : i32
          %add3A_663 = arith.addi %scan3A_612, %reduce_max3A_662 : i32
          %add3A_664 = arith.addi %scan3A_613, %reduce_max3A_662 : i32
          scf.yield %max3A, %add3A_663, %add3A_664 : i32, i32, i32
        }
        %scan3A_573 = arith.constant 4 : i32
        %scan3A_574 = arith.constant 0 : i32
        %scan3A_575 = arith.constant 0 : i32
        %scan3A_576 = arith.constant 4 : i32
        %scan3A_577 = arith.addi %scan3A_575, %scan3A_576 : i32
        %scan3A_578 = arith.constant 1 : i32
        %scan3A_579 = scf.for %scan3A_610 = %scan3A_575 to %scan3A_577 step %scan3A_578 iter_args(%scan3A_611 = %scan3A_574) -> (i32)  : i32 {
          %mul3A_612 = arith.constant 16 : i32
          %mul3A_613 = arith.muli %scan3A_610, %mul3A_612 : i32
          %add3A_614 = arith.constant 192 : i32
          %add3A_615 = arith.addi %add3A_614, %mul3A_613 : i32
          %get3A = arith.index_cast %add3A_615 : i32 to index
          %get3A_616 = tpu.vector_load %arg7[%get3A] {strides = array<i32>} : memref<256xi32, #tpu.memory_space<vmem>>, vector<16xi32>,
          %iota3A = tpu.iota {dimensions = array<i32: 0>} : vector<16xi32>
          %mul3A_617 = arith.constant 16 : i32
          %mul3A_618 = arith.muli %scan3A_610, %mul3A_617 : i32
          %add3A_619 = vector.broadcast %mul3A_618 : i32 to vector<16xi32>
          %add3A_620 = arith.addi %iota3A, %add3A_619 : vector<16xi32>
          %gt3A = vector.broadcast %scan3A_572#0 : i32 to vector<16xi32>
          %gt3A_621 = arith.cmpi sgt, %add3A_620, %gt3A : vector<16xi32>
          %jit3A_622 = arith.constant 0 : i32
          %broadcast_in_dim3A_623 = vector.broadcast %jit3A_622 : i32 to vector<16xi32>
          %select_n3A_624 = arith.select %gt3A_621, %get3A_616, %broadcast_in_dim3A_623 : vector<16xi1>, vector<16xi32>
          %broadcast_in_dim3A_625 = arith.constant true
          %broadcast_in_dim3A_626 = vector.broadcast %broadcast_in_dim3A_625 : i1 to vector<16xi1>
          %masked_cumsum3A = tpu.scan <sum>, %select_n3A_624 masked %broadcast_in_dim3A_626 : vector<16xi32>, vector<16xi1> -> vector<16xi32>
          %reduce_max3A_627 = arith.constant true
          %reduce_max3A_628 = vector.broadcast %reduce_max3A_627 : i1 to vector<16xi1>
          %reduce_max3A_629 = arith.constant -2147483648 : i32
          %reduce_max3A_630 = vector.broadcast %reduce_max3A_629 : i32 to vector<16xi32>
          %reduce_max3A_631 = arith.xori %masked_cumsum3A, %reduce_max3A_630 : vector<16xi32>
          %reduce_max3A_632 = tpu.scan <max>, %reduce_max3A_631 masked %reduce_max3A_628 : vector<16xi32>, vector<16xi1> -> vector<16xi32>
          %reduce_max3A_633 = arith.xori %reduce_max3A_632, %reduce_max3A_630 : vector<16xi32>
          %reduce_max3A_634 = vector.extract %reduce_max3A_633[15] : i32 from vector<16xi32>
          %add3A_635 = arith.addi %scan3A_611, %reduce_max3A_634 : i32
          scf.yield %add3A_635 : i32
        }
        %scan3A_580 = arith.constant 4 : i32
        %eq3A_581 = arith.constant 0 : i32
        %eq3A_582 = arith.cmpi eq, %scan3A_19, %eq3A_581 : i32
        %select_n3A_583 = arith.select %eq3A_582, %scan3A_572#2, %reduce_max3A_560 : i32
        %sub3A_584 = arith.subi %select_n3A_564, %scan3A_579 : i32
        %shift_left3A_585 = arith.shli %reduce_max3A_518, %reduce_max3A_129 : i32
        %shift_right_arithmetic3A_586 = arith.shrsi %scan3A_572#0, %reduce_max3A_87 : i32
        %and3A_587 = arith.andi %shift_right_arithmetic3A_586, %reduce_max3A_143 : i32
        %or3A_588 = arith.ori %shift_left3A_585, %and3A_587 : i32
        %shift_left3A_589 = arith.shli %reduce_max3A_532, %reduce_max3A_157 : i32
        %and3A_590 = arith.andi %scan3A_572#0, %reduce_max3A_171 : i32
        %or3A_591 = arith.ori %shift_left3A_589, %and3A_590 : i32
        %eq3A_592 = arith.constant 6 : i32
        %eq3A_593 = arith.cmpi eq, %scan3A_19, %eq3A_592 : i32
        %convert_element_type3A_594 = arith.extui %eq3A_593 : i1 to i32
        %cond3A_595 = arith.constant 0 : i32
        %cond3A_596 = arith.cmpi ne, %convert_element_type3A_594, %cond3A_595 : i32
        scf.if %cond3A_596 {
          %le3A = arith.constant 563 : i32
          %le3A_610 = arith.cmpi sle, %select_n3A_583, %le3A : i32
          %jit3A_611 = arith.constant -1 : i32
          %select_n3A_612 = arith.select %le3A_610, %jit3A_611, %or3A_588 : i32
          %jit3A_613 = arith.constant 0 : i32
          %select_n3A_614 = arith.select %le3A_610, %jit3A_613, %or3A_591 : i32
          %min3A = arith.constant 563 : i32
          %min3A_615 = arith.minsi %select_n3A_583, %min3A : i32
          %iota3A = tpu.iota {dimensions = array<i32: 0>} : vector<16xi32>
          %eq3A_616 = arith.constant 0 : i32
          %eq3A_617 = vector.broadcast %eq3A_616 : i32 to vector<16xi32>
          %eq3A_618 = arith.cmpi eq, %iota3A, %eq3A_617 : vector<16xi32>
          %jit3A_619 = arith.constant 0 : i32
          %broadcast_in_dim3A_620 = vector.broadcast %select_n3A_612 : i32 to vector<16xi32>
          %broadcast_in_dim3A_621 = vector.broadcast %jit3A_619 : i32 to vector<16xi32>
          %select_n3A_622 = arith.select %eq3A_618, %broadcast_in_dim3A_620, %broadcast_in_dim3A_621 : vector<16xi1>, vector<16xi32>
          %iota3A_623 = tpu.iota {dimensions = array<i32: 0>} : vector<16xi32>
          %eq3A_624 = arith.constant 1 : i32
          %eq3A_625 = vector.broadcast %eq3A_624 : i32 to vector<16xi32>
          %eq3A_626 = arith.cmpi eq, %iota3A_623, %eq3A_625 : vector<16xi32>
          %jit3A_627 = arith.constant 0 : i32
          %broadcast_in_dim3A_628 = vector.broadcast %select_n3A_614 : i32 to vector<16xi32>
          %broadcast_in_dim3A_629 = vector.broadcast %jit3A_627 : i32 to vector<16xi32>
          %select_n3A_630 = arith.select %eq3A_626, %broadcast_in_dim3A_628, %broadcast_in_dim3A_629 : vector<16xi1>, vector<16xi32>
          %add3A_631 = arith.addi %select_n3A_622, %select_n3A_630 : vector<16xi32>
          %iota3A_632 = tpu.iota {dimensions = array<i32: 0>} : vector<16xi32>
          %eq3A_633 = arith.constant 2 : i32
          %eq3A_634 = vector.broadcast %eq3A_633 : i32 to vector<16xi32>
          %eq3A_635 = arith.cmpi eq, %iota3A_632, %eq3A_634 : vector<16xi32>
          %jit3A_636 = arith.constant 0 : i32
          %broadcast_in_dim3A_637 = vector.broadcast %min3A_615 : i32 to vector<16xi32>
          %broadcast_in_dim3A_638 = vector.broadcast %jit3A_636 : i32 to vector<16xi32>
          %select_n3A_639 = arith.select %eq3A_635, %broadcast_in_dim3A_637, %broadcast_in_dim3A_638 : vector<16xi1>, vector<16xi32>
          %add3A_640 = arith.addi %add3A_631, %select_n3A_639 : vector<16xi32>
          %swap3A = arith.constant 0 : index
          %swap3A_641 = tpu.vector_load %arg10[%swap3A] {strides = array<i32>} : memref<16xi32, #tpu.memory_space<vmem>>, vector<16xi32>,
          tpu.vector_store %arg10[%swap3A], %add3A_640 {strides = array<i32>} : memref<16xi32, #tpu.memory_space<vmem>>, vector<16xi32>,
          "tpu.region"() ({
            %run_scoped3A = tpu.sem_alloc : memref<!tpu.dma_semaphore, #tpu.memory_space<semaphore_mem>>
            %dma_start3A = arith.constant 0 : i32
            %dma_start3A_642 = tpu.memref_slice %arg4[%add3A_504, %dma_start3A] : memref<64x16xi32, #tpu.memory_space<hbm>> -> memref<1x16xi32, #tpu.memory_space<hbm>>
            %dma_start3A_643 = tpu.memref_squeeze %dma_start3A_642 : memref<1x16xi32, #tpu.memory_space<hbm>> -> memref<16xi32, #tpu.memory_space<hbm>>
            %dma_start3A_644 = arith.constant 0 : i32
            %dma_start3A_645 = tpu.memref_slice %arg4[%add3A_504, %dma_start3A_644] : memref<64x16xi32, #tpu.memory_space<hbm>> -> memref<1x16xi32, #tpu.memory_space<hbm>>
            %dma_start3A_646 = tpu.memref_squeeze %dma_start3A_645 : memref<1x16xi32, #tpu.memory_space<hbm>> -> memref<16xi32, #tpu.memory_space<hbm>>
            tpu.enqueue_dma source(%arg10 : memref<16xi32, #tpu.memory_space<vmem>>) target(%dma_start3A_646 : memref<16xi32, #tpu.memory_space<hbm>>) target_semaphore(%run_scoped3A : memref<!tpu.dma_semaphore, #tpu.memory_space<semaphore_mem>>)
            %dma_wait3A = arith.constant 0 : i32
            %dma_wait3A_647 = tpu.memref_slice %arg4[%add3A_504, %dma_wait3A] : memref<64x16xi32, #tpu.memory_space<hbm>> -> memref<1x16xi32, #tpu.memory_space<hbm>>
            %dma_wait3A_648 = tpu.memref_squeeze %dma_wait3A_647 : memref<1x16xi32, #tpu.memory_space<hbm>> -> memref<16xi32, #tpu.memory_space<hbm>>
            %dma_wait3A_649 = arith.constant 0 : i32
            %dma_wait3A_650 = tpu.memref_slice %arg4[%add3A_504, %dma_wait3A_649] : memref<64x16xi32, #tpu.memory_space<hbm>> -> memref<1x16xi32, #tpu.memory_space<hbm>>
            %dma_wait3A_651 = tpu.memref_squeeze %dma_wait3A_650 : memref<1x16xi32, #tpu.memory_space<hbm>> -> memref<16xi32, #tpu.memory_space<hbm>>
            tpu.wait_dma2 semaphore(%run_scoped3A : memref<!tpu.dma_semaphore, #tpu.memory_space<semaphore_mem>>) src(%arg10 : memref<16xi32, #tpu.memory_space<vmem>>) dst(%dma_wait3A_651 : memref<16xi32, #tpu.memory_space<hbm>>)
            tpu.yield
          }) : () -> ()
        } else {
        }
        %lt3A_597 = arith.constant 6 : i32
        %lt3A_598 = arith.cmpi slt, %scan3A_19, %lt3A_597 : i32
        %convert_element_type3A_599 = arith.extui %lt3A_598 : i1 to i32
        %cond3A_600 = arith.constant 0 : i32
        %cond3A_601 = arith.cmpi ne, %convert_element_type3A_599, %cond3A_600 : i32
        scf.if %cond3A_601 {
          %iota3A = tpu.iota {dimensions = array<i32: 0>} : vector<16xi32>
          %eq3A_610 = arith.constant 0 : i32
          %eq3A_611 = vector.broadcast %eq3A_610 : i32 to vector<16xi32>
          %eq3A_612 = arith.cmpi eq, %iota3A, %eq3A_611 : vector<16xi32>
          %jit3A_613 = arith.constant 0 : i32
          %broadcast_in_dim3A_614 = vector.broadcast %or3A_588 : i32 to vector<16xi32>
          %broadcast_in_dim3A_615 = vector.broadcast %jit3A_613 : i32 to vector<16xi32>
          %select_n3A_616 = arith.select %eq3A_612, %broadcast_in_dim3A_614, %broadcast_in_dim3A_615 : vector<16xi1>, vector<16xi32>
          %iota3A_617 = tpu.iota {dimensions = array<i32: 0>} : vector<16xi32>
          %eq3A_618 = arith.constant 1 : i32
          %eq3A_619 = vector.broadcast %eq3A_618 : i32 to vector<16xi32>
          %eq3A_620 = arith.cmpi eq, %iota3A_617, %eq3A_619 : vector<16xi32>
          %jit3A_621 = arith.constant 0 : i32
          %broadcast_in_dim3A_622 = vector.broadcast %or3A_591 : i32 to vector<16xi32>
          %broadcast_in_dim3A_623 = vector.broadcast %jit3A_621 : i32 to vector<16xi32>
          %select_n3A_624 = arith.select %eq3A_620, %broadcast_in_dim3A_622, %broadcast_in_dim3A_623 : vector<16xi1>, vector<16xi32>
          %add3A_625 = arith.addi %select_n3A_616, %select_n3A_624 : vector<16xi32>
          %iota3A_626 = tpu.iota {dimensions = array<i32: 0>} : vector<16xi32>
          %eq3A_627 = arith.constant 2 : i32
          %eq3A_628 = vector.broadcast %eq3A_627 : i32 to vector<16xi32>
          %eq3A_629 = arith.cmpi eq, %iota3A_626, %eq3A_628 : vector<16xi32>
          %jit3A_630 = arith.constant 0 : i32
          %broadcast_in_dim3A_631 = vector.broadcast %sub3A_584 : i32 to vector<16xi32>
          %broadcast_in_dim3A_632 = vector.broadcast %jit3A_630 : i32 to vector<16xi32>
          %select_n3A_633 = arith.select %eq3A_629, %broadcast_in_dim3A_631, %broadcast_in_dim3A_632 : vector<16xi1>, vector<16xi32>
          %add3A_634 = arith.addi %add3A_625, %select_n3A_633 : vector<16xi32>
          %iota3A_635 = tpu.iota {dimensions = array<i32: 0>} : vector<16xi32>
          %eq3A_636 = arith.constant 3 : i32
          %eq3A_637 = vector.broadcast %eq3A_636 : i32 to vector<16xi32>
          %eq3A_638 = arith.cmpi eq, %iota3A_635, %eq3A_637 : vector<16xi32>
          %jit3A_639 = arith.constant 0 : i32
          %broadcast_in_dim3A_640 = vector.broadcast %select_n3A_583 : i32 to vector<16xi32>
          %broadcast_in_dim3A_641 = vector.broadcast %jit3A_639 : i32 to vector<16xi32>
          %select_n3A_642 = arith.select %eq3A_638, %broadcast_in_dim3A_640, %broadcast_in_dim3A_641 : vector<16xi1>, vector<16xi32>
          %add3A_643 = arith.addi %add3A_634, %select_n3A_642 : vector<16xi32>
          %swap3A = arith.constant 0 : index
          %swap3A_644 = tpu.vector_load %arg10[%swap3A] {strides = array<i32>} : memref<16xi32, #tpu.memory_space<vmem>>, vector<16xi32>,
          tpu.vector_store %arg10[%swap3A], %add3A_643 {strides = array<i32>} : memref<16xi32, #tpu.memory_space<vmem>>, vector<16xi32>,
          %mul3A_645 = arith.constant 16 : i32
          %mul3A_646 = arith.muli %add3A_504, %mul3A_645 : i32
          "tpu.region"() ({
            %run_scoped3A = tpu.sem_alloc : memref<!tpu.dma_semaphore, #tpu.memory_space<semaphore_mem>>
            %dma_start3A = tpu.memref_slice %arg13[%mul3A_646] : memref<1024xi32, #tpu.memory_space<vmem_shared>> -> memref<16xi32, #tpu.memory_space<vmem_shared>>
            %dma_start3A_647 = tpu.memref_slice %arg13[%mul3A_646] : memref<1024xi32, #tpu.memory_space<vmem_shared>> -> memref<16xi32, #tpu.memory_space<vmem_shared>>
            tpu.enqueue_dma source(%arg10 : memref<16xi32, #tpu.memory_space<vmem>>) target(%dma_start3A_647 : memref<16xi32, #tpu.memory_space<vmem_shared>>) target_semaphore(%run_scoped3A : memref<!tpu.dma_semaphore, #tpu.memory_space<semaphore_mem>>)
            %dma_wait3A = tpu.memref_slice %arg13[%mul3A_646] : memref<1024xi32, #tpu.memory_space<vmem_shared>> -> memref<16xi32, #tpu.memory_space<vmem_shared>>
            %dma_wait3A_648 = tpu.memref_slice %arg13[%mul3A_646] : memref<1024xi32, #tpu.memory_space<vmem_shared>> -> memref<16xi32, #tpu.memory_space<vmem_shared>>
            tpu.wait_dma2 semaphore(%run_scoped3A : memref<!tpu.dma_semaphore, #tpu.memory_space<semaphore_mem>>) src(%arg10 : memref<16xi32, #tpu.memory_space<vmem>>) dst(%dma_wait3A_648 : memref<16xi32, #tpu.memory_space<vmem_shared>>)
            tpu.yield
          }) : () -> ()
        } else {
        }
        %barrier3A_602 = arith.constant 0 : index
        tpu.barrier barrier_id(%barrier3A_602)
        %lt3A_603 = arith.constant 6 : i32
        %lt3A_604 = arith.cmpi slt, %scan3A_19, %lt3A_603 : i32
        %convert_element_type3A_605 = arith.extui %lt3A_604 : i1 to i32
        %cond3A_606 = arith.constant 0 : i32
        %cond3A_607 = arith.cmpi ne, %convert_element_type3A_605, %cond3A_606 : i32
        scf.if %cond3A_607 {
          "tpu.region"() ({
            %run_scoped3A = tpu.sem_alloc : memref<!tpu.dma_semaphore, #tpu.memory_space<semaphore_mem>>
            tpu.enqueue_dma source(%arg13 : memref<1024xi32, #tpu.memory_space<vmem_shared>>) target(%arg9 : memref<1024xi32, #tpu.memory_space<vmem>>) target_semaphore(%run_scoped3A : memref<!tpu.dma_semaphore, #tpu.memory_space<semaphore_mem>>)
            tpu.wait_dma2 semaphore(%run_scoped3A : memref<!tpu.dma_semaphore, #tpu.memory_space<semaphore_mem>>) src(%arg13 : memref<1024xi32, #tpu.memory_space<vmem_shared>>) dst(%arg9 : memref<1024xi32, #tpu.memory_space<vmem>>)
            tpu.yield
          }) : () -> ()
        } else {
        }
        %barrier3A_608 = arith.constant 0 : index
        tpu.barrier barrier_id(%barrier3A_608)
        %scan3A_609 = arith.constant 0 : i32
        scf.yield %scan3A_609 : i32
      }
      %scan3A_18 = arith.constant 7 : i32
    } else {
    }
    return
  }
}

module attributes {stable_mosaic.version = 14 : i64} {
  func.func @_router_body(%arg0: i32, %arg1: memref<1024x768xf32, #tpu.memory_space<vmem>>, %arg2: memref<64x768xf32, #tpu.memory_space<vmem>>, %arg3: memref<1024x64xf32, #tpu.memory_space<vmem>>, %arg4: memref<1024x1xi32, #tpu.memory_space<vmem>>, %arg5: memref<8x64xf32, #tpu.memory_space<vmem>>, %arg6: memref<8x64xf32, #tpu.memory_space<vmem>>) attributes {dimension_semantics = [#tpu.dimension_semantics<arbitrary>], iteration_bounds = array<i64: 32>, scalar_prefetch = 0 : i64, scratch_operands = 0 : i64, tpu.core_type = #tpu.core_type<tc>, window_params = [{transform_indices = @transform_0, window_bounds = array<i64: 1024, 768>}, {pipeline_mode = #tpu.pipeline_mode<synchronous>, transform_indices = @transform_1, window_bounds = array<i64: 64, 768>}, {transform_indices = @transform_2, window_bounds = array<i64: 1024, 64>}, {transform_indices = @transform_3, window_bounds = array<i64: 1024, 1>}, {pipeline_mode = #tpu.pipeline_mode<synchronous>, transform_indices = @transform_4, window_bounds = array<i64: 8, 64>}, {pipeline_mode = #tpu.pipeline_mode<synchronous>, transform_indices = @transform_5, window_bounds = array<i64: 8, 64>}]} {
    %get3A = arith.constant 0 : index
    %get3A_0 = arith.constant 0 : index
    %get3A_1 = vector.load %arg1[%get3A, %get3A_0] : memref<1024x768xf32, #tpu.memory_space<vmem>>, vector<1024x768xf32>
    %get3A_2 = arith.constant 0 : index
    %get3A_3 = arith.constant 0 : index
    %get3A_4 = vector.load %arg2[%get3A_2, %get3A_3] : memref<64x768xf32, #tpu.memory_space<vmem>>, vector<64x768xf32>
    %dot_general3A = arith.constant dense<0.000000e+00> : vector<1024x64xf32>
    %dot_general3A_5 = tpu.matmul %get3A_1, %get3A_4, %dot_general3A {dimension_numbers = #tpu.dot_dimension_numbers<[1], [1], [0], [0], [0, 0, 1, 0], [], []>, transpose_lhs_hint = false} : vector<1024x768xf32>, vector<64x768xf32>, vector<1024x64xf32> -> vector<1024x64xf32>
    %reduce_max3A = arith.constant dense<0xFF800000> : vector<1024xf32>
    %reduce_max3A_6 = vector.multi_reduction <maximumf>, %dot_general3A_5, %reduce_max3A [1] : vector<1024x64xf32> to vector<1024xf32>
    %broadcast_in_dim3A = vector.shape_cast %reduce_max3A_6 : vector<1024xf32> to vector<1024x1xf32>
    %sub3A = vector.broadcast %broadcast_in_dim3A : vector<1024x1xf32> to vector<1024x64xf32>
    %sub3A_7 = arith.subf %dot_general3A_5, %sub3A : vector<1024x64xf32>
    %exp3A = math.exp %sub3A_7 : vector<1024x64xf32>
    %reduce_sum3A = arith.constant dense<0.000000e+00> : vector<1024xf32>
    %reduce_sum3A_8 = vector.multi_reduction <add>, %exp3A, %reduce_sum3A [1] : vector<1024x64xf32> to vector<1024xf32>
    %broadcast_in_dim3A_9 = vector.shape_cast %reduce_sum3A_8 : vector<1024xf32> to vector<1024x1xf32>
    %div3A = vector.broadcast %broadcast_in_dim3A_9 : vector<1024x1xf32> to vector<1024x64xf32>
    %div3A_10 = arith.divf %exp3A, %div3A : vector<1024x64xf32>
    %swap3A = arith.constant 0 : index
    %swap3A_11 = arith.constant 0 : index
    %swap3A_12 = vector.load %arg3[%swap3A, %swap3A_11] : memref<1024x64xf32, #tpu.memory_space<vmem>>, vector<1024x64xf32>
    tpu.vector_store %arg3[%swap3A, %swap3A_11], %div3A_10 {strides = array<i32>} : memref<1024x64xf32, #tpu.memory_space<vmem>>, vector<1024x64xf32>,
    %div3A_13 = arith.constant 1.000000e+00 : f32
    %div3A_14 = vector.broadcast %div3A_13 : f32 to vector<1024x1xf32>
    %div3A_15 = arith.divf %div3A_14, %broadcast_in_dim3A_9 : vector<1024x1xf32>
    %iota3A = tpu.iota {dimensions = array<i32: 1>} : vector<1024x64xi32>
    %eq3A = vector.broadcast %div3A_15 : vector<1024x1xf32> to vector<1024x64xf32>
    %eq3A_16 = arith.cmpf oeq, %div3A_10, %eq3A : vector<1024x64xf32>
    %jit3A = arith.constant 64 : i32
    %broadcast_in_dim3A_17 = vector.broadcast %jit3A : i32 to vector<1024x64xi32>
    %select_n3A = arith.select %eq3A_16, %iota3A, %broadcast_in_dim3A_17 : vector<1024x64xi1>, vector<1024x64xi32>
    %reduce_min3A = arith.constant dense<2147483647> : vector<1024xi32>
    %reduce_min3A_18 = vector.multi_reduction <minsi>, %select_n3A, %reduce_min3A [1] : vector<1024x64xi32> to vector<1024xi32>
    %broadcast_in_dim3A_19 = vector.shape_cast %reduce_min3A_18 : vector<1024xi32> to vector<1024x1xi32>
    %bitcast_convert_type3A = tpu.bitcast %div3A_15 : vector<1024x1xf32> -> vector<1024x1xi32>
    %sub3A_20 = arith.constant 1006632960 : i32
    %sub3A_21 = vector.broadcast %sub3A_20 : i32 to vector<1024x1xi32>
    %sub3A_22 = arith.subi %bitcast_convert_type3A, %sub3A_21 : vector<1024x1xi32>
    %jit3A_23 = arith.constant 0 : i32
    %jit3A_24 = arith.constant 58720256 : i32
    %max3A = vector.broadcast %jit3A_23 : i32 to vector<1024x1xi32>
    %max3A_25 = arith.maxsi %max3A, %sub3A_22 : vector<1024x1xi32>
    %min3A = vector.broadcast %jit3A_24 : i32 to vector<1024x1xi32>
    %min3A_26 = arith.minsi %min3A, %max3A_25 : vector<1024x1xi32>
    %shift_left3A = arith.constant 6 : i32
    %shift_left3A_27 = vector.broadcast %shift_left3A : i32 to vector<1024x1xi32>
    %shift_left3A_28 = arith.shli %min3A_26, %shift_left3A_27 : vector<1024x1xi32>
    %or3A = arith.ori %shift_left3A_28, %broadcast_in_dim3A_19 : vector<1024x1xi32>
    %swap3A_29 = arith.constant 0 : index
    %swap3A_30 = arith.constant 0 : index
    %swap3A_31 = vector.load %arg4[%swap3A_29, %swap3A_30] : memref<1024x1xi32, #tpu.memory_space<vmem>>, vector<1024x1xi32>
    tpu.vector_store %arg4[%swap3A_29, %swap3A_30], %or3A {strides = array<i32>} : memref<1024x1xi32, #tpu.memory_space<vmem>>, vector<1024x1xi32>,
    %log3A = math.log %broadcast_in_dim3A_9 : vector<1024x1xf32>
    %add3A = arith.addf %broadcast_in_dim3A, %log3A : vector<1024x1xf32>
    %mul3A = arith.mulf %add3A, %add3A : vector<1024x1xf32>
    %reduce_sum3A_32 = vector.shape_cast %mul3A : vector<1024x1xf32> to vector<1x1024x1xf32>
    %reduce_sum3A_33 = arith.constant dense<0.000000e+00> : vector<1xf32>
    %reduce_sum3A_34 = vector.multi_reduction <add>, %reduce_sum3A_32, %reduce_sum3A_33 [1, 2] : vector<1x1024x1xf32> to vector<1xf32>
    %reduce_sum3A_35 = vector.shape_cast %reduce_sum3A_34 : vector<1xf32> to vector<1x1x1xf32>
    %reduce_sum3A_36 = vector.extract %reduce_sum3A_35[0, 0, 0] : f32 from vector<1x1x1xf32>
    %reduce_sum3A_37 = arith.constant dense<0.000000e+00> : vector<64xf32>
    %reduce_sum3A_38 = vector.multi_reduction <add>, %div3A_10, %reduce_sum3A_37 [0] : vector<1024x64xf32> to vector<64xf32>
    %broadcast_in_dim3A_39 = vector.shape_cast %reduce_sum3A_38 : vector<64xf32> to vector<1x64xf32>
    %eq3A_40 = arith.constant 0 : i32
    %eq3A_41 = arith.cmpi eq, %arg0, %eq3A_40 : i32
    %convert_element_type3A = arith.extui %eq3A_41 : i1 to i32
    %cond3A = arith.constant 0 : i32
    %cond3A_42 = arith.cmpi ne, %convert_element_type3A, %cond3A : i32
    scf.if %cond3A_42 {
      %broadcast_in_dim3A_60 = arith.constant 0.000000e+00 : f32
      %broadcast_in_dim3A_61 = vector.broadcast %broadcast_in_dim3A_60 : f32 to vector<8x64xf32>
      %swap3A_62 = arith.constant 0 : index
      %swap3A_63 = arith.constant 0 : index
      %swap3A_64 = vector.load %arg5[%swap3A_62, %swap3A_63] : memref<8x64xf32, #tpu.memory_space<vmem>>, vector<8x64xf32>
      tpu.vector_store %arg5[%swap3A_62, %swap3A_63], %broadcast_in_dim3A_61 {strides = array<i32>} : memref<8x64xf32, #tpu.memory_space<vmem>>, vector<8x64xf32>,
      %broadcast_in_dim3A_65 = arith.constant 0.000000e+00 : f32
      %broadcast_in_dim3A_66 = vector.broadcast %broadcast_in_dim3A_65 : f32 to vector<8x64xf32>
      %swap3A_67 = arith.constant 0 : index
      %swap3A_68 = arith.constant 0 : index
      %swap3A_69 = vector.load %arg6[%swap3A_67, %swap3A_68] : memref<8x64xf32, #tpu.memory_space<vmem>>, vector<8x64xf32>
      tpu.vector_store %arg6[%swap3A_67, %swap3A_68], %broadcast_in_dim3A_66 {strides = array<i32>} : memref<8x64xf32, #tpu.memory_space<vmem>>, vector<8x64xf32>,
    } else {
    }
    %get3A_43 = arith.constant 0 : index
    %get3A_44 = arith.constant 0 : index
    %get3A_45 = vector.load %arg5[%get3A_43, %get3A_44] : memref<8x64xf32, #tpu.memory_space<vmem>>, vector<8x64xf32>
    %broadcast_in_dim3A_46 = vector.shape_cast %broadcast_in_dim3A_39 : vector<1x64xf32> to vector<1x64xf32>
    %broadcast_in_dim3A_47 = vector.broadcast %broadcast_in_dim3A_46 : vector<1x64xf32> to vector<8x64xf32>
    %add3A_48 = arith.addf %get3A_45, %broadcast_in_dim3A_47 : vector<8x64xf32>
    %swap3A_49 = arith.constant 0 : index
    %swap3A_50 = arith.constant 0 : index
    %swap3A_51 = vector.load %arg5[%swap3A_49, %swap3A_50] : memref<8x64xf32, #tpu.memory_space<vmem>>, vector<8x64xf32>
    tpu.vector_store %arg5[%swap3A_49, %swap3A_50], %add3A_48 {strides = array<i32>} : memref<8x64xf32, #tpu.memory_space<vmem>>, vector<8x64xf32>,
    %get3A_52 = arith.constant 0 : index
    %get3A_53 = arith.constant 0 : index
    %get3A_54 = vector.load %arg6[%get3A_52, %get3A_53] : memref<8x64xf32, #tpu.memory_space<vmem>>, vector<8x64xf32>
    %broadcast_in_dim3A_55 = vector.broadcast %reduce_sum3A_36 : f32 to vector<8x64xf32>
    %add3A_56 = arith.addf %get3A_54, %broadcast_in_dim3A_55 : vector<8x64xf32>
    %swap3A_57 = arith.constant 0 : index
    %swap3A_58 = arith.constant 0 : index
    %swap3A_59 = vector.load %arg6[%swap3A_57, %swap3A_58] : memref<8x64xf32, #tpu.memory_space<vmem>>, vector<8x64xf32>
    tpu.vector_store %arg6[%swap3A_57, %swap3A_58], %add3A_56 {strides = array<i32>} : memref<8x64xf32, #tpu.memory_space<vmem>>, vector<8x64xf32>,
    return
  }
  func.func @transform_0(%arg0: i32) -> (i32, i32) {
    %c0_i32 = arith.constant 0 : i32
    %c0_i32_0 = arith.constant 0 : i32
    return %arg0, %c0_i32 : i32, i32
  }
  func.func @transform_1(%arg0: i32) -> (i32, i32) {
    %c0_i32 = arith.constant 0 : i32
    %c0_i32_0 = arith.constant 0 : i32
    %c0_i32_1 = arith.constant 0 : i32
    return %c0_i32, %c0_i32_0 : i32, i32
  }
  func.func @transform_2(%arg0: i32) -> (i32, i32) {
    %c0_i32 = arith.constant 0 : i32
    %c0_i32_0 = arith.constant 0 : i32
    return %arg0, %c0_i32 : i32, i32
  }
  func.func @transform_3(%arg0: i32) -> (i32, i32) {
    %c0_i32 = arith.constant 0 : i32
    %c0_i32_0 = arith.constant 0 : i32
    return %arg0, %c0_i32 : i32, i32
  }
  func.func @transform_4(%arg0: i32) -> (i32, i32) {
    %c0_i32 = arith.constant 0 : i32
    %c0_i32_0 = arith.constant 0 : i32
    %c0_i32_1 = arith.constant 0 : i32
    return %c0_i32, %c0_i32_0 : i32, i32
  }
  func.func @transform_5(%arg0: i32) -> (i32, i32) {
    %c0_i32 = arith.constant 0 : i32
    %c0_i32_0 = arith.constant 0 : i32
    %c0_i32_1 = arith.constant 0 : i32
    return %c0_i32, %c0_i32_0 : i32, i32
  }
}

module attributes {stable_mosaic.version = 14 : i64} {
  func.func @_dispatch_body(%arg0: i32, %arg1: memref<2048x1xi32, #tpu.memory_space<vmem>>, %arg2: memref<8x128xi32, #tpu.memory_space<vmem>>, %arg3: memref<8x64xf32, #tpu.memory_space<vmem>>, %arg4: memref<8x64xf32, #tpu.memory_space<vmem>>, %arg5: memref<2048x64xf32, #tpu.memory_space<vmem>>, %arg6: memref<8x64xf32, #tpu.memory_space<vmem>>) attributes {dimension_semantics = [#tpu.dimension_semantics<arbitrary>], iteration_bounds = array<i64: 16>, scalar_prefetch = 0 : i64, scratch_operands = 0 : i64, tpu.core_type = #tpu.core_type<tc>, window_params = [{transform_indices = @transform_0, window_bounds = array<i64: 2048, 1>}, {pipeline_mode = #tpu.pipeline_mode<synchronous>, transform_indices = @transform_1, window_bounds = array<i64: 8, 128>}, {pipeline_mode = #tpu.pipeline_mode<synchronous>, transform_indices = @transform_2, window_bounds = array<i64: 8, 64>}, {pipeline_mode = #tpu.pipeline_mode<synchronous>, transform_indices = @transform_3, window_bounds = array<i64: 8, 64>}, {transform_indices = @transform_4, window_bounds = array<i64: 2048, 64>}, {pipeline_mode = #tpu.pipeline_mode<synchronous>, transform_indices = @transform_5, window_bounds = array<i64: 8, 64>}]} {
    %get3A = arith.constant 0 : index
    %get3A_0 = arith.constant 0 : index
    %get3A_1 = vector.load %arg1[%get3A, %get3A_0] : memref<2048x1xi32, #tpu.memory_space<vmem>>, vector<2048x1xi32>
    %and3A = arith.constant 63 : i32
    %and3A_2 = vector.broadcast %and3A : i32 to vector<2048x1xi32>
    %and3A_3 = arith.andi %get3A_1, %and3A_2 : vector<2048x1xi32>
    %shift_right_logical3A = arith.constant 6 : i32
    %shift_right_logical3A_4 = vector.broadcast %shift_right_logical3A : i32 to vector<2048x1xi32>
    %shift_right_logical3A_5 = arith.shrui %get3A_1, %shift_right_logical3A_4 : vector<2048x1xi32>
    %get3A_6 = arith.constant 0 : index
    %get3A_7 = arith.constant 0 : index
    %get3A_8 = vector.load %arg2[%get3A_6, %get3A_7] : memref<8x128xi32, #tpu.memory_space<vmem>>, vector<8x128xi32>
    %slice3A = vector.extract_strided_slice %get3A_8 {offsets = [0, 0], sizes = [1, 64], strides = [1, 1]} : vector<8x128xi32> to vector<1x64xi32>
    %slice3A_9 = vector.extract_strided_slice %get3A_8 {offsets = [0, 64], sizes = [1, 64], strides = [1, 1]} : vector<8x128xi32> to vector<1x64xi32>
    %iota3A = tpu.iota {dimensions = array<i32: 1>} : vector<2048x64xi32>
    %iota3A_10 = tpu.iota {dimensions = array<i32: 0>} : vector<2048x1xi32>
    %mul3A = arith.constant 2048 : i32
    %mul3A_11 = arith.muli %arg0, %mul3A : i32
    %add3A = vector.broadcast %mul3A_11 : i32 to vector<2048x1xi32>
    %add3A_12 = arith.addi %add3A, %iota3A_10 : vector<2048x1xi32>
    %sub3A = arith.constant 32767 : i32
    %sub3A_13 = vector.broadcast %sub3A : i32 to vector<2048x1xi32>
    %sub3A_14 = arith.subi %sub3A_13, %add3A_12 : vector<2048x1xi32>
    %eq3A = vector.broadcast %and3A_3 : vector<2048x1xi32> to vector<2048x64xi32>
    %eq3A_15 = arith.cmpi eq, %eq3A, %iota3A : vector<2048x64xi32>
    %gt3A = vector.broadcast %shift_right_logical3A_5 : vector<2048x1xi32> to vector<2048x64xi32>
    %gt3A_16 = vector.broadcast %slice3A : vector<1x64xi32> to vector<2048x64xi32>
    %gt3A_17 = arith.cmpi sgt, %gt3A, %gt3A_16 : vector<2048x64xi32>
    %eq3A_18 = vector.broadcast %shift_right_logical3A_5 : vector<2048x1xi32> to vector<2048x64xi32>
    %eq3A_19 = vector.broadcast %slice3A : vector<1x64xi32> to vector<2048x64xi32>
    %eq3A_20 = arith.cmpi eq, %eq3A_18, %eq3A_19 : vector<2048x64xi32>
    %ge3A = vector.broadcast %sub3A_14 : vector<2048x1xi32> to vector<2048x64xi32>
    %ge3A_21 = vector.broadcast %slice3A_9 : vector<1x64xi32> to vector<2048x64xi32>
    %ge3A_22 = arith.cmpi sge, %ge3A, %ge3A_21 : vector<2048x64xi32>
    %and3A_23 = arith.andi %eq3A_20, %ge3A_22 : vector<2048x64xi1>
    %or3A = arith.ori %gt3A_17, %and3A_23 : vector<2048x64xi1>
    %and3A_24 = arith.andi %eq3A_15, %or3A : vector<2048x64xi1>
    %convert_element_type3A = arith.extui %and3A_24 : vector<2048x64xi1> to vector<2048x64xi32>
    %convert_element_type3A_25 = arith.sitofp %convert_element_type3A : vector<2048x64xi32> to vector<2048x64xf32>
    %swap3A = arith.constant 0 : index
    %swap3A_26 = arith.constant 0 : index
    %swap3A_27 = vector.load %arg5[%swap3A, %swap3A_26] : memref<2048x64xf32, #tpu.memory_space<vmem>>, vector<2048x64xf32>
    tpu.vector_store %arg5[%swap3A, %swap3A_26], %convert_element_type3A_25 {strides = array<i32>} : memref<2048x64xf32, #tpu.memory_space<vmem>>, vector<2048x64xf32>,
    %eq3A_28 = arith.constant 0 : i32
    %eq3A_29 = arith.cmpi eq, %arg0, %eq3A_28 : i32
    %convert_element_type3A_30 = arith.extui %eq3A_29 : i1 to i32
    %cond3A = arith.constant 0 : i32
    %cond3A_31 = arith.cmpi ne, %convert_element_type3A_30, %cond3A : i32
    scf.if %cond3A_31 {
      %slice3A_32 = vector.extract_strided_slice %get3A_8 {offsets = [1, 0], sizes = [1, 64], strides = [1, 1]} : vector<8x128xi32> to vector<1x64xi32>
      %convert_element_type3A_33 = arith.sitofp %slice3A_32 : vector<1x64xi32> to vector<1x64xf32>
      %get3A_34 = arith.constant 0 : index
      %get3A_35 = arith.constant 0 : index
      %get3A_36 = vector.load %arg3[%get3A_34, %get3A_35] : memref<8x64xf32, #tpu.memory_space<vmem>>, vector<1x64xf32>
      %mul3A_37 = arith.mulf %get3A_36, %convert_element_type3A_33 : vector<1x64xf32>
      %reduce_sum3A = vector.shape_cast %mul3A_37 : vector<1x64xf32> to vector<1x1x64xf32>
      %reduce_sum3A_38 = arith.constant dense<0.000000e+00> : vector<1xf32>
      %reduce_sum3A_39 = vector.multi_reduction <add>, %reduce_sum3A, %reduce_sum3A_38 [1, 2] : vector<1x1x64xf32> to vector<1xf32>
      %reduce_sum3A_40 = vector.shape_cast %reduce_sum3A_39 : vector<1xf32> to vector<1x1x1xf32>
      %reduce_sum3A_41 = vector.extract %reduce_sum3A_40[0, 0, 0] : f32 from vector<1x1x1xf32>
      %get3A_42 = arith.constant 0 : index
      %get3A_43 = arith.constant 0 : index
      %get3A_44 = vector.load %arg4[%get3A_42, %get3A_43] : memref<8x64xf32, #tpu.memory_space<vmem>>, vector<1x1xf32>
      %get3A_45 = vector.extract %get3A_44[0, 0] : f32 from vector<1x1xf32>
      %mul3A_46 = arith.constant 6.400000e+01 : f32
      %mul3A_47 = arith.mulf %mul3A_46, %reduce_sum3A_41 : f32
      %div3A = arith.constant 1.07374182E+9 : f32
      %div3A_48 = arith.divf %mul3A_47, %div3A : f32
      %div3A_49 = arith.constant 3.276800e+04 : f32
      %div3A_50 = arith.divf %get3A_45, %div3A_49 : f32
      %mul3A_51 = arith.constant 1.000000e-03 : f32
      %mul3A_52 = arith.mulf %mul3A_51, %div3A_50 : f32
      %add3A_53 = arith.addf %div3A_48, %mul3A_52 : f32
      %broadcast_in_dim3A = vector.broadcast %add3A_53 : f32 to vector<8x64xf32>
      %swap3A_54 = arith.constant 0 : index
      %swap3A_55 = arith.constant 0 : index
      %swap3A_56 = vector.load %arg6[%swap3A_54, %swap3A_55] : memref<8x64xf32, #tpu.memory_space<vmem>>, vector<8x64xf32>
      tpu.vector_store %arg6[%swap3A_54, %swap3A_55], %broadcast_in_dim3A {strides = array<i32>} : memref<8x64xf32, #tpu.memory_space<vmem>>, vector<8x64xf32>,
    } else {
    }
    return
  }
  func.func @transform_0(%arg0: i32) -> (i32, i32) {
    %c0_i32 = arith.constant 0 : i32
    %c0_i32_0 = arith.constant 0 : i32
    return %arg0, %c0_i32 : i32, i32
  }
  func.func @transform_1(%arg0: i32) -> (i32, i32) {
    %c0_i32 = arith.constant 0 : i32
    %c0_i32_0 = arith.constant 0 : i32
    %c0_i32_1 = arith.constant 0 : i32
    return %c0_i32, %c0_i32_0 : i32, i32
  }
  func.func @transform_2(%arg0: i32) -> (i32, i32) {
    %c0_i32 = arith.constant 0 : i32
    %c0_i32_0 = arith.constant 0 : i32
    %c0_i32_1 = arith.constant 0 : i32
    return %c0_i32, %c0_i32_0 : i32, i32
  }
  func.func @transform_3(%arg0: i32) -> (i32, i32) {
    %c0_i32 = arith.constant 0 : i32
    %c0_i32_0 = arith.constant 0 : i32
    %c0_i32_1 = arith.constant 0 : i32
    return %c0_i32, %c0_i32_0 : i32, i32
  }
  func.func @transform_4(%arg0: i32) -> (i32, i32) {
    %c0_i32 = arith.constant 0 : i32
    %c0_i32_0 = arith.constant 0 : i32
    return %arg0, %c0_i32 : i32, i32
  }
  func.func @transform_5(%arg0: i32) -> (i32, i32) {
    %c0_i32 = arith.constant 0 : i32
    %c0_i32_0 = arith.constant 0 : i32
    %c0_i32_1 = arith.constant 0 : i32
    return %c0_i32, %c0_i32_0 : i32, i32
  }
}

</mosaic_0001>

<sc_bundles>
// kernel: kernel.5.cloned.1.call-start
scs
__scs_entry_jumppad:
0x0: {  	(pc) =	sbr.rel $0x88, $3  }
0x1: {  	(tag) =	ssettag $0x0;
	lr =	simm.s32 $0x1  }
0x2: {  	[smem:$0x3F9F] =	sst lr;
	_ =	strace $0xD0000000  }
0x3: {  	_ = 	snop  }
0x4: {  	_ = 	snop  }
0x5: {  	_ = 	snop  }
0x6: {  	_ = 	snop  }
0x7: {  	_ = 	snop  }
__scs_overlays_trampoline_lowered:
0x8: {  	[smem:$0x3FAE] =	sst s0  }
0x9: {  	[smem:$0x3FAF] =	sst s1  }
0xa: {  	[smem:$0x3FB0] =	sst s2  }
0xb: {  	[smem:$0x3FB1] =	sst s3  }
0xc: {  	[smem:$0x3FB2] =	sst s4  }
0xd: {  	[smem:$0x3FB3] =	sst s5  }
0xe: {  	[smem:$0x3FB4] =	sst s6  }
0xf: {  	[smem:$0x3FB5] =	sst s7  }
0x10: {  	[smem:$0x3FB6] =	sst s8  }
0x11: {  	[smem:$0x3FB7] =	sst s9;
	s0 =	simm.s32 @!p0 $0x0  }
0x12: {  	s1 =	sld [smem:$0x3F9D];
	s0 =	simm.s32 @p0 $0x1  }
0x13: {  	[smem:$0x3FB8] =	sst s0;
	s0 =	simm.s32 @!p1 $0x0  }
0x14: {  	s2 =	sld [smem:$0x3F9C];
	s0 =	simm.s32 @p1 $0x1  }
0x15: {  	[smem:$0x3FB9] =	sst s0;
	s0 =	simm.s32 @!p2 $0x0  }
0x16: {  	s3 =	sld [smem:$0x3FDB];
	s0 =	simm.s32 @p2 $0x1  }
0x17: {  	s4 =	simm.s32 $0x1BF5;
	[smem:$0x3FBB] =	sst s0  }
0x18: {  	s0 =	sld [smem:$0x3F9E];
	_ =	swait.ge [sflag:s4], $0x0  }
0x19: {  	s7 =	sld [smem:$0x3F9F]  }
0x1a: {  	s8 =	sadd.s32 $0xFFFFE003, lr  }
0x1b: {  	s9 =	sadd.s32 $0xFFFFFEF7, lr;
	s5 =	simm.s32 $0xFFFFFFFF;
	p2 =	slt.u32 s8, $0xFFFFF086  }
0x1c: {  	p1 =	slt.u32 s9, $0xF7A;
	s5 =	simm.s32 @!p2 $0x0  }
0x1d: {  	s5 =	simm.s32 @p1 $0x1;
	p0 =	seq.s32 s7, s2  }
0x1e: {  	s7 =	smul.u32 @!p0 $0xF7A, s2;
	p2 =	seq.s32 @!p0 s5, $0x0  }
0x1f: {  	s9 =	smul.u32 $0xF7A, s1;
	s8 =	simm.s32 @!p0 $0x1BF5;
	p2 =	por !p2, p0  }
0x20: {  	[sflag:s8] =	ssyncset.s32 @!p0 $0xFFFFF086;
	s6 =	sadd.s32 @!p0 s3, s7;
	s7 =	simm.s32 @!p0 $0x108  }
0x21: {  	s3 =	sadd.s32 s3, s9;
	s6 =	sadd.s32 @!p0 $0x88, s6;
	s7 =	simm.s32 @p2 $0x1082  }
0x22: {  	[simem:s7], [sflag:s8] =	dma.local @!p0 [hbm:s6], $0xF7A  }
0x23: {  	s9 =	sor.u32 $0xD0000000, s2;
	s6 =	simm.s32 $0x108;
	_ =	swait.ge @!p0 [sflag:s8], $0x0  }
0x24: {  	s3 =	sadd.s32 $0x88, s3;
	s6 =	simm.s32 @!p1 $0x1082;
	[sflag:s4] =	ssyncset.s32 $0xFFFFF086  }
0x25: {  	[simem:s6], [sflag:s4] =	dma.local [hbm:s3], $0xF7A  }
0x26: {  	[smem:$0x3F9F] =	sst s1;
	(tag) =	ssettag s2;
	_ =	strace s9  }
0x27: {  	s1 =	sld [smem:$0x3FAF]  }
0x28: {  	s2 =	sld [smem:$0x3FB0]  }
0x29: {  	s4 =	sld [smem:$0x3FB2]  }
0x2a: {  	p0 =	seq.s32 s5, $0x0;
	s5 =	sld [smem:$0x3FB3]  }
0x2b: {  	s6 =	sld [smem:$0x3FB4]  }
0x2c: {  	s7 =	sld [smem:$0x3FB5]  }
0x2d: {  	s3 =	simm.s32 $0x108;
	s8 =	sld [smem:$0x3FB6]  }
0x2e: {  	s3 =	simm.s32 @!p0 $0x1082;
	s9 =	sld [smem:$0x3FB7]  }
0x2f: {  	lr =	sadd.s32 s0, s3;
	s0 =	sld [smem:$0x3FAE]  }
0x30: {  	s3 =	sld [smem:$0x3FB1]  }
0x31: {  	[smem:$0x3FBA] =	sst s10  }
0x32: {  	s10 =	sld [smem:$0x3FB8];
	_ =	sdelay $0x3  }
0x33: {  	p0 =	seq.s32 s10, $0x1;
	s10 =	sld [smem:$0x3FBA];
	_ =	sdelay $0x3  }
0x34: {  	[smem:$0x3FBA] =	sst s10  }
0x35: {  	s10 =	sld [smem:$0x3FB9];
	_ =	sdelay $0x3  }
0x36: {  	p1 =	seq.s32 s10, $0x1;
	s10 =	sld [smem:$0x3FBA];
	_ =	sdelay $0x3  }
0x37: {  	[smem:$0x3FBA] =	sst s10  }
0x38: {  	s10 =	sld [smem:$0x3FBB]  }
0x39: {  	_ = 	snop;
	(pc) =	sbr.ind lr, $3  }
0x3a: {  	_ = 	snop  }
0x3b: {  	_ = 	snop  }
0x3c: {  	p2 =	seq.s32 s10, $0x1;
	s10 =	sld [smem:$0x3FBA]  }
0x3d: {  	_ =	shalt  }
0x3e: {  	_ =	shalt  }
0x3f: {  	_ =	shalt  }
0x40: {  	_ =	shalt  }
0x41: {  	_ =	shalt  }
0x42: {  	_ =	shalt  }
0x43: {  	_ =	shalt  }
0x44: {  	_ =	shalt  }
0x45: {  	_ =	shalt  }
0x46: {  	_ =	shalt  }
0x47: {  	_ =	shalt  }
0x48: {  	_ =	shalt  }
0x49: {  	_ =	shalt  }
0x4a: {  	_ =	shalt  }
0x4b: {  	_ =	shalt  }
0x4c: {  	_ =	shalt  }
0x4d: {  	_ =	shalt  }
0x4e: {  	_ =	shalt  }
0x4f: {  	_ =	shalt  }
0x50: {  	_ =	shalt  }
0x51: {  	_ =	shalt  }
0x52: {  	_ =	shalt  }
0x53: {  	_ =	shalt  }
0x54: {  	_ =	shalt  }
0x55: {  	_ =	shalt  }
0x56: {  	_ =	shalt  }
0x57: {  	_ =	shalt  }
0x58: {  	_ =	shalt  }
0x59: {  	_ =	shalt  }
0x5a: {  	_ =	shalt  }
0x5b: {  	_ =	shalt  }
0x5c: {  	_ =	shalt  }
0x5d: {  	_ =	shalt  }
0x5e: {  	_ =	shalt  }
0x5f: {  	_ =	shalt  }
0x60: {  	_ =	shalt  }
0x61: {  	_ =	shalt  }
0x62: {  	_ =	shalt  }
0x63: {  	_ =	shalt  }
0x64: {  	_ =	shalt  }
0x65: {  	_ =	shalt  }
0x66: {  	_ =	shalt  }
0x67: {  	_ =	shalt  }
0x68: {  	_ =	shalt  }
0x69: {  	_ =	shalt  }
0x6a: {  	_ =	shalt  }
0x6b: {  	_ =	shalt  }
0x6c: {  	_ =	shalt  }
0x6d: {  	_ =	shalt  }
0x6e: {  	_ =	shalt  }
0x6f: {  	_ =	shalt  }
0x70: {  	_ =	shalt  }
0x71: {  	_ =	shalt  }
0x72: {  	_ =	shalt  }
0x73: {  	_ =	shalt  }
0x74: {  	_ =	shalt  }
0x75: {  	_ =	shalt  }
0x76: {  	_ =	shalt  }
0x77: {  	_ =	shalt  }
0x78: {  	_ =	shalt  }
0x79: {  	_ =	shalt  }
0x7a: {  	_ =	shalt  }
0x7b: {  	_ =	shalt  }
0x7c: {  	_ =	shalt  }
0x7d: {  	_ =	shalt  }
0x7e: {  	_ =	shalt  }
0x7f: {  	_ =	shalt  }
0x80: {  	_ =	shalt  }
0x81: {  	_ =	shalt  }
0x82: {  	_ =	shalt  }
0x83: {  	_ =	shalt  }
0x84: {  	_ =	shalt  }
0x85: {  	_ =	shalt  }
0x86: {  	_ =	shalt  }
0x87: {  	_ =	shalt  }
.Lfunc_end0:
.L_simem_size_0:
called_computation_lowered:
.L_overlay_start_0:
0x88: {  	s2 =	sld [smem:$0x3FD9]  }
0x89: {  	s3 =	sld [smem:$0x3FFE];
	_ =	sdelay $0x1  }
0x8a: {  	s1 =	srdreg.scid  }
0x8b: {  	s0 =	sand.u32 $0x1, s1  }
0x8c: {  	s15 =	sshll.u32 s0, $0xA;
	s2 =	sadd.s32 s3, s2  }
0x8d: {  	s2 =	sadd.s32 s2, s15  }
0x8e: {  	[smem:$0x3FC6] =	sst s2  }
0x8f: {  	_ = 	snop  }
0x90: {  	s2 =	sld [smem:$0x3FD0];
	_ =	sdelay $0x2  }
0x91: {  	s16 =	simm.s32 $0xA;
	s4 =	simm.s32 $0x10  }
0x92: {  	[smem:s4], [sflag:s16] =	dma.local [hbm:s2], $0x1  }
0x93: {  	_ =	swait.eq [sflag:s16], $0x1  }
0x94: {  	s17 =	sld [smem:$0x10];
	[sflag:s16] =	ssyncset.done $0x0  }
0x95: {  	s18 =	sld [smem:$0x11];
	[sflag:s16] =	ssyncadd.s32 $0xFFFFFFFF  }
0x96: {  	s19 =	sld [smem:$0x13];
	(tm) =	ssettm $0x1  }
0x97: {  	s5 =	sld [smem:$0x3FFB];
	_ =	sdelay $0x3  }
0x98: {  	_ =	strace s5  }
0x99: {  	s5 =	sld [smem:$0x3FFC];
	_ =	sdelay $0x3  }
0x9a: {  	_ =	strace s5  }
0x9b: {  	s5 =	sld [smem:$0x3FFD];
	_ =	sdelay $0x3  }
0x9c: {  	_ =	strace s5  }
0x9d: {  	_ =	strace $0x8FFFFFFF  }
0x9e: {  	s20 =	sld [smem:$0x3FDB];
	_ =	sdelay $0x1  }
0x9f: {  	s6 =	simm.s32 $_scs_section_size  }
0xa0: {  	s7 =	simm.s32 $_size__tile_overlayer_lowered;
	s8 =	simm.s32 $_tile_overlayer_lowered  }
0xa1: {  	s23 =	simm.s32 $0x1BFF;
	s22 =	sshll.u32 s8, $0x1;
	s5 =	sadd.s32 s6, s20  }
0xa2: {  	s9 =	simm.s32 $0x0;
	s21 =	sshll.u32 s7, $0x1;
	s7 =	sadd.s32 s22, s5  }
0xa3: {  	[timem:s9], [sflag:s23] =	dma.local [hbm:s7], s21  }
0xa4: {  	_ =	swait.ge [sflag:s23], s21  }
0xa5: {  	s6 =	ssub.s32 $0x0, s21;
	[sflag:s23] =	ssyncset.done $0x0  }
0xa6: {  	[sflag:s23] =	ssyncadd.s32 s6;
	_ =	sdelay $0x1  }
0xa7: {  	s24 =	simm.s32 $0x1B8B  }
0xa8: {  	_ =	swait.ge [sflag:s24], $0x1  }
0xa9: {  	[sflag:s24] =	ssyncset.done $0x0  }
0xaa: {  	s25 =	simm.s32 $0x1B8E;
	[sflag:s24] =	ssyncadd.s32 $0xFFFFFFFF  }
0xab: {  	s26 =	simm.s32 $execute0_lowered;
	[smem:$0x3FD2] =	sst s25  }
0xac: {  	s6 =	sshll.u32 s26, $0x1;
	_ =	strace $0x80000046;
	[dreg:$0x1] =	wrdreg $0xFFFFFFFF  }
0xad: {  	s28 =	simm.s32 $_size_execute0_lowered;
	s5 =	sadd.s32 s5, s6;
	[dreg:$0x0] =	wrdreg $0x0  }
0xae: {  	s6 =	sshll.u32 s28, $0x1;
	[dreg:$0x2] =	wrdreg s5  }
0xaf: {  	[dreg:$0x3] =	wrdreg s6  }
0xb0: {  	[dreg:$0x4] =	wrdreg $0xC0  }
0xb1: {  	_ =	task [dreg:s9], $0x5FFFF  }
0xb2: {  	[dreg:$0x1] =	wrdreg $0xFFFFFFFF  }
0xb3: {  	[dreg:$0x0] =	wrdreg $0x60  }
0xb4: {  	[dreg:$0x2] =	wrdreg s18  }
0xb5: {  	[dreg:$0x3] =	wrdreg s19  }
0xb6: {  	[dreg:$0x4] =	wrdreg s17  }
0xb7: {  	[dreg:$0x5] =	wrdreg $0x1F000  }
0xb8: {  	[dreg:$0x6] =	wrdreg $0x2F000  }
0xb9: {  	[dreg:$0x7] =	wrdreg $0x9  }
0xba: {  	_ =	task.clear_ibuf [dreg:s9], $0x8FFFF;
	_ =	strace $0x90000046  }
0xbb: {  	s29 =	simm.s32 $0x9;
	_ =	strace $0x80000048  }
0xbc: {  	_ =	swait.ge [sflag:s29], $0x1  }
0xbd: {  	[sflag:s29] =	ssyncadd.s32 $0xFFFFFFFF  }
0xbe: {  	_ =	strace $0x90000048  }
0xbf: {  	_ =	sfence  }
0xc0: {  	s30 =	sld [smem:$0x0];
	_ =	sdelay $0x2  }
0xc1: {  	s31 =	sshll.u32 s1, $0xD;
	s1 =	sshrl.u32 s1, $0x2  }
0xc2: {  	s3 =	sand.u32 $0x4000, s31;
	s1 =	sadd.s32 s1, s30  }
0xc3: {  	s0 =	sor.u32 s3, s0;
	s1 =	sshll.u32 s1, $0x11  }
0xc4: {  	s0 =	sor.u32 s1, s0  }
0xc5: {  	s0 =	sadd.s32 $0x8F2B, s0  }
0xc6: {  	[sflag:s0] =	ssyncadd.remote.s32 $0x1  }
0xc7: {  	_ =	sfence.sel $0xFFFF  }
0xc8: {  	[dreg:$0x0] =	wrdreg $0xFFFFFFFF;
	(pc) =	sbr.abs _section_cstart, $3  }
0xc9: {  	[dreg:$0x1] =	wrdreg $0xFFFFFFFF  }
0xca: {  	_ =	task.clear_ibuf [dreg:s9], $0x2FFFF;
	_ =	strace $0x9FFFFFFF  }
0xcb: {  	(tm) =	ssettm $0x7FFFFFFF  }
tec
execute0_lowered:
.L_overlay_start_1:
0x0: {  	(tag) =	ssettag $0x1  }
0x1: {  	s1 =	srdreg.scid  }
0x2: {  	s0 =	rddreg [dreg:$0x0];
	s1 =	sand.u32 $0x1, s1  }
0x3: {  	s10 =	rddreg [dreg:$0x1];
	p0 =	seq.s32 s1, $0x1  }
.Ltmp0:
0x4: {  	s7 =	rddreg [dreg:$0x2];
	(pc) =	sbr.rel @p0 .LBB2_30-.Ltmp0, $4  }
0x5: {  	s4 =	rddreg [dreg:$0x3]  }
0x6: {  	s2 =	rddreg [dreg:$0x4];
	s11 =	simm.s32 $0x0  }
0x7: {  	[smem:$0x7FF] =	sst s11  }
0x8: {  	s3 =	rddreg [dreg:$0x5];
	_ =	strace $0x80000047;
	s1 =	stileid.u32  }
0x9: {  	s3 =	sshll.u32 s1, $0xB;
	s30 =	sshll.u32 s1, $0xC;
	s9 =	sshll.u32 s1, $0x8  }
0xa: {  	s12 =	sshll.u32 s1, $0x6;
	s5 =	simm.s32 $0x1;
	s25 =	simm.s32 $0x1E80  }
0xb: {  	s8 =	sxor.u32 $0x7FFF, s3;
	s3 =	sadd.s32 s30, s4;
	s4 =	sadd.s32 s9, s4  }
0xc: {  	s13 =	sor.u32 $0x1, s12;
	s14 =	sor.u32 $0x2, s12;
	s15 =	sor.u32 $0x3, s12  }
0xd: {  	s1 =	sadd.s32 s12, s2;
	s6 =	sadd.s32 s7, s12;
	s16 =	sor.u32 $0x10, s12  }
0xe: {  	s17 =	sor.u32 $0x11, s12;
	s18 =	sor.u32 $0x12, s12;
	s19 =	sand.u32 $0x380, s12  }
0xf: {  	v1 =	vmov s12;
	s20 =	sor.u32 $0x13, s12;
	s0 =	sadd.s32 s0, s9;
	s31 =	sor.u32 $0x20, s12  }
0x10: {  	s22 =	sor.u32 $0x23, s12;
	s24 =	sor.u32 $0x30, s12;
	s26 =	sor.u32 $0x31, s12;
	v0 =	vmov s8;
	v2 =	vmov s13;
	v1 =	vbroadcast v1, $0x0  }
0x11: {  	s28 =	sor.u32 $0x32, s12;
	s29 =	sor.u32 $0x33, s12;
	[dreg:$0x6] =	wrdreg s1;
	v3 =	vmov s14;
	v4 =	vmov s15;
	v5 =	vmov s16  }
0x12: {  	s19 =	sadd.s32 s7, s19;
	s21 =	sand.u32 $0x50, s16;
	s7 =	sadd.s32 s16, s2;
	v6 =	vmov s17;
	v7 =	vmov s18;
	v8 =	vmov s20  }
0x13: {  	[tilespmem:s11], [sflag:$0x1] =	stream.linear.gather [hbm4b:s0+s11], $0x800, $0x38;
	v9 =	vmov s31;
	v12 =	vmov s22;
	v2 =	vbroadcast v2, $0x0;
	[tilespmem:$0x2F40] =	vst v63  }
0x14: {  	s1 =	sor.u32 $0x21, s12;
	s9 =	sadd.s32 s31, s2;
	v13 =	vmov s24;
	v3 =	vbroadcast v3, $0x0;
	v4 =	vbroadcast v4, $0x0;
	_ =	swait.ge [sflag:s5], $0x800  }
0x15: {  	s23 =	sand.u32 $0x60, s31;
	v14 =	vmov s26;
	s30 =	sand.u32 $0x70, s24;
	v5 =	vbroadcast v5, $0x0;
	v6 =	vbroadcast v6, $0x0;
	[sflag:s5] =	ssyncset.done $0x0  }
0x16: {  	v15 =	vmov s28;
	s0 =	simm.s32 $0x0;
	s8 =	sadd.s32 s21, s19;
	v7 =	vbroadcast v7, $0x0;
	v8 =	vbroadcast v8, $0x0;
	[sflag:s5] =	ssyncadd.s32 $0xFFFFF800  }
0x17: {  	v16 =	vmov s29;
	v9 =	vbroadcast v9, $0x0;
	v12 =	vbroadcast v12, $0x0;
	[tilespmem:s25], [sflag:$0x1] =	stream.linear.gather [hbm4b:s10+s11], $0x80, $0x38;
	[tilespmem:$0x2F40] =	vst v63  }
0x18: {  	s21 =	sor.u32 $0x22, s12;
	v10 =	vmov s1;
	v13 =	vbroadcast v13, $0x0;
	v14 =	vbroadcast v14, $0x0;
	s12 =	sadd.s32 s24, s2;
	_ =	swait.ge [sflag:s5], $0x80  }
0x19: {  	s31 =	sadd.s32 s30, s19;
	v15 =	vbroadcast v15, $0x0;
	v16 =	vbroadcast v16, $0x0;
	v11 =	vmov s21;
	s11 =	sadd.s32 s23, s19;
	[sflag:s5] =	ssyncset.done $0x0  }
0x1a: {  	v22 =	vimm.s32 $0x0;
	v10 =	vbroadcast v10, $0x0;
	v11 =	vbroadcast v11, $0x0;
	s10 =	simm.s32 $0x40;
	[dreg:$0x7] =	wrdreg s31;
	[sflag:s5] =	ssyncadd.s32 $0xFFFFFF80  }
.LBB2_2:
0x1b: {  	p0 =	sne.s32 s10, $0xFC0;
	[tilespmem:s0+$0x1A00] =	vst v22;
	s0 =	smov.u32 s10;
	s10 =	sadd.s32 $0x40, s10  }
.Ltmp1:
0x1c: {  	(pc) =	sbr.rel @p0 .LBB2_2-.Ltmp1, $2  }
0x1d: {  	_ =	sdelay $0x2  }
0x1e: {  	s0 =	sshra.s32 s0, $0x2  }
0x1f: {  	v17 =	vlaneseq.u32  }
0x20: {  	s13 =	simm.s32 $0x0;
	s14 =	simm.s32 $0x1E80;
	v18 =	vimm.s32 $0x0;
	v19 =	vimm.s32 $0x1;
	v20 =	vmul.u32 $0xFFFFFFFF, v17  }
0x21: {  	s15 =	simm.s32 $0x1A00;
	s16 =	simm.s32 $0x800;
	s17 =	simm.s32 $0x1;
	vm0 =	vcmask $0x300;
	vm1 =	vcmask $0x704;
	vm2 =	vcmask $0xB08  }
0x22: {  	[tilespmem:s0+$0x1A00] =	vst v22;
	s18 =	simm.s32 $0x1900;
	s19 =	simm.s32 $0x1E00;
	vm3 =	vcmask $0xF0C;
	s20 =	simm.s32 $0x0;
	v21 =	vor.u32 $0x80000000, v17;
	v20 =	vadd.s32 $0xF, v20  }
.LBB2_4:
0x23: {  	s0 =	sshll.u32 s20, $0x4  }
0x24: {  	v22 =	vmov s0;
	s10 =	sor.u32 $0x1, s0  }
0x25: {  	s23 =	sor.u32 $0x2, s0;
	v22 =	vbroadcast v22, $0x0;
	v23 =	vmov s10  }
0x26: {  	s24 =	sor.u32 $0x3, s0;
	v24 =	vmov s23;
	v23 =	vbroadcast v23, $0x0  }
0x27: {  	s25 =	sor.u32 $0x4, s0;
	v25 =	vmov s24;
	v24 =	vbroadcast v24, $0x0  }
0x28: {  	s26 =	sor.u32 $0x5, s0;
	v26 =	vmov s25;
	v25 =	vbroadcast v25, $0x0  }
0x29: {  	s28 =	sor.u32 $0x6, s0;
	v27 =	vmov s26;
	v26 =	vbroadcast v26, $0x0  }
0x2a: {  	s29 =	sor.u32 $0x7, s0;
	v28 =	vmov s28;
	v32 =	vbroadcast v27, $0x0  }
0x2b: {  	s30 =	sor.u32 $0x8, s0;
	v29 =	vmov s29;
	v27 =	vld.idx.msk [tilespmem:v22+s14+$0x0], $0xffff;
	v22 =	vbroadcast v28, $0x0  }
0x2c: {  	s31 =	sor.u32 $0x9, s0;
	v30 =	vmov s30;
	v28 =	vld.idx.msk [tilespmem:v23+s14+$0x0], $0xffff;
	v23 =	vbroadcast v29, $0x0  }
0x2d: {  	s0 =	sor.u32 $0xA, s0;
	v31 =	vmov s31;
	v29 =	vld.idx.msk [tilespmem:v24+s14+$0x0], $0xffff;
	v24 =	vbroadcast v30, $0x0  }
0x2e: {  	v33 =	vbroadcast v31, $0x0;
	v30 =	vld.idx.msk [tilespmem:v25+s14+$0x0], $0xffff;
	v25 =	vmov s0  }
0x2f: {  	v31 =	vld.idx.msk [tilespmem:v26+s14+$0x0], $0xffff;
	v34 =	vbroadcast v25, $0x0  }
0x30: {  	v32 =	vld.idx.msk [tilespmem:v32+s14+$0x0], $0xffff  }
0x31: {  	v26 =	vld.idx.msk [tilespmem:v22+s14+$0x0], $0xffff  }
0x32: {  	v25 =	vld.idx.msk [tilespmem:v23+s14+$0x0], $0xffff  }
0x33: {  	v24 =	vld.idx.msk [tilespmem:v24+s14+$0x0], $0xffff  }
0x34: {  	v23 =	vld.idx.msk [tilespmem:v33+s14+$0x0], $0xffff  }
0x35: {  	s10 =	simm.s32 $0x0;
	s0 =	simm.s32 $0x40;
	v22 =	vld.idx.msk [tilespmem:v34+s14+$0x0], $0xffff  }
.LBB2_5:
0x36: {  	p0 =	seq.s32 s0, $0x3FC0;
	[tilespmem:s10+$0x800] =	vst v18;
	s10 =	smov.u32 s0;
	s0 =	sadd.s32 $0x40, s0  }
.Ltmp2:
0x37: {  	(pc) =	sbr.rel @!p0 .LBB2_5-.Ltmp2, $2  }
0x38: {  	_ =	sdelay $0x2  }
0x39: {  	s10 =	sshra.s32 s10, $0x2  }
0x3a: {  	v27 =	vxor.u32 $0x80000000, v27  }
0x3b: {  	(xrf0) =	vmax.scan.msk.u32 $0xffff, v27;
	v27 =	vxor.u32 $0x80000000, v28  }
0x3c: {  	(xrf0) =	vmax.scan.msk.u32 $0xffff, v27;
	v27 =	vxor.u32 $0x80000000, v29  }
0x3d: {  	(xrf0) =	vmax.scan.msk.u32 $0xffff, v27;
	v27 =	vxor.u32 $0x80000000, v30  }
0x3e: {  	(xrf0) =	vmax.scan.msk.u32 $0xffff, v27;
	v27 =	vxor.u32 $0x80000000, v31  }
0x3f: {  	(xrf0) =	vmax.scan.msk.u32 $0xffff, v27;
	v27 =	vxor.u32 $0x80000000, v32;
	_ =	sdelay $0x1  }
0x40: {  	(xrf0) =	vmax.scan.msk.u32 $0xffff, v27  }
0x41: {  	v27, _, _ =	vpop (xrf0)  }
0x42: {  	v28, _, _ =	vpop (xrf0)  }
0x43: {  	(v2sf) =	vpush v27, $0xF;
	v29, _, _ =	vpop (xrf0)  }
0x44: {  	(v2sf) =	vpush v28, $0xF;
	v30, _, _ =	vpop (xrf0)  }
0x45: {  	(v2sf) =	vpush v29, $0xF;
	v27, _, _ =	vpop (xrf0)  }
0x46: {  	(v2sf) =	vpush v27, $0xF;
	v27, _, _ =	vpop (xrf0)  }
0x47: {  	(v2sf) =	vpush v27, $0xF;
	_ =	sdelay $0x7  }
0x48: {  	v26 =	vxor.u32 $0x80000000, v26  }
0x49: {  	(xrf0) =	vmax.scan.msk.u32 $0xffff, v26;
	_ =	sdelay $0x1  }
0x4a: {  	s0 =	spop (v2sf)  }
0x4b: {  	s30 =	spop (v2sf)  }
0x4c: {  	s21 =	spop (v2sf)  }
0x4d: {  	s22 =	spop (v2sf)  }
0x4e: {  	[tilespmem:s10+$0x800] =	vst v18;
	v29 =	vbroadcast v30, $0xF;
	v63, _, _ =	vpop (xrf0);
	s0 =	sxor.u32 $0x80000000, s0;
	s10 =	sxor.u32 $0x80000000, s30;
	s24 =	spop (v2sf)  }
0x4f: {  	v32 =	vbroadcast v63, $0xF;
	v26 =	vmov s0;
	s23 =	sxor.u32 $0x80000000, s21;
	v27 =	vmov s10;
	s21 =	sxor.u32 $0x80000000, s22;
	s31 =	sxor.u32 $0x80000000, s24  }
0x50: {  	s0 =	simm.s32 $0x0;
	s10 =	simm.s32 $0x0;
	v28 =	vmov s23;
	v30 =	vmov s21;
	v31 =	vmov s31  }
.LBB2_7:
0x51: {  	v33 =	vld [tilespmem:s0+$0x0];
	_ =	sdelay $0x4  }
0x52: {  	v34 =	vand.u32 $0x3F, v33  }
0x53: {  	v35 =	vshll.u32 v34, $0x4  }
0x54: {  	v36 =	vor.u32 $0x1, v35;
	_ =	sdelay $0x3  }
0x55: {  	v35 =	vld.idx.msk [tilespmem:v35+s15+$0x0], $0xffff  }
0x56: {  	v37 =	vor.u32 s10, v17;
	v36 =	vld.idx.msk [tilespmem:v36+s15+$0x0], $0xffff  }
0x57: {  	v37 =	vsub.s32 v0, v37  }
0x58: {  	v62 =	vshrl.u32 v37, v27;
	v33 =	vshrl.u32 v33, $0x6  }
0x59: {  	v37 =	vshrl.u32 v37, v31;
	v38 =	vshrl.u32 v33, v26;
	v33 =	vshrl.u32 v33, v28  }
0x5a: {  	v63 =	vand.u32 v32, v37;
	v33 =	vand.u32 v29, v33  }
0x5b: {  	v33 =	vshll.u32 v33, v30;
	vm4 =	veq.s32 v38, v35;
	vm5 =	veq.s32 v62, v36  }
0x5c: {  	v34 =	vshll.u32 v34, $0x6;
	v33 =	vor.u32 v63, v33;
	vm4 =	vmand vm4, vm5  }
0x5d: {  	p0 =	sne.s32 s10, $0x7F0;
	v33 =	vadd.s32 v34, v33  }
.Ltmp3:
0x5e: {  	_ = 	snop;
	(pc) =	sbr.rel @p0 .LBB2_7-.Ltmp3, $2  }
0x5f: {  	_ =	sdelay $0x2  }
0x60: {  	s0 =	sadd.s32 $0x10, s0;
	s10 =	sadd.s32 $0x10, s10;
	[tilespmem:v33+s16+$0x0] =	vst.idx.add.s32.msk vm4, v19  }
0x61: {  	[spmem:s3] =	stream.linear.scatter [tilespmem:s16], [sflag:$0x1], $0x1000, $0x38;
	[tilespmem:$0x2F40] =	vst v63  }
0x62: {  	_ =	swait.ge [sflag:s17], $0x1000  }
0x63: {  	[sflag:s17] =	ssyncset.done $0x0  }
0x64: {  	[sflag:s17] =	ssyncadd.s32 $0xFFFFF000  }
0x65: {  	[bflag:$0x0] =	sbarrier.arrive $0xFFFF  }
0x66: {  	[tilespmem:$0x1800] =	vst v18  }
0x67: {  	[tilespmem:$0x1810] =	vst v18  }
0x68: {  	[tilespmem:$0x1820] =	vst v18  }
0x69: {  	[tilespmem:$0x1830] =	vst v18  }
0x6a: {  	[tilespmem:$0x1840] =	vst v18  }
0x6b: {  	[tilespmem:$0x1850] =	vst v18  }
0x6c: {  	[tilespmem:$0x1860] =	vst v18  }
0x6d: {  	[tilespmem:$0x1870] =	vst v18  }
0x6e: {  	[tilespmem:$0x1880] =	vst v18  }
0x6f: {  	[tilespmem:$0x1890] =	vst v18  }
0x70: {  	[tilespmem:$0x18A0] =	vst v18  }
0x71: {  	[tilespmem:$0x18B0] =	vst v18  }
0x72: {  	[tilespmem:$0x18C0] =	vst v18  }
0x73: {  	[tilespmem:$0x18D0] =	vst v18  }
0x74: {  	[tilespmem:$0x18E0] =	vst v18  }
0x75: {  	s0 =	sadd.s32 $0x0, s4;
	[tilespmem:$0x18F0] =	vst v18  }
0x76: {  	[tilespmem:s18], [sflag:$0x1] =	stream.linear.gather [spmem:s0], $0x100, $0x38;
	[tilespmem:$0x2F40] =	vst v63  }
0x77: {  	_ =	swait.ge [sflag:s17], $0x100  }
0x78: {  	[sflag:s17] =	ssyncset.done $0x0  }
0x79: {  	[sflag:s17] =	ssyncadd.s32 $0xFFFFFF00  }
0x7a: {  	v27 =	vld [tilespmem:$0x19F0]  }
0x7b: {  	v28 =	vld [tilespmem:$0x19B0]  }
0x7c: {  	v29 =	vld [tilespmem:$0x19E0]  }
0x7d: {  	v26 =	vld [tilespmem:$0x1910]  }
0x7e: {  	s22 =	simm.s32 $0x4000;
	v30 =	vld [tilespmem:$0x19A0]  }
.LBB2_9:
0x7f: {  	p0 =	sne.s32 s22, $0x3C000;
	v31 =	vld [tilespmem:$0x1990];
	s23 =	smov.u32 s22;
	s22 =	sadd.s32 $0x4000, s22  }
0x80: {  	v32 =	vld [tilespmem:$0x1980]  }
0x81: {  	v33 =	vld [tilespmem:$0x1970]  }
0x82: {  	v34 =	vld [tilespmem:$0x1960]  }
0x83: {  	v35 =	vld [tilespmem:$0x1950]  }
0x84: {  	v36 =	vld [tilespmem:$0x18A0]  }
0x85: {  	v37 =	vld [tilespmem:$0x1920]  }
0x86: {  	v38 =	vld [tilespmem:$0x1890]  }
0x87: {  	v39 =	vld [tilespmem:$0x1880]  }
0x88: {  	v40 =	vld [tilespmem:$0x1870]  }
0x89: {  	v41 =	vld [tilespmem:$0x1800];
	v30 =	vadd.s32 v36, v30  }
0x8a: {  	v36 =	vld [tilespmem:$0x1930];
	[tilespmem:$0x18A0] =	vst v30  }
0x8b: {  	v30 =	vadd.s32 v38, v31;
	v31 =	vld [tilespmem:$0x19C0]  }
0x8c: {  	v32 =	vadd.s32 v39, v32;
	[tilespmem:$0x1890] =	vst v30;
	v30 =	vld [tilespmem:$0x19D0]  }
0x8d: {  	v38 =	vld [tilespmem:$0x1860];
	v33 =	vadd.s32 v40, v33;
	[tilespmem:$0x1880] =	vst v32  }
0x8e: {  	v32 =	vld [tilespmem:$0x1940];
	[tilespmem:$0x1870] =	vst v33  }
0x8f: {  	v33 =	vld [tilespmem:$0x1850]  }
0x90: {  	v39 =	vld [tilespmem:$0x1840]  }
0x91: {  	v40 =	vld [tilespmem:$0x18E0]  }
0x92: {  	v34 =	vadd.s32 v38, v34;
	v38 =	vld [tilespmem:$0x18B0]  }
0x93: {  	[tilespmem:$0x1860] =	vst v34;
	v34 =	vld [tilespmem:$0x18F0]  }
0x94: {  	v42 =	vld [tilespmem:$0x1830];
	v33 =	vadd.s32 v33, v35  }
0x95: {  	v35 =	vld [tilespmem:$0x1810];
	v32 =	vadd.s32 v39, v32;
	[tilespmem:$0x1850] =	vst v33  }
0x96: {  	[tilespmem:$0x1840] =	vst v32;
	v32 =	vld [tilespmem:$0x18D0];
	v29 =	vadd.s32 v40, v29  }
0x97: {  	v33 =	vld [tilespmem:$0x1820];
	v28 =	vadd.s32 v38, v28;
	[tilespmem:$0x18E0] =	vst v29  }
0x98: {  	[tilespmem:$0x18B0] =	vst v28;
	v28 =	vld [tilespmem:$0x18C0];
	v27 =	vadd.s32 v34, v27  }
0x99: {  	v29 =	vld [tilespmem:$0x1900];
	v34 =	vadd.s32 v42, v36;
	[tilespmem:$0x18F0] =	vst v27  }
0x9a: {  	v26 =	vadd.s32 v35, v26;
	[tilespmem:$0x1830] =	vst v34  }
0x9b: {  	[tilespmem:$0x1810] =	vst v26;
	v26 =	vadd.s32 v32, v30  }
0x9c: {  	v27 =	vadd.s32 v33, v37;
	[tilespmem:$0x18D0] =	vst v26  }
0x9d: {  	s0 =	sshra.s32 s23, $0x2;
	[tilespmem:$0x1820] =	vst v27;
	v26 =	vadd.s32 v28, v31  }
0x9e: {  	s0 =	sadd.s32 s0, s4;
	v27 =	vadd.s32 v41, v29;
	[tilespmem:$0x18C0] =	vst v26  }
0x9f: {  	[tilespmem:$0x1800] =	vst v27  }
0xa0: {  	[tilespmem:s18], [sflag:$0x1] =	stream.linear.gather [spmem:s0], $0x100, $0x38;
	[tilespmem:$0x2F40] =	vst v63  }
0xa1: {  	_ =	swait.ge [sflag:s17], $0x100  }
0xa2: {  	[sflag:s17] =	ssyncset.done $0x0  }
0xa3: {  	[sflag:s17] =	ssyncadd.s32 $0xFFFFFF00  }
.Ltmp4:
0xa4: {  	v27 =	vld [tilespmem:$0x19F0];
	(pc) =	sbr.rel @p0 .LBB2_9-.Ltmp4, $4  }
0xa5: {  	v28 =	vld [tilespmem:$0x19B0]  }
0xa6: {  	v29 =	vld [tilespmem:$0x19E0]  }
0xa7: {  	v26 =	vld [tilespmem:$0x1910]  }
0xa8: {  	v30 =	vld [tilespmem:$0x19A0]  }
0xa9: {  	v31 =	vld [tilespmem:$0x1990]  }
0xaa: {  	v32 =	vld [tilespmem:$0x1980]  }
0xab: {  	v33 =	vld [tilespmem:$0x1970]  }
0xac: {  	v34 =	vld [tilespmem:$0x1960]  }
0xad: {  	v35 =	vld [tilespmem:$0x1950]  }
0xae: {  	v36 =	vld [tilespmem:$0x18A0]  }
0xaf: {  	v37 =	vld [tilespmem:$0x1920]  }
0xb0: {  	v38 =	vld [tilespmem:$0x1890]  }
0xb1: {  	v39 =	vld [tilespmem:$0x1880]  }
0xb2: {  	v40 =	vld [tilespmem:$0x1870]  }
0xb3: {  	v41 =	vld [tilespmem:$0x1800]  }
0xb4: {  	v42 =	vld [tilespmem:$0x1930]  }
0xb5: {  	v43 =	vld [tilespmem:$0x19C0]  }
0xb6: {  	v45 =	vld [tilespmem:$0x1860]  }
0xb7: {  	v46 =	vld [tilespmem:$0x1940]  }
0xb8: {  	v51 =	vld [tilespmem:$0x1850]  }
0xb9: {  	v52 =	vld [tilespmem:$0x18B0];
	v30 =	vadd.s32 v36, v30  }
0xba: {  	v32 =	vadd.s32 v39, v32;
	[tilespmem:$0x18A0] =	vst v30;
	v30 =	vadd.s32 v38, v31;
	v31 =	vld [tilespmem:$0x1840]  }
0xbb: {  	v54 =	vld [tilespmem:$0x18F0];
	[tilespmem:$0x1880] =	vst v32  }
0xbc: {  	v33 =	vadd.s32 v40, v33;
	[tilespmem:$0x1890] =	vst v30;
	v30 =	vld [tilespmem:$0x18E0]  }
0xbd: {  	v56 =	vld [tilespmem:$0x1810];
	v53 =	vadd.s32 v45, v34;
	[tilespmem:$0x1870] =	vst v33  }
0xbe: {  	v44 =	vld [tilespmem:$0x19D0];
	v35 =	vadd.s32 v51, v35;
	[tilespmem:$0x1860] =	vst v53  }
0xbf: {  	v55 =	vld [tilespmem:$0x1830];
	[tilespmem:$0x1850] =	vst v35;
	v31 =	vadd.s32 v31, v46  }
0xc0: {  	v28 =	vadd.s32 v52, v28;
	[tilespmem:$0x1840] =	vst v31;
	v31 =	vld [tilespmem:$0x18D0]  }
0xc1: {  	v27 =	vadd.s32 v54, v27;
	[tilespmem:$0x18B0] =	vst v28;
	v29 =	vadd.s32 v30, v29;
	v30 =	vld [tilespmem:$0x1820]  }
0xc2: {  	v57 =	vld [tilespmem:$0x18C0];
	v26 =	vadd.s32 v56, v26;
	[tilespmem:$0x18F0] =	vst v27  }
0xc3: {  	v58 =	vld [tilespmem:$0x1900];
	[tilespmem:$0x1810] =	vst v26  }
0xc4: {  	[tilespmem:$0x18E0] =	vst v29;
	v29 =	vadd.s32 v55, v42  }
0xc5: {  	[tilespmem:$0x1830] =	vst v29;
	v27 =	vadd.s32 v31, v44  }
0xc6: {  	v28 =	vadd.s32 v30, v37;
	[tilespmem:$0x18D0] =	vst v27  }
0xc7: {  	v30 =	vadd.s32 v57, v43;
	[tilespmem:$0x1820] =	vst v28  }
0xc8: {  	v27 =	vadd.s32 v41, v58;
	[tilespmem:$0x18C0] =	vst v30  }
0xc9: {  	[tilespmem:$0x1800] =	vst v27  }
0xca: {  	v30 =	vld.idx.msk [tilespmem:v3+s15+$0x0], $0xffff;
	_ =	sdelay $0x4  }
0xcb: {  	v30 =	vxor.u32 $0x80000000, v30  }
0xcc: {  	(xrf0) =	vmax.scan.msk.u32 $0xffff, v30;
	_ =	sdelay $0x5  }
0xcd: {  	v30, _, _ =	vpop (xrf0)  }
0xce: {  	(v2sf) =	vpush v30, $0xF  }
0xcf: {  	s10 =	simm.s32 $0x1830  }
0xd0: {  	v59 =	vld [tilespmem:s10+$0x0];
	_ =	sdelay $0x4  }
0xd1: {  	v34 =	vperm.xlane v59, v20;
	(xrf0) =	vadd.scan.msk.s32 $0xffff, v59;
	_ =	sdelay $0x1  }
0xd2: {  	(xrf0) =	vadd.scan.msk.s32 $0xffff, v34;
	_ =	sdelay $0x3  }
0xd3: {  	v60, _, _ =	vpop (xrf0)  }
0xd4: {  	v34 =	vxor.u32 $0x80000000, v60  }
0xd5: {  	v61, _, _ =	vpop (xrf0);
	(xrf0) =	vmax.scan.msk.u32 $0xffff, v34;
	s0 =	spop (v2sf)  }
0xd6: {  	p0 =	seq.s32 s20, $0x0;
	v34 =	vperm.xlane v61, v20;
	s26 =	sxor.u32 $0x80000000, s0  }
0xd7: {  	s22 =	simm.s32 $0x0;
	s26 =	simm.s32 @p0 $0x233  }
0xd8: {  	s31 =	simm.s32 $0x30;
	v34 =	vadd.s32 s22, v34;
	v33 =	vmov s26  }
0xd9: {  	v62 =	vor.u32 s31, v21;
	vm4 =	vlt.s32 v34, v33  }
0xda: {  	v31 =	vld.idx.msk [tilespmem:v1+s15+$0x0], $0xffff;
	v34 =	vsel vm4, $0x7FFFFFFF, v62  }
0xdb: {  	v32 =	vld.idx.msk [tilespmem:v2+s15+$0x0], $0xffff;
	v63, _, _ =	vpop (xrf0);
	(xrf0) =	vmax.scan.msk.u32 $0xffff, v34  }
0xdc: {  	s25 =	simm.s32 $0xFFFFFFFF;
	s28 =	simm.s32 $0x1820;
	v30 =	vld.idx.msk [tilespmem:v4+s15+$0x0], $0xffff;
	(v2sf) =	vpush v63, $0xF  }
0xdd: {  	s24 =	simm.s32 $0x20;
	s23 =	simm.s32 $0x0;
	s0 =	simm.s32 $0x10;
	v34 =	vld [tilespmem:s28+$0x0]  }
.LBB2_11:
0xde: {  	s1 =	smov.u32 s25  }
0xdf: {  	p1 =	seq.s32 s0, $0x0;
	_ =	sdelay $0x1  }
0xe0: {  	v35, _, _ =	vpop (xrf0)  }
0xe1: {  	(v2sf) =	vpush v35, $0xF  }
0xe2: {  	v35 =	vperm.xlane v34, v20;
	(xrf0) =	vadd.scan.msk.s32 $0xffff, v34;
	_ =	sdelay $0x1  }
0xe3: {  	(xrf0) =	vadd.scan.msk.s32 $0xffff, v35;
	_ =	sdelay $0x3  }
0xe4: {  	v34, _, _ =	vpop (xrf0)  }
0xe5: {  	v34 =	vxor.u32 $0x80000000, v34  }
0xe6: {  	v35, _, _ =	vpop (xrf0);
	(xrf0) =	vmax.scan.msk.u32 $0xffff, v34;
	s10 =	spop (v2sf)  }
0xe7: {  	v34 =	vperm.xlane v35, v20;
	s10 =	sxor.u32 $0x80000000, s10  }
0xe8: {  	s22 =	sadd.s32 s22, s10;
	s23 =	sadd.s32 s23, s10  }
0xe9: {  	v34 =	vadd.s32 s22, v34  }
0xea: {  	v36 =	vor.u32 s24, v21;
	s24 =	smov.u32 s0;
	vm4 =	vlt.s32 v34, v33  }
.Ltmp5:
0xeb: {  	v35 =	vsel vm4, $0x7FFFFFFF, v36;
	(pc) =	sbr.rel @!p1 .LBB2_11-.Ltmp5, $4  }
0xec: {  	(xrf0) =	vmax.scan.msk.u32 $0xffff, v35;
	v34, _, _ =	vpop (xrf0);
	s10 =	spop (v2sf)  }
0xed: {  	(v2sf) =	vpush v34, $0xF;
	s25 =	sxor.u32 $0x80000000, s10  }
0xee: {  	s28 =	sadd.s32 $0xFFFFFFF0, s28;
	p2 =	sgt.s32 s1, s25  }
0xef: {  	s0 =	sadd.s32 $0xFFFFFFF0, s0;
	v34 =	vld [tilespmem:s28+$0x0];
	s25 =	smov.u32 @p2 s1  }
0xf0: {  	_ =	sdelay $0x3  }
0xf1: {  	v35 =	vperm.xlane v34, v20  }
0xf2: {  	(xrf0) =	vadd.scan.msk.s32 $0xffff, v34  }
0xf3: {  	(xrf0) =	vadd.scan.msk.s32 $0xffff, v35;
	_ =	sdelay $0x3  }
0xf4: {  	v57, _, _ =	vpop (xrf0)  }
0xf5: {  	v58, _, _ =	vpop (xrf0)  }
0xf6: {  	v36, _, _ =	vpop (xrf0);
	s0 =	spop (v2sf)  }
0xf7: {  	v36 =	vperm.xlane v36, v20;
	s0 =	sxor.u32 $0x80000000, s0  }
0xf8: {  	s1 =	sadd.s32 s22, s0  }
0xf9: {  	v36 =	vadd.s32 s1, v36  }
0xfa: {  	v60 =	vor.u32 s24, v21;
	v59 =	vxor.u32 $0x80000000, v58;
	vm4 =	vlt.s32 v36, v33  }
0xfb: {  	(xrf0) =	vmax.scan.msk.u32 $0xffff, v59;
	v61 =	vsel vm4, $0x7FFFFFFF, v60  }
0xfc: {  	(xrf0) =	vmax.scan.msk.u32 $0xffff, v61;
	_ =	sdelay $0x4  }
0xfd: {  	(v2sf) =	vpush v57, $0xF;
	v62, _, _ =	vpop (xrf0)  }
0xfe: {  	(v2sf) =	vpush v62, $0xF;
	v63, _, _ =	vpop (xrf0)  }
0xff: {  	(v2sf) =	vpush v63, $0xF;
	_ =	sdelay $0x1  }
0x100: {  	v25 =	vxor.u32 $0x80000000, v25  }
0x101: {  	v24 =	vxor.u32 $0x80000000, v24;
	(xrf0) =	vmax.scan.msk.u32 $0xffff, v25  }
0x102: {  	v23 =	vxor.u32 $0x80000000, v23;
	(xrf0) =	vmax.scan.msk.u32 $0xffff, v24  }
0x103: {  	v22 =	vxor.u32 $0x80000000, v22;
	(xrf0) =	vmax.scan.msk.u32 $0xffff, v23  }
0x104: {  	(xrf0) =	vmax.scan.msk.u32 $0xffff, v22;
	v22 =	vxor.u32 $0x80000000, v31  }
0x105: {  	(xrf0) =	vmax.scan.msk.u32 $0xffff, v22;
	v22 =	vxor.u32 $0x80000000, v32;
	_ =	sdelay $0x2  }
0x106: {  	(xrf0) =	vmax.scan.msk.u32 $0xffff, v22;
	v22, _, _ =	vpop (xrf0)  }
0x107: {  	(v2sf) =	vpush v22, $0xF;
	v22 =	vxor.u32 $0x80000000, v30  }
0x108: {  	(xrf0) =	vmax.scan.msk.u32 $0xffff, v22  }
0x109: {  	s31 =	spop (v2sf);
	v23, _, _ =	vpop (xrf0)  }
0x10a: {  	s10 =	spop (v2sf);
	(v2sf) =	vpush v23, $0xF;
	v23, _, _ =	vpop (xrf0)  }
0x10b: {  	v22, _, _ =	vpop (xrf0);
	s5 =	spop (v2sf);
	(v2sf) =	vpush v23, $0xF  }
0x10c: {  	v23, _, _ =	vpop (xrf0);
	(v2sf) =	vpush v22, $0xF  }
0x10d: {  	v22, _, _ =	vpop (xrf0);
	(v2sf) =	vpush v23, $0xF  }
0x10e: {  	(v2sf) =	vpush v22, $0xF;
	v22, _, _ =	vpop (xrf0)  }
0x10f: {  	(v2sf) =	vpush v22, $0xF;
	_ =	sdelay $0x5  }
0x110: {  	s1 =	sxor.u32 $0x80000000, s31  }
0x111: {  	p1 =	sgt.s32 s25, s1  }
0x112: {  	s0 =	sadd.s32 s23, s0;
	s1 =	smov.u32 @p1 s25;
	s29 =	sxor.u32 $0x80000000, s5  }
0x113: {  	s10 =	sxor.u32 $0x80000000, s10;
	p1 =	sgt.s32 s1, s29;
	s23 =	spop (v2sf)  }
0x114: {  	s28 =	sadd.s32 s0, s10;
	s29 =	smov.u32 @p1 s1;
	s24 =	spop (v2sf)  }
0x115: {  	s25 =	sxor.u32 $0x80000000, s23;
	p1 =	seq.s32 s20, $0x6;
	s1 =	spop (v2sf)  }
0x116: {  	s22 =	sxor.u32 $0x80000000, s24;
	s5 =	spop (v2sf);
	s23 =	sxor.u32 $0x80000000, s1  }
.Ltmp6:
0x117: {  	s30 =	spop (v2sf);
	s24 =	sxor.u32 $0x80000000, s5;
	(pc) =	sbr.rel @!p1 .LBB2_14-.Ltmp6, $4  }
0x118: {  	s31 =	spop (v2sf);
	s10 =	sxor.u32 $0x80000000, s30;
	s30 =	sshra.s32 s29, s21  }
0x119: {  	s1 =	sxor.u32 $0x80000000, s31;
	s5 =	spop (v2sf);
	s0 =	sshll.u32 s10, s25  }
0x11a: {  	s30 =	sand.u32 s22, s30;
	s10 =	sshll.u32 s1, s23;
	s1 =	sand.u32 s24, s29  }
0x11b: {  	s30 =	sor.u32 s0, s30;
	s0 =	sxor.u32 $0x80000000, s5;
	s10 =	sor.u32 s10, s1  }
0x11c: {  	p2 =	slt.s32 s0, $0x234;
	p3 =	slt.s32 s0, $0x233  }
0x11d: {  	s0 =	simm.s32 @!p3 $0x233;
	s10 =	simm.s32 @p2 $0x0  }
0x11e: {  	s30 =	simm.s32 @p2 $0xFFFFFFFF;
	v22 =	vmov s10;
	v23 =	vmov s0  }
0x11f: {  	v24 =	vmov s30;
	v22 =	vnsel vm1, $0x0, v22;
	v23 =	vnsel vm2, $0x0, v23  }
0x120: {  	v24 =	vnsel vm0, $0x0, v24;
	v22 =	vadd.s32 v23, v22  }
0x121: {  	v22 =	vadd.s32 v24, v22  }
.Ltmp7:
0x122: {  	[tilespmem:$0x1E00] =	vst v22;
	(pc) =	sbr.rel .LBB2_15-.Ltmp7, $4  }
0x123: {  	[hbm4b:s6+s13] =	stream.linear.scatter [tilespmem:s19], [sflag:$0x1], $0x80, $0x38;
	[tilespmem:$0x2F40] =	vst v63  }
0x124: {  	_ =	swait.ge [sflag:s17], $0x80  }
0x125: {  	[sflag:s17] =	ssyncset.done $0x0  }
0x126: {  	[sflag:s17] =	ssyncadd.s32 $0xFFFFFF80  }
.LBB2_14:
0x127: {  	v22 =	vmov s29;
	v23 =	vor.u32 $0x30, v17  }
0x128: {  	vm4 =	vlt.s32 v22, v23  }
0x129: {  	v23 =	vnsel vm4, $0x0, v29  }
0x12a: {  	(xrf0) =	vadd.scan.msk.s32 $0xffff, v23;
	_ =	sdelay $0x5  }
0x12b: {  	v24 =	vor.u32 $0x20, v17;
	v23, _, _ =	vpop (xrf0)  }
0x12c: {  	vm4 =	vlt.s32 v22, v24;
	v23 =	vxor.u32 $0x80000000, v23  }
0x12d: {  	(xrf0) =	vmax.scan.msk.u32 $0xffff, v23;
	v23 =	vnsel vm4, $0x0, v28  }
0x12e: {  	(xrf0) =	vadd.scan.msk.s32 $0xffff, v23;
	_ =	sdelay $0x4  }
0x12f: {  	v23, _, _ =	vpop (xrf0)  }
0x130: {  	v25 =	vor.u32 $0x10, v17;
	v58, _, _ =	vpop (xrf0)  }
0x131: {  	vm4 =	vlt.s32 v22, v25;
	v24 =	vxor.u32 $0x80000000, v58  }
0x132: {  	v59 =	vnsel vm4, $0x0, v26;
	(xrf0) =	vmax.scan.msk.u32 $0xffff, v24  }
0x133: {  	(xrf0) =	vadd.scan.msk.s32 $0xffff, v59;
	_ =	sdelay $0x4  }
0x134: {  	v60, _, _ =	vpop (xrf0)  }
0x135: {  	v61, _, _ =	vpop (xrf0)  }
0x136: {  	vm4 =	vlt.s32 v22, v17;
	v25 =	vxor.u32 $0x80000000, v61  }
0x137: {  	v22 =	vnsel vm4, $0x0, v27;
	(xrf0) =	vmax.scan.msk.u32 $0xffff, v25  }
0x138: {  	(xrf0) =	vadd.scan.msk.s32 $0xffff, v22;
	_ =	sdelay $0x4  }
0x139: {  	v22, _, _ =	vpop (xrf0)  }
0x13a: {  	v62, _, _ =	vpop (xrf0)  }
0x13b: {  	v25 =	vxor.u32 $0x80000000, v62  }
0x13c: {  	(xrf0) =	vmax.scan.msk.u32 $0xffff, v25;
	_ =	sdelay $0x3  }
0x13d: {  	(v2sf) =	vpush v23, $0xF  }
0x13e: {  	(v2sf) =	vpush v60, $0xF  }
0x13f: {  	(v2sf) =	vpush v22, $0xF;
	v22, _, _ =	vpop (xrf0)  }
0x140: {  	(v2sf) =	vpush v22, $0xF;
	_ =	sdelay $0xb  }
0x141: {  	s1 =	spop (v2sf)  }
0x142: {  	s29 =	spop (v2sf)  }
0x143: {  	s31 =	spop (v2sf)  }
0x144: {  	s5 =	spop (v2sf)  }
0x145: {  	s5 =	sadd.s32 s5, s31  }
0x146: {  	s5 =	sadd.s32 s29, s5  }
0x147: {  	s0 =	smov.u32 @p0 s28;
	v23 =	vmov s10;
	v22 =	vmov s30;
	s1 =	sadd.s32 s1, s5  }
0x148: {  	v63 =	vmov s0;
	v23 =	vnsel vm1, $0x0, v23;
	v22 =	vnsel vm0, $0x0, v22;
	s1 =	ssub.s32 s26, s1  }
0x149: {  	v24 =	vnsel vm3, $0x0, v63;
	v22 =	vadd.s32 v23, v22;
	v23 =	vmov s1  }
0x14a: {  	v22 =	vadd.s32 v24, v22;
	v23 =	vnsel vm2, $0x0, v23  }
0x14b: {  	v22 =	vadd.s32 v23, v22  }
0x14c: {  	s31 =	rddreg [dreg:$0x6];
	[tilespmem:$0x1E00] =	vst v22  }
0x14d: {  	[spmem:s31] =	stream.linear.scatter [tilespmem:s19], [sflag:$0x1], $0x10, $0x38;
	[tilespmem:$0x2F40] =	vst v63  }
0x14e: {  	_ =	swait.ge [sflag:s17], $0x10  }
0x14f: {  	[sflag:s17] =	ssyncset.done $0x0  }
0x150: {  	[sflag:s17] =	ssyncadd.s32 $0xFFFFFFF0  }
.LBB2_15:
0x151: {  	_ =	sdelay $0x3  }
0x152: {  	v22 =	vld.idx.msk [tilespmem:v7+s15+$0x0], $0xffff;
	_ =	sdelay $0x4  }
0x153: {  	v22 =	vxor.u32 $0x80000000, v22  }
0x154: {  	(xrf0) =	vmax.scan.msk.u32 $0xffff, v22;
	_ =	sdelay $0x5  }
0x155: {  	s10 =	simm.s32 $0x1870;
	v22, _, _ =	vpop (xrf0)  }
0x156: {  	v26 =	vld [tilespmem:s10+$0x0];
	(v2sf) =	vpush v22, $0xF;
	_ =	sdelay $0x4  }
0x157: {  	(xrf0) =	vadd.scan.msk.s32 $0xffff, v26;
	_ =	sdelay $0x1  }
0x158: {  	v26 =	vperm.xlane v26, v20;
	_ =	sdelay $0x1  }
0x159: {  	(xrf0) =	vadd.scan.msk.s32 $0xffff, v26;
	_ =	sdelay $0x1  }
0x15a: {  	v26, _, _ =	vpop (xrf0)  }
0x15b: {  	v26 =	vxor.u32 $0x80000000, v26;
	_ =	sdelay $0x2  }
0x15c: {  	(xrf0) =	vmax.scan.msk.u32 $0xffff, v26;
	v26, _, _ =	vpop (xrf0);
	s0 =	spop (v2sf)  }
0x15d: {  	v26 =	vperm.xlane v26, v20;
	s26 =	sxor.u32 $0x80000000, s0  }
0x15e: {  	s28 =	simm.s32 $0x0;
	s26 =	simm.s32 @p0 $0x233  }
0x15f: {  	s5 =	simm.s32 $0x30;
	v26 =	vadd.s32 s28, v26;
	v25 =	vmov s26  }
0x160: {  	vm4 =	vlt.s32 v26, v25;
	v26 =	vor.u32 s5, v21  }
0x161: {  	v23 =	vld.idx.msk [tilespmem:v6+s15+$0x0], $0xffff;
	v26 =	vsel vm4, $0x7FFFFFFF, v26  }
0x162: {  	v24 =	vld.idx.msk [tilespmem:v8+s15+$0x0], $0xffff;
	v27, _, _ =	vpop (xrf0);
	(xrf0) =	vmax.scan.msk.u32 $0xffff, v26  }
0x163: {  	s31 =	simm.s32 $0xFFFFFFFF;
	v22 =	vld.idx.msk [tilespmem:v5+s15+$0x0], $0xffff;
	(v2sf) =	vpush v27, $0xF;
	s0 =	simm.s32 $0x1860  }
0x164: {  	s30 =	simm.s32 $0x20;
	s29 =	simm.s32 $0x0;
	s10 =	simm.s32 $0x10;
	v26 =	vld [tilespmem:s0+$0x0]  }
.LBB2_16:
0x165: {  	s1 =	smov.u32 s31  }
0x166: {  	p2 =	seq.s32 s10, $0x0;
	_ =	sdelay $0x1  }
0x167: {  	v27, _, _ =	vpop (xrf0)  }
0x168: {  	(v2sf) =	vpush v27, $0xF  }
0x169: {  	v27 =	vperm.xlane v26, v20;
	(xrf0) =	vadd.scan.msk.s32 $0xffff, v26;
	_ =	sdelay $0x1  }
0x16a: {  	(xrf0) =	vadd.scan.msk.s32 $0xffff, v27;
	_ =	sdelay $0x3  }
0x16b: {  	v26, _, _ =	vpop (xrf0)  }
0x16c: {  	v26 =	vxor.u32 $0x80000000, v26  }
0x16d: {  	v27, _, _ =	vpop (xrf0);
	(xrf0) =	vmax.scan.msk.u32 $0xffff, v26;
	s5 =	spop (v2sf)  }
0x16e: {  	v26 =	vperm.xlane v27, v20;
	s5 =	sxor.u32 $0x80000000, s5  }
0x16f: {  	s28 =	sadd.s32 s28, s5;
	s29 =	sadd.s32 s29, s5  }
0x170: {  	v26 =	vadd.s32 s28, v26  }
0x171: {  	v28 =	vor.u32 s30, v21;
	s30 =	smov.u32 s10;
	vm4 =	vlt.s32 v26, v25  }
.Ltmp8:
0x172: {  	v27 =	vsel vm4, $0x7FFFFFFF, v28;
	(pc) =	sbr.rel @!p2 .LBB2_16-.Ltmp8, $4  }
0x173: {  	(xrf0) =	vmax.scan.msk.u32 $0xffff, v27;
	v26, _, _ =	vpop (xrf0);
	s5 =	spop (v2sf)  }
0x174: {  	(v2sf) =	vpush v26, $0xF;
	s31 =	sxor.u32 $0x80000000, s5  }
0x175: {  	s0 =	sadd.s32 $0xFFFFFFF0, s0;
	p3 =	sgt.s32 s1, s31  }
0x176: {  	s10 =	sadd.s32 $0xFFFFFFF0, s10;
	v26 =	vld [tilespmem:s0+$0x0];
	s31 =	smov.u32 @p3 s1  }
0x177: {  	_ =	sdelay $0x3  }
0x178: {  	v27 =	vperm.xlane v26, v20  }
0x179: {  	(xrf0) =	vadd.scan.msk.s32 $0xffff, v26  }
0x17a: {  	(xrf0) =	vadd.scan.msk.s32 $0xffff, v27;
	_ =	sdelay $0x3  }
0x17b: {  	v57, _, _ =	vpop (xrf0)  }
0x17c: {  	v58, _, _ =	vpop (xrf0)  }
0x17d: {  	v28, _, _ =	vpop (xrf0);
	s0 =	spop (v2sf)  }
0x17e: {  	v28 =	vperm.xlane v28, v20;
	s0 =	sxor.u32 $0x80000000, s0  }
0x17f: {  	s1 =	sadd.s32 s28, s0  }
0x180: {  	v59 =	vxor.u32 $0x80000000, v58;
	v28 =	vadd.s32 s1, v28  }
0x181: {  	v60 =	vor.u32 s30, v21;
	(xrf0) =	vmax.scan.msk.u32 $0xffff, v59;
	vm4 =	vlt.s32 v28, v25  }
0x182: {  	v61 =	vsel vm4, $0x7FFFFFFF, v60  }
0x183: {  	(xrf0) =	vmax.scan.msk.u32 $0xffff, v61;
	_ =	sdelay $0x3  }
0x184: {  	(v2sf) =	vpush v57, $0xF;
	v62, _, _ =	vpop (xrf0)  }
0x185: {  	(v2sf) =	vpush v62, $0xF  }
0x186: {  	v63, _, _ =	vpop (xrf0)  }
0x187: {  	(v2sf) =	vpush v63, $0xF;
	_ =	sdelay $0x3  }
0x188: {  	v22 =	vxor.u32 $0x80000000, v22  }
0x189: {  	(xrf0) =	vmax.scan.msk.u32 $0xffff, v22;
	v22 =	vxor.u32 $0x80000000, v23  }
0x18a: {  	(xrf0) =	vmax.scan.msk.u32 $0xffff, v22  }
0x18b: {  	v22 =	vxor.u32 $0x80000000, v24  }
0x18c: {  	(xrf0) =	vmax.scan.msk.u32 $0xffff, v22;
	_ =	sdelay $0x2  }
0x18d: {  	v22, _, _ =	vpop (xrf0)  }
0x18e: {  	v23, _, _ =	vpop (xrf0);
	s10 =	spop (v2sf);
	(v2sf) =	vpush v22, $0xF  }
0x18f: {  	s5 =	spop (v2sf);
	(v2sf) =	vpush v23, $0xF  }
0x190: {  	v22, _, _ =	vpop (xrf0)  }
0x191: {  	s1 =	sxor.u32 $0x80000000, s10;
	s10 =	spop (v2sf);
	(v2sf) =	vpush v22, $0xF;
	_ =	sdelay $0x8  }
0x192: {  	s0 =	sadd.s32 s29, s0;
	p2 =	sgt.s32 s31, s1  }
0x193: {  	s1 =	smov.u32 @p2 s31;
	s5 =	sxor.u32 $0x80000000, s5;
	s10 =	sxor.u32 $0x80000000, s10  }
0x194: {  	s28 =	sadd.s32 s0, s5;
	p2 =	sgt.s32 s1, s10  }
.Ltmp9:
0x195: {  	s10 =	smov.u32 @p2 s1;
	s1 =	spop (v2sf);
	(pc) =	sbr.rel @!p1 .LBB2_19-.Ltmp9, $4  }
0x196: {  	s0 =	sxor.u32 $0x80000000, s1;
	s29 =	sshra.s32 s10, s21;
	s5 =	spop (v2sf)  }
0x197: {  	s30 =	sand.u32 s24, s10;
	s0 =	sshll.u32 s0, s25;
	s1 =	sxor.u32 $0x80000000, s5  }
0x198: {  	s29 =	sand.u32 s22, s29;
	s1 =	sshll.u32 s1, s23;
	s31 =	spop (v2sf)  }
0x199: {  	s0 =	sor.u32 s0, s29;
	s30 =	sor.u32 s1, s30;
	s29 =	sxor.u32 $0x80000000, s31  }
0x19a: {  	p2 =	slt.s32 s29, $0x234;
	p3 =	slt.s32 s29, $0x233  }
0x19b: {  	s29 =	simm.s32 @!p3 $0x233;
	s30 =	simm.s32 @p2 $0x0  }
0x19c: {  	s0 =	simm.s32 @p2 $0xFFFFFFFF;
	v22 =	vmov s30;
	v23 =	vmov s29  }
0x19d: {  	v24 =	vmov s0;
	v22 =	vnsel vm1, $0x0, v22;
	v23 =	vnsel vm2, $0x0, v23  }
0x19e: {  	v24 =	vnsel vm0, $0x0, v24;
	v22 =	vadd.s32 v23, v22  }
0x19f: {  	v22 =	vadd.s32 v24, v22  }
.Ltmp10:
0x1a0: {  	[tilespmem:$0x1E00] =	vst v22;
	(pc) =	sbr.rel .LBB2_20-.Ltmp10, $4  }
0x1a1: {  	[hbm4b:s8+s13] =	stream.linear.scatter [tilespmem:s19], [sflag:$0x1], $0x80, $0x38;
	[tilespmem:$0x2F40] =	vst v63  }
0x1a2: {  	_ =	swait.ge [sflag:s17], $0x80  }
0x1a3: {  	[sflag:s17] =	ssyncset.done $0x0  }
0x1a4: {  	[sflag:s17] =	ssyncadd.s32 $0xFFFFFF80  }
.LBB2_19:
0x1a5: {  	v22 =	vld [tilespmem:$0x1870];
	_ =	sdelay $0x2  }
0x1a6: {  	v23 =	vmov s10;
	v24 =	vor.u32 $0x30, v17  }
0x1a7: {  	vm4 =	vlt.s32 v23, v24  }
0x1a8: {  	v22 =	vnsel vm4, $0x0, v22  }
0x1a9: {  	(xrf0) =	vadd.scan.msk.s32 $0xffff, v22;
	_ =	sdelay $0x2  }
0x1aa: {  	v22 =	vld [tilespmem:$0x1860];
	_ =	sdelay $0x2  }
0x1ab: {  	v25 =	vor.u32 $0x20, v17;
	v60, _, _ =	vpop (xrf0)  }
0x1ac: {  	vm4 =	vlt.s32 v23, v25;
	v24 =	vxor.u32 $0x80000000, v60  }
0x1ad: {  	v22 =	vnsel vm4, $0x0, v22;
	(xrf0) =	vmax.scan.msk.u32 $0xffff, v24  }
0x1ae: {  	(xrf0) =	vadd.scan.msk.s32 $0xffff, v22;
	_ =	sdelay $0x2  }
0x1af: {  	v22 =	vld [tilespmem:$0x1850];
	_ =	sdelay $0x1  }
0x1b0: {  	v24, _, _ =	vpop (xrf0)  }
0x1b1: {  	v26 =	vor.u32 $0x10, v17;
	v61, _, _ =	vpop (xrf0)  }
0x1b2: {  	vm4 =	vlt.s32 v23, v26;
	v25 =	vxor.u32 $0x80000000, v61  }
0x1b3: {  	v22 =	vnsel vm4, $0x0, v22;
	(xrf0) =	vmax.scan.msk.u32 $0xffff, v25  }
0x1b4: {  	(xrf0) =	vadd.scan.msk.s32 $0xffff, v22;
	_ =	sdelay $0x2  }
0x1b5: {  	v22 =	vld [tilespmem:$0x1840];
	_ =	sdelay $0x1  }
0x1b6: {  	v25, _, _ =	vpop (xrf0)  }
0x1b7: {  	v62, _, _ =	vpop (xrf0)  }
0x1b8: {  	vm4 =	vlt.s32 v23, v17;
	v23 =	vxor.u32 $0x80000000, v62  }
0x1b9: {  	v22 =	vnsel vm4, $0x0, v22;
	(xrf0) =	vmax.scan.msk.u32 $0xffff, v23  }
0x1ba: {  	(xrf0) =	vadd.scan.msk.s32 $0xffff, v22;
	_ =	sdelay $0x4  }
0x1bb: {  	v22, _, _ =	vpop (xrf0)  }
0x1bc: {  	v23, _, _ =	vpop (xrf0)  }
0x1bd: {  	v23 =	vxor.u32 $0x80000000, v23  }
0x1be: {  	(xrf0) =	vmax.scan.msk.u32 $0xffff, v23;
	_ =	sdelay $0x3  }
0x1bf: {  	(v2sf) =	vpush v24, $0xF  }
0x1c0: {  	(v2sf) =	vpush v25, $0xF  }
0x1c1: {  	(v2sf) =	vpush v22, $0xF;
	v22, _, _ =	vpop (xrf0)  }
0x1c2: {  	(v2sf) =	vpush v22, $0xF;
	_ =	sdelay $0xb  }
0x1c3: {  	s1 =	spop (v2sf)  }
0x1c4: {  	s5 =	spop (v2sf)  }
0x1c5: {  	s10 =	spop (v2sf)  }
0x1c6: {  	s31 =	spop (v2sf)  }
0x1c7: {  	s10 =	sadd.s32 s31, s10  }
0x1c8: {  	s5 =	sadd.s32 s5, s10  }
0x1c9: {  	s29 =	smov.u32 @p0 s28;
	v23 =	vmov s30;
	v22 =	vmov s0;
	s1 =	sadd.s32 s1, s5  }
0x1ca: {  	v63 =	vmov s29;
	v23 =	vnsel vm1, $0x0, v23;
	v22 =	vnsel vm0, $0x0, v22;
	s31 =	ssub.s32 s26, s1  }
0x1cb: {  	v24 =	vnsel vm3, $0x0, v63;
	v22 =	vadd.s32 v23, v22;
	v23 =	vmov s31  }
0x1cc: {  	v22 =	vadd.s32 v24, v22;
	v23 =	vnsel vm2, $0x0, v23  }
0x1cd: {  	v22 =	vadd.s32 v23, v22  }
0x1ce: {  	[tilespmem:$0x1E00] =	vst v22  }
0x1cf: {  	[spmem:s7] =	stream.linear.scatter [tilespmem:s19], [sflag:$0x1], $0x10, $0x38;
	[tilespmem:$0x2F40] =	vst v63  }
0x1d0: {  	_ =	swait.ge [sflag:s17], $0x10  }
0x1d1: {  	[sflag:s17] =	ssyncset.done $0x0  }
0x1d2: {  	[sflag:s17] =	ssyncadd.s32 $0xFFFFFFF0  }
.LBB2_20:
0x1d3: {  	_ =	sdelay $0x3  }
0x1d4: {  	v22 =	vld.idx.msk [tilespmem:v11+s15+$0x0], $0xffff;
	_ =	sdelay $0x4  }
0x1d5: {  	v22 =	vxor.u32 $0x80000000, v22  }
0x1d6: {  	(xrf0) =	vmax.scan.msk.u32 $0xffff, v22;
	_ =	sdelay $0x5  }
0x1d7: {  	s10 =	simm.s32 $0x18B0;
	v22, _, _ =	vpop (xrf0)  }
0x1d8: {  	v26 =	vld [tilespmem:s10+$0x0];
	(v2sf) =	vpush v22, $0xF;
	_ =	sdelay $0x4  }
0x1d9: {  	(xrf0) =	vadd.scan.msk.s32 $0xffff, v26;
	_ =	sdelay $0x1  }
0x1da: {  	v26 =	vperm.xlane v26, v20;
	_ =	sdelay $0x1  }
0x1db: {  	(xrf0) =	vadd.scan.msk.s32 $0xffff, v26;
	_ =	sdelay $0x1  }
0x1dc: {  	v26, _, _ =	vpop (xrf0)  }
0x1dd: {  	v26 =	vxor.u32 $0x80000000, v26;
	_ =	sdelay $0x2  }
0x1de: {  	(xrf0) =	vmax.scan.msk.u32 $0xffff, v26;
	v26, _, _ =	vpop (xrf0);
	s0 =	spop (v2sf)  }
0x1df: {  	v26 =	vperm.xlane v26, v20;
	s26 =	sxor.u32 $0x80000000, s0  }
0x1e0: {  	s28 =	simm.s32 $0x0;
	s26 =	simm.s32 @p0 $0x233  }
0x1e1: {  	s5 =	simm.s32 $0x30;
	v26 =	vadd.s32 s28, v26;
	v25 =	vmov s26  }
0x1e2: {  	vm4 =	vlt.s32 v26, v25;
	v26 =	vor.u32 s5, v21  }
0x1e3: {  	v23 =	vld.idx.msk [tilespmem:v10+s15+$0x0], $0xffff;
	v26 =	vsel vm4, $0x7FFFFFFF, v26  }
0x1e4: {  	v24 =	vld.idx.msk [tilespmem:v12+s15+$0x0], $0xffff;
	v27, _, _ =	vpop (xrf0);
	(xrf0) =	vmax.scan.msk.u32 $0xffff, v26  }
0x1e5: {  	s31 =	simm.s32 $0xFFFFFFFF;
	v22 =	vld.idx.msk [tilespmem:v9+s15+$0x0], $0xffff;
	(v2sf) =	vpush v27, $0xF;
	s0 =	simm.s32 $0x18A0  }
0x1e6: {  	s30 =	simm.s32 $0x20;
	s29 =	simm.s32 $0x0;
	s10 =	simm.s32 $0x10;
	v26 =	vld [tilespmem:s0+$0x0]  }
.LBB2_21:
0x1e7: {  	s1 =	smov.u32 s31  }
0x1e8: {  	p2 =	seq.s32 s10, $0x0;
	_ =	sdelay $0x1  }
0x1e9: {  	v27, _, _ =	vpop (xrf0)  }
0x1ea: {  	(v2sf) =	vpush v27, $0xF  }
0x1eb: {  	v27 =	vperm.xlane v26, v20;
	(xrf0) =	vadd.scan.msk.s32 $0xffff, v26;
	_ =	sdelay $0x1  }
0x1ec: {  	(xrf0) =	vadd.scan.msk.s32 $0xffff, v27;
	_ =	sdelay $0x3  }
0x1ed: {  	v26, _, _ =	vpop (xrf0)  }
0x1ee: {  	v26 =	vxor.u32 $0x80000000, v26  }
0x1ef: {  	v27, _, _ =	vpop (xrf0);
	(xrf0) =	vmax.scan.msk.u32 $0xffff, v26;
	s5 =	spop (v2sf)  }
0x1f0: {  	v26 =	vperm.xlane v27, v20;
	s5 =	sxor.u32 $0x80000000, s5  }
0x1f1: {  	s28 =	sadd.s32 s28, s5;
	s29 =	sadd.s32 s29, s5  }
0x1f2: {  	v26 =	vadd.s32 s28, v26  }
0x1f3: {  	v28 =	vor.u32 s30, v21;
	s30 =	smov.u32 s10;
	vm4 =	vlt.s32 v26, v25  }
.Ltmp11:
0x1f4: {  	v27 =	vsel vm4, $0x7FFFFFFF, v28;
	(pc) =	sbr.rel @!p2 .LBB2_21-.Ltmp11, $4  }
0x1f5: {  	(xrf0) =	vmax.scan.msk.u32 $0xffff, v27;
	v26, _, _ =	vpop (xrf0);
	s5 =	spop (v2sf)  }
0x1f6: {  	(v2sf) =	vpush v26, $0xF;
	s31 =	sxor.u32 $0x80000000, s5  }
0x1f7: {  	s0 =	sadd.s32 $0xFFFFFFF0, s0;
	p3 =	sgt.s32 s1, s31  }
0x1f8: {  	s10 =	sadd.s32 $0xFFFFFFF0, s10;
	v26 =	vld [tilespmem:s0+$0x0];
	s31 =	smov.u32 @p3 s1  }
0x1f9: {  	_ =	sdelay $0x3  }
0x1fa: {  	v27 =	vperm.xlane v26, v20  }
0x1fb: {  	(xrf0) =	vadd.scan.msk.s32 $0xffff, v26  }
0x1fc: {  	(xrf0) =	vadd.scan.msk.s32 $0xffff, v27;
	_ =	sdelay $0x3  }
0x1fd: {  	v57, _, _ =	vpop (xrf0)  }
0x1fe: {  	v58, _, _ =	vpop (xrf0)  }
0x1ff: {  	v28, _, _ =	vpop (xrf0);
	s0 =	spop (v2sf)  }
0x200: {  	v28 =	vperm.xlane v28, v20;
	s0 =	sxor.u32 $0x80000000, s0  }
0x201: {  	s1 =	sadd.s32 s28, s0  }
0x202: {  	v59 =	vxor.u32 $0x80000000, v58;
	v28 =	vadd.s32 s1, v28  }
0x203: {  	v60 =	vor.u32 s30, v21;
	(xrf0) =	vmax.scan.msk.u32 $0xffff, v59;
	vm4 =	vlt.s32 v28, v25  }
0x204: {  	v61 =	vsel vm4, $0x7FFFFFFF, v60  }
0x205: {  	(xrf0) =	vmax.scan.msk.u32 $0xffff, v61;
	_ =	sdelay $0x3  }
0x206: {  	(v2sf) =	vpush v57, $0xF;
	v62, _, _ =	vpop (xrf0)  }
0x207: {  	(v2sf) =	vpush v62, $0xF  }
0x208: {  	v63, _, _ =	vpop (xrf0)  }
0x209: {  	(v2sf) =	vpush v63, $0xF;
	_ =	sdelay $0x3  }
0x20a: {  	v22 =	vxor.u32 $0x80000000, v22  }
0x20b: {  	(xrf0) =	vmax.scan.msk.u32 $0xffff, v22;
	v22 =	vxor.u32 $0x80000000, v23  }
0x20c: {  	(xrf0) =	vmax.scan.msk.u32 $0xffff, v22  }
0x20d: {  	v22 =	vxor.u32 $0x80000000, v24  }
0x20e: {  	(xrf0) =	vmax.scan.msk.u32 $0xffff, v22;
	_ =	sdelay $0x2  }
0x20f: {  	v22, _, _ =	vpop (xrf0)  }
0x210: {  	v23, _, _ =	vpop (xrf0);
	s10 =	spop (v2sf);
	(v2sf) =	vpush v22, $0xF  }
0x211: {  	s5 =	spop (v2sf);
	(v2sf) =	vpush v23, $0xF  }
0x212: {  	v22, _, _ =	vpop (xrf0)  }
0x213: {  	s1 =	sxor.u32 $0x80000000, s10;
	s10 =	spop (v2sf);
	(v2sf) =	vpush v22, $0xF;
	_ =	sdelay $0x8  }
0x214: {  	s0 =	sadd.s32 s29, s0;
	p2 =	sgt.s32 s31, s1  }
0x215: {  	s1 =	smov.u32 @p2 s31;
	s5 =	sxor.u32 $0x80000000, s5;
	s10 =	sxor.u32 $0x80000000, s10  }
0x216: {  	s28 =	sadd.s32 s0, s5;
	p2 =	sgt.s32 s1, s10  }
.Ltmp12:
0x217: {  	s10 =	smov.u32 @p2 s1;
	s1 =	spop (v2sf);
	(pc) =	sbr.rel @!p1 .LBB2_24-.Ltmp12, $4  }
0x218: {  	s0 =	sxor.u32 $0x80000000, s1;
	s29 =	sshra.s32 s10, s21;
	s5 =	spop (v2sf)  }
0x219: {  	s30 =	sand.u32 s24, s10;
	s0 =	sshll.u32 s0, s25;
	s1 =	sxor.u32 $0x80000000, s5  }
0x21a: {  	s29 =	sand.u32 s22, s29;
	s1 =	sshll.u32 s1, s23;
	s31 =	spop (v2sf)  }
0x21b: {  	s0 =	sor.u32 s0, s29;
	s30 =	sor.u32 s1, s30;
	s29 =	sxor.u32 $0x80000000, s31  }
0x21c: {  	p2 =	slt.s32 s29, $0x234;
	p3 =	slt.s32 s29, $0x233  }
0x21d: {  	s29 =	simm.s32 @!p3 $0x233;
	s30 =	simm.s32 @p2 $0x0  }
0x21e: {  	s0 =	simm.s32 @p2 $0xFFFFFFFF;
	v22 =	vmov s30;
	v23 =	vmov s29  }
0x21f: {  	v24 =	vmov s0;
	v22 =	vnsel vm1, $0x0, v22;
	v23 =	vnsel vm2, $0x0, v23  }
0x220: {  	v24 =	vnsel vm0, $0x0, v24;
	v22 =	vadd.s32 v23, v22  }
0x221: {  	v22 =	vadd.s32 v24, v22  }
.Ltmp13:
0x222: {  	[tilespmem:$0x1E00] =	vst v22;
	(pc) =	sbr.rel .LBB2_25-.Ltmp13, $4  }
0x223: {  	[hbm4b:s11+s13] =	stream.linear.scatter [tilespmem:s19], [sflag:$0x1], $0x80, $0x38;
	[tilespmem:$0x2F40] =	vst v63  }
0x224: {  	_ =	swait.ge [sflag:s17], $0x80  }
0x225: {  	[sflag:s17] =	ssyncset.done $0x0  }
0x226: {  	[sflag:s17] =	ssyncadd.s32 $0xFFFFFF80  }
.LBB2_24:
0x227: {  	v22 =	vld [tilespmem:$0x18B0];
	_ =	sdelay $0x2  }
0x228: {  	v23 =	vmov s10;
	v24 =	vor.u32 $0x30, v17  }
0x229: {  	vm4 =	vlt.s32 v23, v24  }
0x22a: {  	v22 =	vnsel vm4, $0x0, v22  }
0x22b: {  	(xrf0) =	vadd.scan.msk.s32 $0xffff, v22;
	_ =	sdelay $0x2  }
0x22c: {  	v22 =	vld [tilespmem:$0x18A0];
	_ =	sdelay $0x2  }
0x22d: {  	v25 =	vor.u32 $0x20, v17;
	v60, _, _ =	vpop (xrf0)  }
0x22e: {  	vm4 =	vlt.s32 v23, v25;
	v24 =	vxor.u32 $0x80000000, v60  }
0x22f: {  	v22 =	vnsel vm4, $0x0, v22;
	(xrf0) =	vmax.scan.msk.u32 $0xffff, v24  }
0x230: {  	(xrf0) =	vadd.scan.msk.s32 $0xffff, v22;
	_ =	sdelay $0x2  }
0x231: {  	v22 =	vld [tilespmem:$0x1890];
	_ =	sdelay $0x1  }
0x232: {  	v24, _, _ =	vpop (xrf0)  }
0x233: {  	v26 =	vor.u32 $0x10, v17;
	v61, _, _ =	vpop (xrf0)  }
0x234: {  	vm4 =	vlt.s32 v23, v26;
	v25 =	vxor.u32 $0x80000000, v61  }
0x235: {  	v22 =	vnsel vm4, $0x0, v22;
	(xrf0) =	vmax.scan.msk.u32 $0xffff, v25  }
0x236: {  	(xrf0) =	vadd.scan.msk.s32 $0xffff, v22;
	_ =	sdelay $0x2  }
0x237: {  	v22 =	vld [tilespmem:$0x1880];
	_ =	sdelay $0x1  }
0x238: {  	v25, _, _ =	vpop (xrf0)  }
0x239: {  	v62, _, _ =	vpop (xrf0)  }
0x23a: {  	vm4 =	vlt.s32 v23, v17;
	v23 =	vxor.u32 $0x80000000, v62  }
0x23b: {  	v22 =	vnsel vm4, $0x0, v22;
	(xrf0) =	vmax.scan.msk.u32 $0xffff, v23  }
0x23c: {  	(xrf0) =	vadd.scan.msk.s32 $0xffff, v22;
	_ =	sdelay $0x4  }
0x23d: {  	v22, _, _ =	vpop (xrf0)  }
0x23e: {  	v23, _, _ =	vpop (xrf0)  }
0x23f: {  	v23 =	vxor.u32 $0x80000000, v23  }
0x240: {  	(xrf0) =	vmax.scan.msk.u32 $0xffff, v23;
	_ =	sdelay $0x3  }
0x241: {  	(v2sf) =	vpush v24, $0xF  }
0x242: {  	(v2sf) =	vpush v25, $0xF  }
0x243: {  	(v2sf) =	vpush v22, $0xF;
	v22, _, _ =	vpop (xrf0)  }
0x244: {  	(v2sf) =	vpush v22, $0xF;
	_ =	sdelay $0xb  }
0x245: {  	s1 =	spop (v2sf)  }
0x246: {  	s5 =	spop (v2sf)  }
0x247: {  	s10 =	spop (v2sf)  }
0x248: {  	s31 =	spop (v2sf)  }
0x249: {  	s10 =	sadd.s32 s31, s10  }
0x24a: {  	s5 =	sadd.s32 s5, s10  }
0x24b: {  	s29 =	smov.u32 @p0 s28;
	v23 =	vmov s30;
	v22 =	vmov s0;
	s1 =	sadd.s32 s1, s5  }
0x24c: {  	v63 =	vmov s29;
	v23 =	vnsel vm1, $0x0, v23;
	v22 =	vnsel vm0, $0x0, v22;
	s31 =	ssub.s32 s26, s1  }
0x24d: {  	v24 =	vnsel vm3, $0x0, v63;
	v22 =	vadd.s32 v23, v22;
	v23 =	vmov s31  }
0x24e: {  	v22 =	vadd.s32 v24, v22;
	v23 =	vnsel vm2, $0x0, v23  }
0x24f: {  	v22 =	vadd.s32 v23, v22  }
0x250: {  	[tilespmem:$0x1E00] =	vst v22  }
0x251: {  	[spmem:s9] =	stream.linear.scatter [tilespmem:s19], [sflag:$0x1], $0x10, $0x38;
	[tilespmem:$0x2F40] =	vst v63  }
0x252: {  	_ =	swait.ge [sflag:s17], $0x10  }
0x253: {  	[sflag:s17] =	ssyncset.done $0x0  }
0x254: {  	[sflag:s17] =	ssyncadd.s32 $0xFFFFFFF0  }
.LBB2_25:
0x255: {  	_ =	sdelay $0x3  }
0x256: {  	v22 =	vld.idx.msk [tilespmem:v15+s15+$0x0], $0xffff;
	_ =	sdelay $0x4  }
0x257: {  	v22 =	vxor.u32 $0x80000000, v22  }
0x258: {  	(xrf0) =	vmax.scan.msk.u32 $0xffff, v22;
	_ =	sdelay $0x5  }
0x259: {  	s10 =	simm.s32 $0x18F0;
	v22, _, _ =	vpop (xrf0)  }
0x25a: {  	v26 =	vld [tilespmem:s10+$0x0];
	(v2sf) =	vpush v22, $0xF;
	_ =	sdelay $0x4  }
0x25b: {  	(xrf0) =	vadd.scan.msk.s32 $0xffff, v26;
	_ =	sdelay $0x1  }
0x25c: {  	v26 =	vperm.xlane v26, v20;
	_ =	sdelay $0x1  }
0x25d: {  	(xrf0) =	vadd.scan.msk.s32 $0xffff, v26;
	_ =	sdelay $0x1  }
0x25e: {  	v26, _, _ =	vpop (xrf0)  }
0x25f: {  	v26 =	vxor.u32 $0x80000000, v26;
	_ =	sdelay $0x2  }
0x260: {  	(xrf0) =	vmax.scan.msk.u32 $0xffff, v26;
	v26, _, _ =	vpop (xrf0);
	s0 =	spop (v2sf)  }
0x261: {  	v26 =	vperm.xlane v26, v20;
	s26 =	sxor.u32 $0x80000000, s0  }
0x262: {  	s28 =	simm.s32 $0x0;
	s26 =	simm.s32 @p0 $0x233  }
0x263: {  	s5 =	simm.s32 $0x30;
	v26 =	vadd.s32 s28, v26;
	v25 =	vmov s26  }
0x264: {  	vm4 =	vlt.s32 v26, v25;
	v26 =	vor.u32 s5, v21  }
0x265: {  	v23 =	vld.idx.msk [tilespmem:v14+s15+$0x0], $0xffff;
	v26 =	vsel vm4, $0x7FFFFFFF, v26  }
0x266: {  	v24 =	vld.idx.msk [tilespmem:v16+s15+$0x0], $0xffff;
	v27, _, _ =	vpop (xrf0);
	(xrf0) =	vmax.scan.msk.u32 $0xffff, v26  }
0x267: {  	s31 =	simm.s32 $0xFFFFFFFF;
	v22 =	vld.idx.msk [tilespmem:v13+s15+$0x0], $0xffff;
	(v2sf) =	vpush v27, $0xF;
	s0 =	simm.s32 $0x18E0  }
0x268: {  	s30 =	simm.s32 $0x20;
	s29 =	simm.s32 $0x0;
	s10 =	simm.s32 $0x10;
	v26 =	vld [tilespmem:s0+$0x0]  }
.LBB2_26:
0x269: {  	s1 =	smov.u32 s31  }
0x26a: {  	p2 =	seq.s32 s10, $0x0;
	_ =	sdelay $0x1  }
0x26b: {  	v27, _, _ =	vpop (xrf0)  }
0x26c: {  	(v2sf) =	vpush v27, $0xF  }
0x26d: {  	v27 =	vperm.xlane v26, v20;
	(xrf0) =	vadd.scan.msk.s32 $0xffff, v26;
	_ =	sdelay $0x1  }
0x26e: {  	(xrf0) =	vadd.scan.msk.s32 $0xffff, v27;
	_ =	sdelay $0x3  }
0x26f: {  	v26, _, _ =	vpop (xrf0)  }
0x270: {  	v26 =	vxor.u32 $0x80000000, v26  }
0x271: {  	v27, _, _ =	vpop (xrf0);
	(xrf0) =	vmax.scan.msk.u32 $0xffff, v26;
	s5 =	spop (v2sf)  }
0x272: {  	v26 =	vperm.xlane v27, v20;
	s5 =	sxor.u32 $0x80000000, s5  }
0x273: {  	s28 =	sadd.s32 s28, s5;
	s29 =	sadd.s32 s29, s5  }
0x274: {  	v26 =	vadd.s32 s28, v26  }
0x275: {  	v28 =	vor.u32 s30, v21;
	s30 =	smov.u32 s10;
	vm4 =	vlt.s32 v26, v25  }
.Ltmp14:
0x276: {  	v27 =	vsel vm4, $0x7FFFFFFF, v28;
	(pc) =	sbr.rel @!p2 .LBB2_26-.Ltmp14, $4  }
0x277: {  	(xrf0) =	vmax.scan.msk.u32 $0xffff, v27;
	v26, _, _ =	vpop (xrf0);
	s5 =	spop (v2sf)  }
0x278: {  	(v2sf) =	vpush v26, $0xF;
	s31 =	sxor.u32 $0x80000000, s5  }
0x279: {  	s0 =	sadd.s32 $0xFFFFFFF0, s0;
	p3 =	sgt.s32 s1, s31  }
0x27a: {  	s10 =	sadd.s32 $0xFFFFFFF0, s10;
	v26 =	vld [tilespmem:s0+$0x0];
	s31 =	smov.u32 @p3 s1  }
0x27b: {  	_ =	sdelay $0x3  }
0x27c: {  	v27 =	vperm.xlane v26, v20  }
0x27d: {  	(xrf0) =	vadd.scan.msk.s32 $0xffff, v26  }
0x27e: {  	(xrf0) =	vadd.scan.msk.s32 $0xffff, v27;
	_ =	sdelay $0x3  }
0x27f: {  	v57, _, _ =	vpop (xrf0)  }
0x280: {  	v58, _, _ =	vpop (xrf0)  }
0x281: {  	v28, _, _ =	vpop (xrf0);
	s0 =	spop (v2sf)  }
0x282: {  	v28 =	vperm.xlane v28, v20;
	s0 =	sxor.u32 $0x80000000, s0  }
0x283: {  	s1 =	sadd.s32 s28, s0  }
0x284: {  	v59 =	vxor.u32 $0x80000000, v58;
	v28 =	vadd.s32 s1, v28  }
0x285: {  	v60 =	vor.u32 s30, v21;
	(xrf0) =	vmax.scan.msk.u32 $0xffff, v59;
	vm4 =	vlt.s32 v28, v25  }
0x286: {  	v61 =	vsel vm4, $0x7FFFFFFF, v60  }
0x287: {  	(xrf0) =	vmax.scan.msk.u32 $0xffff, v61;
	_ =	sdelay $0x2  }
0x288: {  	(v2sf) =	vpush v57, $0xF  }
0x289: {  	v62, _, _ =	vpop (xrf0)  }
0x28a: {  	(v2sf) =	vpush v62, $0xF  }
0x28b: {  	v63, _, _ =	vpop (xrf0)  }
0x28c: {  	(v2sf) =	vpush v63, $0xF;
	_ =	sdelay $0x2  }
0x28d: {  	v22 =	vxor.u32 $0x80000000, v22  }
0x28e: {  	(xrf0) =	vmax.scan.msk.u32 $0xffff, v22  }
0x28f: {  	v22 =	vxor.u32 $0x80000000, v23  }
0x290: {  	(xrf0) =	vmax.scan.msk.u32 $0xffff, v22  }
0x291: {  	v22 =	vxor.u32 $0x80000000, v24  }
0x292: {  	(xrf0) =	vmax.scan.msk.u32 $0xffff, v22;
	_ =	sdelay $0x1  }
0x293: {  	v22, _, _ =	vpop (xrf0)  }
0x294: {  	s30 =	spop (v2sf);
	(v2sf) =	vpush v22, $0xF  }
0x295: {  	v23, _, _ =	vpop (xrf0)  }
0x296: {  	s5 =	spop (v2sf);
	(v2sf) =	vpush v23, $0xF  }
0x297: {  	v22, _, _ =	vpop (xrf0)  }
0x298: {  	s10 =	spop (v2sf);
	(v2sf) =	vpush v22, $0xF;
	_ =	sdelay $0x7  }
0x299: {  	s1 =	sxor.u32 $0x80000000, s30  }
0x29a: {  	p2 =	sgt.s32 s31, s1  }
0x29b: {  	s0 =	sadd.s32 s29, s0;
	s1 =	smov.u32 @p2 s31;
	s5 =	sxor.u32 $0x80000000, s5  }
0x29c: {  	s28 =	sadd.s32 s0, s5;
	s10 =	sxor.u32 $0x80000000, s10;
	s5 =	spop (v2sf)  }
.Ltmp15:
0x29d: {  	p2 =	sgt.s32 s1, s10;
	s0 =	sxor.u32 $0x80000000, s5;
	(pc) =	sbr.rel @p1 .LBB2_29-.Ltmp15, $4  }
0x29e: {  	s10 =	smov.u32 @p2 s1;
	s0 =	sshll.u32 s0, s25;
	s29 =	spop (v2sf)  }
0x29f: {  	s21 =	sshra.s32 s10, s21;
	s31 =	sand.u32 s24, s10;
	s1 =	sxor.u32 $0x80000000, s29  }
0x2a0: {  	s22 =	sand.u32 s22, s21;
	s1 =	sshll.u32 s1, s23;
	s30 =	spop (v2sf)  }
0x2a1: {  	s22 =	sor.u32 s0, s22;
	s0 =	sor.u32 s1, s31;
	s21 =	sxor.u32 $0x80000000, s30  }
0x2a2: {  	v22 =	vld [tilespmem:$0x18F0];
	_ =	sdelay $0x2  }
0x2a3: {  	v23 =	vmov s10;
	v24 =	vor.u32 $0x30, v17  }
0x2a4: {  	vm4 =	vlt.s32 v23, v24  }
0x2a5: {  	v22 =	vnsel vm4, $0x0, v22  }
0x2a6: {  	(xrf0) =	vadd.scan.msk.s32 $0xffff, v22;
	_ =	sdelay $0x2  }
0x2a7: {  	v22 =	vld [tilespmem:$0x18E0];
	_ =	sdelay $0x2  }
0x2a8: {  	v25 =	vor.u32 $0x20, v17;
	v60, _, _ =	vpop (xrf0)  }
0x2a9: {  	vm4 =	vlt.s32 v23, v25;
	v24 =	vxor.u32 $0x80000000, v60  }
0x2aa: {  	v22 =	vnsel vm4, $0x0, v22;
	(xrf0) =	vmax.scan.msk.u32 $0xffff, v24  }
0x2ab: {  	(xrf0) =	vadd.scan.msk.s32 $0xffff, v22;
	_ =	sdelay $0x2  }
0x2ac: {  	v22 =	vld [tilespmem:$0x18D0];
	_ =	sdelay $0x1  }
0x2ad: {  	v24, _, _ =	vpop (xrf0)  }
0x2ae: {  	v26 =	vor.u32 $0x10, v17;
	v61, _, _ =	vpop (xrf0)  }
0x2af: {  	vm4 =	vlt.s32 v23, v26;
	v25 =	vxor.u32 $0x80000000, v61  }
0x2b0: {  	v22 =	vnsel vm4, $0x0, v22;
	(xrf0) =	vmax.scan.msk.u32 $0xffff, v25  }
0x2b1: {  	(xrf0) =	vadd.scan.msk.s32 $0xffff, v22;
	_ =	sdelay $0x2  }
0x2b2: {  	v22 =	vld [tilespmem:$0x18C0];
	_ =	sdelay $0x1  }
0x2b3: {  	v25, _, _ =	vpop (xrf0)  }
0x2b4: {  	v62, _, _ =	vpop (xrf0)  }
0x2b5: {  	vm4 =	vlt.s32 v23, v17;
	v23 =	vxor.u32 $0x80000000, v62  }
0x2b6: {  	v22 =	vnsel vm4, $0x0, v22;
	(xrf0) =	vmax.scan.msk.u32 $0xffff, v23  }
0x2b7: {  	(xrf0) =	vadd.scan.msk.s32 $0xffff, v22;
	_ =	sdelay $0x4  }
0x2b8: {  	v22, _, _ =	vpop (xrf0)  }
0x2b9: {  	v23, _, _ =	vpop (xrf0)  }
0x2ba: {  	v23 =	vxor.u32 $0x80000000, v23  }
0x2bb: {  	(xrf0) =	vmax.scan.msk.u32 $0xffff, v23;
	_ =	sdelay $0x3  }
0x2bc: {  	(v2sf) =	vpush v24, $0xF  }
0x2bd: {  	(v2sf) =	vpush v25, $0xF  }
0x2be: {  	(v2sf) =	vpush v22, $0xF;
	v22, _, _ =	vpop (xrf0)  }
0x2bf: {  	(v2sf) =	vpush v22, $0xF;
	_ =	sdelay $0xb  }
0x2c0: {  	s1 =	spop (v2sf)  }
0x2c1: {  	s5 =	spop (v2sf)  }
0x2c2: {  	s30 =	spop (v2sf)  }
0x2c3: {  	s23 =	spop (v2sf)  }
0x2c4: {  	s10 =	sadd.s32 s23, s30  }
0x2c5: {  	s5 =	sadd.s32 s5, s10  }
0x2c6: {  	s21 =	smov.u32 @p0 s28;
	v23 =	vmov s0;
	v22 =	vmov s22;
	s1 =	sadd.s32 s1, s5  }
0x2c7: {  	v63 =	vmov s21;
	v23 =	vnsel vm1, $0x0, v23;
	v22 =	vnsel vm0, $0x0, v22;
	s31 =	ssub.s32 s26, s1  }
0x2c8: {  	v24 =	vnsel vm3, $0x0, v63;
	v22 =	vadd.s32 v23, v22;
	v23 =	vmov s31  }
0x2c9: {  	v22 =	vadd.s32 v24, v22;
	v23 =	vnsel vm2, $0x0, v23  }
0x2ca: {  	v22 =	vadd.s32 v23, v22  }
0x2cb: {  	[tilespmem:$0x1E00] =	vst v22  }
0x2cc: {  	[spmem:s12] =	stream.linear.scatter [tilespmem:s19], [sflag:$0x1], $0x10, $0x38;
	[tilespmem:$0x2F40] =	vst v63  }
0x2cd: {  	_ =	swait.ge [sflag:s17], $0x10  }
0x2ce: {  	[sflag:s17] =	ssyncset.done $0x0  }
0x2cf: {  	[sflag:s17] =	ssyncadd.s32 $0xFFFFFFF0  }
0x2d0: {  	[bflag:$0x0] =	sbarrier.arrive $0xFFFF  }
0x2d1: {  	[tilespmem:s15], [sflag:$0x1] =	stream.linear.gather [spmem:s2], $0x400, $0x38;
	[tilespmem:$0x2F40] =	vst v63  }
.Ltmp16:
0x2d2: {  	_ =	swait.ge [sflag:s17], $0x400;
	(pc) =	sbr.rel .LBB2_4-.Ltmp16, $4  }
0x2d3: {  	[sflag:s17] =	ssyncset.done $0x0  }
0x2d4: {  	[sflag:s17] =	ssyncadd.s32 $0xFFFFFC00  }
0x2d5: {  	[bflag:$0x0] =	sbarrier.arrive $0xFFFF  }
0x2d6: {  	s20 =	sadd.s32 $0x1, s20  }
.LBB2_29:
0x2d7: {  	p0 =	slt.s32 s21, $0x234;
	p1 =	slt.s32 s21, $0x233  }
0x2d8: {  	s21 =	simm.s32 @!p1 $0x233;
	s0 =	simm.s32 @p0 $0x0  }
0x2d9: {  	s22 =	simm.s32 @p0 $0xFFFFFFFF;
	v0 =	vmov s0;
	v1 =	vmov s21  }
0x2da: {  	v2 =	vmov s22;
	v0 =	vnsel vm1, $0x0, v0;
	v1 =	vnsel vm2, $0x0, v1  }
0x2db: {  	v2 =	vnsel vm0, $0x0, v2;
	v0 =	vadd.s32 v1, v0  }
0x2dc: {  	s30 =	simm.s32 $0x0;
	v0 =	vadd.s32 v2, v0  }
0x2dd: {  	s1 =	simm.s32 $0x1E00;
	s2 =	rddreg [dreg:$0x7];
	s31 =	simm.s32 $0x1;
	[tilespmem:$0x1E00] =	vst v0  }
0x2de: {  	[hbm4b:s2+s30] =	stream.linear.scatter [tilespmem:s1], [sflag:$0x1], $0x80, $0x38;
	[tilespmem:$0x2F40] =	vst v63  }
0x2df: {  	_ =	swait.ge [sflag:s31], $0x80  }
0x2e0: {  	[sflag:s31] =	ssyncset.done $0x0  }
0x2e1: {  	[sflag:s31] =	ssyncadd.s32 $0xFFFFFF80  }
0x2e2: {  	[bflag:$0x0] =	sbarrier.arrive $0xFFFF  }
0x2e3: {  	[bflag:$0x0] =	sbarrier.arrive $0xFFFF  }
0x2e4: {  	s1 =	stileid.u32;
	s3 =	rddreg [dreg:$0x5]  }
.LBB2_30:
0x2e5: {  	_ =	sfence.sel $0x180000  }
0x2e6: {  	[bflag:$0x0] =	sbarrier.arrive $0xFFFF  }
0x2e7: {  	p0 =	sne.s32 s1, $0x0;
	_ =	strace $0x90000047  }
0x2e8: {  	s0 =	sadd.s32 @!p0 $0x100000, s3;
	[bflag:$0x2] =	sbarrier.arrive $0xFFFF  }
0x2e9: {  	[sflag:s0] =	ssyncadd.tile.s32 @!p0 $0x1;
	_ =	shalt  }
.Lfunc_end2:
_tile_overlayer_lowered:
.L_overlay_start_2:
0x2ea: {  	(tag) =	ssettag $0x2  }
0x2eb: {  	s0 =	rddreg [dreg:$0x0];
	s2 =	stileid.u32  }
0x2ec: {  	s1 =	rddreg [dreg:$0x1];
	p0 =	sne.s32 s2, $0x0  }
0x2ed: {  	s3 =	rddreg [dreg:$0x2];
	[bflag:$0x3] =	sbarrier.arrive $0xFFFF;
	s2 =	simm.s32 @!p0 $0x1C01  }
0x2ee: {  	[timem:s3], [sflag:s2] =	dma.local @!p0 [hbm:s0], s1  }
0x2ef: {  	s0 =	simm.s32 @!p0 $0x1  }
0x2f0: {  	_ =	swait.ge @!p0 [sflag:s0], s1  }
0x2f1: {  	s1 =	ssub.s32 @!p0 $0x0, s1;
	[sflag:s0] =	ssyncset.done @!p0 $0x0  }
0x2f2: {  	[sflag:s0] =	ssyncadd.s32 @!p0 s1  }
0x2f3: {  	[bflag:$0x3] =	sbarrier.arrive $0xFFFF  }
0x2f4: {  	_ =	shalt  }

</sc_bundles>
